<compile_context>
chip_gen: v7x
topology: tpu7x:2x2x1
jax: 0.10.2.dev20260603
libtpu: 0.0.44.dev20260713+nightly
codegen_flags: <defaults>
</compile_context>

<pallas_src>
import jax
import jax.numpy as jnp
from jax import lax
from jax.experimental import pallas as pl
from jax.experimental.pallas import tpu as pltpu
from jax.experimental.pallas import tpu_sc as plsc

N = 10000
E = 320000
D = 128
DEGW = 128
CHUNK = 128
NC, NS = 2, 16
TILES = NC * NS
CPT = (-(-E // (CHUNK * TILES)) + 7) // 8 * 8
EP = CPT * CHUNK * TILES
NCHUNK = EP // CHUNK
NROW = 10112
RPT = NROW // NS

_MESH = plsc.VectorSubcoreMesh(core_axis_name="c", subcore_axis_name="s")


def _make_deg(degw):
    def _deg_body(dst_hbm, ones_hbm, zeros_hbm, out_hbm, acc, dst_v, ones_v):
        cid = lax.axis_index("c")
        sid = lax.axis_index("s")
        base = (cid * NS + sid) * CPT
        pltpu.sync_copy(zeros_hbm, acc.at[pl.ds(sid * RPT, RPT)])
        pltpu.sync_copy(dst_hbm.at[pl.ds(base, CPT)], dst_v)
        pltpu.sync_copy(ones_hbm, ones_v)
        plsc.subcore_barrier()

        def step(j, carry):
            pltpu.sync_copy(ones_v, acc.at[dst_v.at[j]], add=True)
            return carry

        lax.fori_loop(0, CPT, step, 0)
        plsc.subcore_barrier()
        pltpu.sync_copy(acc.at[pl.ds(sid * RPT, RPT)],
                        out_hbm.at[cid, pl.ds(sid * RPT, RPT)])

    return pl.kernel(
        _deg_body,
        out_type=jax.ShapeDtypeStruct((NC, NROW, degw), jnp.float32),
        mesh=_MESH,
        scratch_types=[
            pltpu.VMEM_SHARED((NROW, degw), jnp.float32),
            pltpu.VMEM((CPT, CHUNK), jnp.int32),
            pltpu.VMEM((CHUNK, degw), jnp.float32),
        ],
    )


_deg = _make_deg(DEGW)


NBUF = 2

H0 = 5000
ACC2 = 5120
SENT = 5056
RPT2 = ACC2 // NS
C2 = 16
NCH2 = EP // C2
CPT2 = NCH2 // NS
PH2 = 16
NPH2 = CPT2 // PH2
PIT2 = PH2 // NBUF


def _spmm_s_body(y_hbm, src_hbm, dst_hbm, zeros_hbm, out_hbm,
                 y_s, acc, src_v, dst_v, b0, b1, g0, g1):
    bufs = (b0, b1)
    gsem = (g0, g1)
    cid = lax.axis_index("c")
    sid = lax.axis_index("s")
    pltpu.sync_copy(zeros_hbm.at[pl.ds(0, RPT2)], acc.at[pl.ds(sid * RPT2, RPT2)])

    @pl.when(sid < 10)
    def _():
        pltpu.sync_copy(y_hbm.at[pl.ds(sid * 1000, 1000)],
                        y_s.at[pl.ds(sid * 1000, 1000)])

    plsc.subcore_barrier()

    def phase(pbase):
        pltpu.sync_copy(src_hbm.at[pl.ds(pbase, PH2)], src_v)
        pltpu.sync_copy(dst_hbm.at[cid, pl.ds(pbase, PH2)], dst_v)
        for k in range(NBUF):
            pltpu.async_copy(y_s.at[src_v.at[k]], bufs[k], gsem[k])

        def step(i, carry):
            for k in range(NBUF):
                j = i * NBUF + k
                pltpu.make_async_copy(y_s.at[src_v.at[j]], bufs[k], gsem[k]).wait()
                pltpu.sync_copy(bufs[k], acc.at[dst_v.at[j]], add=True)
                pltpu.async_copy(y_s.at[src_v.at[j + NBUF]], bufs[k], gsem[k])
            return carry

        lax.fori_loop(0, PIT2 - 1, step, 0)
        for k in range(NBUF):
            j = (PIT2 - 1) * NBUF + k
            pltpu.make_async_copy(y_s.at[src_v.at[j]], bufs[k], gsem[k]).wait()
            pltpu.sync_copy(bufs[k], acc.at[dst_v.at[j]], add=True)

    def ploop(p, carry):
        phase(sid * CPT2 + p * PH2)
        return carry

    lax.fori_loop(0, NPH2, ploop, 0)

    plsc.subcore_barrier()
    pltpu.sync_copy(acc.at[pl.ds(sid * RPT2, RPT2)],
                    out_hbm.at[cid, pl.ds(sid * RPT2, RPT2)])


_spmm_s = pl.kernel(
    _spmm_s_body,
    out_type=jax.ShapeDtypeStruct((NC, ACC2, D), jnp.float32),
    mesh=_MESH,
    scratch_types=[
        pltpu.VMEM_SHARED((N, D), jnp.float32),
        pltpu.VMEM_SHARED((ACC2, D), jnp.float32),
        pltpu.VMEM((PH2, C2), jnp.int32),
        pltpu.VMEM((PH2, C2), jnp.int32),
        pltpu.VMEM((C2, D), jnp.float32),
        pltpu.VMEM((C2, D), jnp.float32),
        pltpu.SemaphoreType.DMA,
        pltpu.SemaphoreType.DMA,
    ],
)

R = 1000


def _dinv(deg_ref):
    d = deg_ref[0][:, :1] + deg_ref[1][:, :1] + 1.0
    return lax.rsqrt(d)


def _prep1_body(x_ref, w_ref, deg_ref, ya_ref):
    h = lax.dot_general(x_ref[...], w_ref[...], (((1,), (1,)), ((), ())),
                        preferred_element_type=jnp.float32)
    ya_ref[...] = h * _dinv(deg_ref)


def _prep2_body(s_ref, y_ref, deg_ref, b_ref, w_ref, ya_ref):
    dinv = _dinv(deg_ref)
    t = dinv * (s_ref[0] + y_ref[...]) + b_ref[...]
    z = jnp.maximum(t, 0.0)
    h = lax.dot_general(z, w_ref[...], (((1,), (1,)), ((), ())),
                        preferred_element_type=jnp.float32)
    ya_ref[...] = h * dinv


def _final_body(s_ref, y_ref, deg_ref, bmu_ref, blv_ref, mu_ref, lv_ref):
    o = _dinv(deg_ref) * (s_ref[0] + y_ref[...])
    mu_ref[...] = o[:, :64] + bmu_ref[...]
    lv_ref[...] = o[:, 64:] + blv_ref[...]


_prep1 = pl.pallas_call(
    _prep1_body,
    grid=(N // R,),
    in_specs=[
        pl.BlockSpec((R, D), lambda i: (i, 0)),
        pl.BlockSpec((D, D), lambda i: (0, 0)),
        pl.BlockSpec((2, R, DEGW), lambda i: (0, i, 0)),
    ],
    out_specs=pl.BlockSpec((R, D), lambda i: (i, 0)),
    out_shape=jax.ShapeDtypeStruct((N, D), jnp.float32),
)

_prep2 = pl.pallas_call(
    _prep2_body,
    grid=(N // R,),
    in_specs=[
        pl.BlockSpec((1, R, D), lambda i: (i // 5, i % 5, 0)),
        pl.BlockSpec((R, D), lambda i: (i, 0)),
        pl.BlockSpec((2, R, DEGW), lambda i: (0, i, 0)),
        pl.BlockSpec((1, D), lambda i: (0, 0)),
        pl.BlockSpec((D, D), lambda i: (0, 0)),
    ],
    out_specs=pl.BlockSpec((R, D), lambda i: (i, 0)),
    out_shape=jax.ShapeDtypeStruct((N, D), jnp.float32),
)

_final = pl.pallas_call(
    _final_body,
    grid=(N // R,),
    in_specs=[
        pl.BlockSpec((1, R, D), lambda i: (i // 5, i % 5, 0)),
        pl.BlockSpec((R, D), lambda i: (i, 0)),
        pl.BlockSpec((2, R, DEGW), lambda i: (0, i, 0)),
        pl.BlockSpec((1, 64), lambda i: (0, 0)),
        pl.BlockSpec((1, 64), lambda i: (0, 0)),
    ],
    out_specs=[
        pl.BlockSpec((R, 64), lambda i: (i, 0)),
        pl.BlockSpec((R, 64), lambda i: (i, 0)),
    ],
    out_shape=[
        jax.ShapeDtypeStruct((N, 64), jnp.float32),
        jax.ShapeDtypeStruct((N, 64), jnp.float32),
    ],
)


def kernel(x, edge_index, W1, b1, Wmu, bmu, Wlv, blv):
    src = edge_index[0]
    dst = edge_index[1]
    pad = EP - E
    srcp = jnp.concatenate([src, jnp.zeros((pad,), jnp.int32)])
    dstp = jnp.concatenate([dst, jnp.full((pad,), N, jnp.int32)])
    dst_deg = dstp.reshape(NCHUNK, CHUNK)
    src16 = srcp.reshape(NCH2, C2)
    d0 = jnp.where(dstp < H0, dstp, SENT).reshape(NCH2, C2)
    d1 = jnp.where(dstp >= H0, dstp - H0, SENT).reshape(NCH2, C2)
    dstc = jnp.stack([d0, d1])
    zeros_d = jnp.zeros((RPT, D), jnp.float32)
    ones_w = jnp.ones((CHUNK, DEGW), jnp.float32)

    degp = _deg(dst_deg, ones_w, zeros_d)[:, :N]
    y1 = _prep1(x, W1, degp)
    s1 = _spmm_s(y1, src16, dstc, zeros_d)
    Wcat = jnp.concatenate([Wmu, Wlv], axis=0)
    y2 = _prep2(s1, y1, degp, b1.reshape(1, D), Wcat)
    s2 = _spmm_s(y2, src16, dstc, zeros_d)
    mu, lv = _final(s2, y2, degp, bmu.reshape(1, 64), blv.reshape(1, 64))
    return mu, lv

# --- scband reference (transcript-rebuilt; emitter-appended) ---
"""Pipeline reference for scband-encoder-13511967113592 (READ-ONLY COPY).

The authoritative reference and input builder live on the scoring server;
editing this copy changes nothing except your own understanding.
"""

import jax, jax.numpy as jnp
import numpy as np

N = 10000
E = 320000
D_IN = 128
H = 128   # latent_dim * 2
L = 64    # latent_dim


def _glorot(key, shape):
    fan_out, fan_in = shape
    s = float(np.sqrt(6.0 / (fan_in + fan_out)))
    return jax.random.uniform(key, shape, minval=-s, maxval=s, dtype=jnp.float32)


def setup_inputs(seed: int = 0) -> dict:
    key = jax.random.key(seed)
    ks = jax.random.split(key, 8)
    x = jax.random.normal(ks[0], (N, D_IN), dtype=jnp.float32)
    edge_index = jax.random.randint(ks[1], (2, E), 0, N, dtype=jnp.int32)
    W1 = _glorot(ks[2], (H, D_IN))
    b1 = jnp.zeros((H,), dtype=jnp.float32)
    Wmu = _glorot(ks[3], (L, H))
    bmu = jnp.zeros((L,), dtype=jnp.float32)
    Wlv = _glorot(ks[4], (L, H))
    blv = jnp.zeros((L,), dtype=jnp.float32)
    return {"x": x, "edge_index": edge_index, "W1": W1, "b1": b1,
            "Wmu": Wmu, "bmu": bmu, "Wlv": Wlv, "blv": blv}


def gcn_conv(x, edge_index, W, b):
    # PyG GCNConv: add self loops, sym-normalize, x' = lin(x), scatter-add, + bias
    n = x.shape[0]
    src = edge_index[0]
    dst = edge_index[1]
    loop = jnp.arange(n, dtype=src.dtype)
    src = jnp.concatenate([src, loop])
    dst = jnp.concatenate([dst, loop])
    deg = jnp.zeros((n,), dtype=x.dtype).at[dst].add(1.0)
    dinv = jnp.where(deg > 0, jax.lax.rsqrt(jnp.maximum(deg, 1e-12)), 0.0)
    norm = dinv[src] * dinv[dst]
    h = x @ W.T
    msg = jnp.take(h, src, axis=0) * norm[:, None]
    out = jax.ops.segment_sum(msg, dst, num_segments=n)
    return out + b


def reference(x, edge_index, W1, b1, Wmu, bmu, Wlv, blv):
    z = jax.nn.relu(gcn_conv(x, edge_index, W1, b1))
    # nn.Dropout is identity at inference time
    mu = gcn_conv(z, edge_index, Wmu, bmu)
    logvar = gcn_conv(z, edge_index, Wlv, blv)
    return (mu, logvar)

if __name__ == "__main__":
    import jax
    _d = setup_inputs()
    print(jax.jit(kernel)(*tuple(_d.values())))

</pallas_src>

<mosaic_0001>
#map = affine_map<(d0, d1) -> (0, 0)>
#map1 = affine_map<(d0, d1) -> (0, 0, 0)>
module attributes {stable_mosaic.version = 14 : i64} {
  func.func @_deg_body(%arg0: i32, %arg1: i32, %arg2: memref<2560x128xi32, #tpu.memory_space<hbm>>, %arg3: memref<128x128xf32, #tpu.memory_space<hbm>>, %arg4: memref<632x128xf32, #tpu.memory_space<hbm>>, %arg5: memref<2x10112x128xf32, #tpu.memory_space<hbm>>, %arg6: memref<10112x128xf32, #tpu.memory_space<vmem_shared>>, %arg7: memref<80x128xi32, #tpu.memory_space<vmem>>, %arg8: memref<128x128xf32, #tpu.memory_space<vmem>>) attributes {dimension_semantics = [#tpu.dimension_semantics<core_parallel>, #tpu.dimension_semantics<subcore_parallel>], iteration_bounds = array<i64: 2, 16>, scalar_prefetch = 0 : i64, scratch_operands = 3 : i64, tpu.core_type = #tpu.core_type<sc_vector_subcore>, window_params = [{transform_indices = #map}, {transform_indices = #map}, {transform_indices = #map}, {transform_indices = #map1}]} {
    %mul3A = arith.constant 16 : i32
    %mul3A_0 = arith.muli %arg0, %mul3A : i32
    %add3A = arith.addi %mul3A_0, %arg1 : i32
    %mul3A_1 = arith.constant 80 : i32
    %mul3A_2 = arith.muli %add3A, %mul3A_1 : i32
    %mul3A_3 = arith.constant 632 : i32
    %mul3A_4 = arith.muli %arg1, %mul3A_3 : i32
    "tpu.region"() ({
      %run_scoped3A = tpu.sem_alloc : memref<!tpu.dma_semaphore, #tpu.memory_space<semaphore_mem>>
      %dma_start3A = arith.constant 0 : i32
      %dma_start3A_15 = tpu.memref_slice %arg6[%mul3A_4, %dma_start3A] : memref<10112x128xf32, #tpu.memory_space<vmem_shared>> -> memref<632x128xf32, #tpu.memory_space<vmem_shared>>
      tpu.enqueue_dma source(%arg4 : memref<632x128xf32, #tpu.memory_space<hbm>>) target(%dma_start3A_15 : memref<632x128xf32, #tpu.memory_space<vmem_shared>>) target_semaphore(%run_scoped3A : memref<!tpu.dma_semaphore, #tpu.memory_space<semaphore_mem>>)
      %dma_wait3A = arith.constant 0 : i32
      %dma_wait3A_16 = tpu.memref_slice %arg6[%mul3A_4, %dma_wait3A] : memref<10112x128xf32, #tpu.memory_space<vmem_shared>> -> memref<632x128xf32, #tpu.memory_space<vmem_shared>>
      tpu.wait_dma2 semaphore(%run_scoped3A : memref<!tpu.dma_semaphore, #tpu.memory_space<semaphore_mem>>) src(%arg4 : memref<632x128xf32, #tpu.memory_space<hbm>>) dst(%dma_wait3A_16 : memref<632x128xf32, #tpu.memory_space<vmem_shared>>)
      tpu.yield
    }) : () -> ()
    "tpu.region"() ({
      %run_scoped3A = tpu.sem_alloc : memref<!tpu.dma_semaphore, #tpu.memory_space<semaphore_mem>>
      %dma_start3A = arith.constant 0 : i32
      %dma_start3A_15 = tpu.memref_slice %arg2[%mul3A_2, %dma_start3A] : memref<2560x128xi32, #tpu.memory_space<hbm>> -> memref<80x128xi32, #tpu.memory_space<hbm>>
      %dma_start3A_16 = arith.constant 0 : i32
      %dma_start3A_17 = tpu.memref_slice %arg2[%mul3A_2, %dma_start3A_16] : memref<2560x128xi32, #tpu.memory_space<hbm>> -> memref<80x128xi32, #tpu.memory_space<hbm>>
      tpu.enqueue_dma source(%dma_start3A_17 : memref<80x128xi32, #tpu.memory_space<hbm>>) target(%arg7 : memref<80x128xi32, #tpu.memory_space<vmem>>) target_semaphore(%run_scoped3A : memref<!tpu.dma_semaphore, #tpu.memory_space<semaphore_mem>>)
      %dma_wait3A = arith.constant 0 : i32
      %dma_wait3A_18 = tpu.memref_slice %arg2[%mul3A_2, %dma_wait3A] : memref<2560x128xi32, #tpu.memory_space<hbm>> -> memref<80x128xi32, #tpu.memory_space<hbm>>
      %dma_wait3A_19 = arith.constant 0 : i32
      %dma_wait3A_20 = tpu.memref_slice %arg2[%mul3A_2, %dma_wait3A_19] : memref<2560x128xi32, #tpu.memory_space<hbm>> -> memref<80x128xi32, #tpu.memory_space<hbm>>
      tpu.wait_dma2 semaphore(%run_scoped3A : memref<!tpu.dma_semaphore, #tpu.memory_space<semaphore_mem>>) src(%dma_wait3A_20 : memref<80x128xi32, #tpu.memory_space<hbm>>) dst(%arg7 : memref<80x128xi32, #tpu.memory_space<vmem>>)
      tpu.yield
    }) : () -> ()
    "tpu.region"() ({
      %run_scoped3A = tpu.sem_alloc : memref<!tpu.dma_semaphore, #tpu.memory_space<semaphore_mem>>
      tpu.enqueue_dma source(%arg3 : memref<128x128xf32, #tpu.memory_space<hbm>>) target(%arg8 : memref<128x128xf32, #tpu.memory_space<vmem>>) target_semaphore(%run_scoped3A : memref<!tpu.dma_semaphore, #tpu.memory_space<semaphore_mem>>)
      tpu.wait_dma2 semaphore(%run_scoped3A : memref<!tpu.dma_semaphore, #tpu.memory_space<semaphore_mem>>) src(%arg3 : memref<128x128xf32, #tpu.memory_space<hbm>>) dst(%arg8 : memref<128x128xf32, #tpu.memory_space<vmem>>)
      tpu.yield
    }) : () -> ()
    %barrier3A = arith.constant 0 : index
    tpu.barrier barrier_id(%barrier3A)
    %scan3A = arith.constant 0 : i32
    %scan3A_5 = arith.constant 0 : i32
    %scan3A_6 = arith.constant 80 : i32
    %scan3A_7 = arith.addi %scan3A_5, %scan3A_6 : i32
    %scan3A_8 = arith.constant 1 : i32
    scf.for %scan3A_15 = %scan3A_5 to %scan3A_7 step %scan3A_8  : i32 {
      "tpu.region"() ({
        %run_scoped3A = tpu.sem_alloc : memref<!tpu.dma_semaphore, #tpu.memory_space<semaphore_mem>>
        %dma_start3A = arith.constant 0 : i32
        %dma_start3A_16 = tpu.memref_slice %arg7[%scan3A_15, %dma_start3A] : memref<80x128xi32, #tpu.memory_space<vmem>> -> memref<1x128xi32, #tpu.memory_space<vmem>>
        %dma_start3A_17 = tpu.memref_squeeze %dma_start3A_16 : memref<1x128xi32, #tpu.memory_space<vmem>> -> memref<128xi32, #tpu.memory_space<vmem>>
        %dma_start3A_18 = arith.constant 0 : i32
        %dma_start3A_19 = arith.constant 0 : i32
        %dma_start3A_20 = tpu.memref_slice %arg6[%dma_start3A_18, %dma_start3A_19] : memref<10112x128xf32, #tpu.memory_space<vmem_shared>> -> memref<10112x128xf32, #tpu.memory_space<vmem_shared>>
        tpu.enqueue_indirect_dma source(%arg8 : memref<128x128xf32, #tpu.memory_space<vmem>>) target(%dma_start3A_20 : memref<10112x128xf32, #tpu.memory_space<vmem_shared>>) offsets(%dma_start3A_17 : memref<128xi32, #tpu.memory_space<vmem>>) semaphore(%run_scoped3A : memref<!tpu.dma_semaphore, #tpu.memory_space<semaphore_mem>>) {add = true}
        %dma_wait3A = arith.constant 0 : i32
        %dma_wait3A_21 = tpu.memref_slice %arg7[%scan3A_15, %dma_wait3A] : memref<80x128xi32, #tpu.memory_space<vmem>> -> memref<1x128xi32, #tpu.memory_space<vmem>>
        %dma_wait3A_22 = tpu.memref_squeeze %dma_wait3A_21 : memref<1x128xi32, #tpu.memory_space<vmem>> -> memref<128xi32, #tpu.memory_space<vmem>>
        %dma_wait3A_23 = arith.constant 0 : i32
        %dma_wait3A_24 = arith.constant 0 : i32
        %dma_wait3A_25 = tpu.memref_slice %arg6[%dma_wait3A_23, %dma_wait3A_24] : memref<10112x128xf32, #tpu.memory_space<vmem_shared>> -> memref<10112x128xf32, #tpu.memory_space<vmem_shared>>
        tpu.wait_indirect_dma semaphore(%run_scoped3A : memref<!tpu.dma_semaphore, #tpu.memory_space<semaphore_mem>>) src(%arg8 : memref<128x128xf32, #tpu.memory_space<vmem>>) dst(%dma_wait3A_25 : memref<10112x128xf32, #tpu.memory_space<vmem_shared>>)
        tpu.yield
      }) : () -> ()
    }
    %scan3A_9 = arith.constant 80 : i32
    %barrier3A_10 = arith.constant 0 : index
    tpu.barrier barrier_id(%barrier3A_10)
    %mul3A_11 = arith.constant 632 : i32
    %mul3A_12 = arith.muli %arg1, %mul3A_11 : i32
    %mul3A_13 = arith.constant 632 : i32
    %mul3A_14 = arith.muli %arg1, %mul3A_13 : i32
    "tpu.region"() ({
      %run_scoped3A = tpu.sem_alloc : memref<!tpu.dma_semaphore, #tpu.memory_space<semaphore_mem>>
      %dma_start3A = arith.constant 0 : i32
      %dma_start3A_15 = tpu.memref_slice %arg5[%arg0, %mul3A_14, %dma_start3A] : memref<2x10112x128xf32, #tpu.memory_space<hbm>> -> memref<1x632x128xf32, #tpu.memory_space<hbm>>
      %dma_start3A_16 = tpu.memref_squeeze %dma_start3A_15 : memref<1x632x128xf32, #tpu.memory_space<hbm>> -> memref<632x128xf32, #tpu.memory_space<hbm>>
      %dma_start3A_17 = arith.constant 0 : i32
      %dma_start3A_18 = tpu.memref_slice %arg6[%mul3A_12, %dma_start3A_17] : memref<10112x128xf32, #tpu.memory_space<vmem_shared>> -> memref<632x128xf32, #tpu.memory_space<vmem_shared>>
      tpu.enqueue_dma source(%dma_start3A_18 : memref<632x128xf32, #tpu.memory_space<vmem_shared>>) target(%dma_start3A_16 : memref<632x128xf32, #tpu.memory_space<hbm>>) target_semaphore(%run_scoped3A : memref<!tpu.dma_semaphore, #tpu.memory_space<semaphore_mem>>)
      %dma_wait3A = arith.constant 0 : i32
      %dma_wait3A_19 = tpu.memref_slice %arg5[%arg0, %mul3A_14, %dma_wait3A] : memref<2x10112x128xf32, #tpu.memory_space<hbm>> -> memref<1x632x128xf32, #tpu.memory_space<hbm>>
      %dma_wait3A_20 = tpu.memref_squeeze %dma_wait3A_19 : memref<1x632x128xf32, #tpu.memory_space<hbm>> -> memref<632x128xf32, #tpu.memory_space<hbm>>
      %dma_wait3A_21 = arith.constant 0 : i32
      %dma_wait3A_22 = tpu.memref_slice %arg6[%mul3A_12, %dma_wait3A_21] : memref<10112x128xf32, #tpu.memory_space<vmem_shared>> -> memref<632x128xf32, #tpu.memory_space<vmem_shared>>
      tpu.wait_dma2 semaphore(%run_scoped3A : memref<!tpu.dma_semaphore, #tpu.memory_space<semaphore_mem>>) src(%dma_wait3A_22 : memref<632x128xf32, #tpu.memory_space<vmem_shared>>) dst(%dma_wait3A_20 : memref<632x128xf32, #tpu.memory_space<hbm>>)
      tpu.yield
    }) : () -> ()
    return
  }
}

#map = affine_map<(d0, d1) -> (0, 0)>
#map1 = affine_map<(d0, d1) -> (0, 0, 0)>
module attributes {stable_mosaic.version = 14 : i64} {
  func.func @_spmm_s_body(%arg0: i32, %arg1: i32, %arg2: memref<10000x128xf32, #tpu.memory_space<hbm>>, %arg3: memref<20480x16xi32, #tpu.memory_space<hbm>>, %arg4: memref<2x20480x16xi32, #tpu.memory_space<hbm>>, %arg5: memref<632x128xf32, #tpu.memory_space<hbm>>, %arg6: memref<2x5120x128xf32, #tpu.memory_space<hbm>>, %arg7: memref<10000x128xf32, #tpu.memory_space<vmem_shared>>, %arg8: memref<5120x128xf32, #tpu.memory_space<vmem_shared>>, %arg9: memref<16x16xi32, #tpu.memory_space<vmem>>, %arg10: memref<16x16xi32, #tpu.memory_space<vmem>>, %arg11: memref<16x128xf32, #tpu.memory_space<vmem>>, %arg12: memref<16x128xf32, #tpu.memory_space<vmem>>, %arg13: memref<!tpu.dma_semaphore, #tpu.memory_space<semaphore_mem>>, %arg14: memref<!tpu.dma_semaphore, #tpu.memory_space<semaphore_mem>>) attributes {dimension_semantics = [#tpu.dimension_semantics<core_parallel>, #tpu.dimension_semantics<subcore_parallel>], iteration_bounds = array<i64: 2, 16>, scalar_prefetch = 0 : i64, scratch_operands = 8 : i64, tpu.core_type = #tpu.core_type<sc_vector_subcore>, window_params = [{transform_indices = #map}, {transform_indices = #map}, {transform_indices = #map1}, {transform_indices = #map}, {transform_indices = #map1}]} {
    %mul3A = arith.constant 320 : i32
    %mul3A_0 = arith.muli %arg1, %mul3A : i32
    "tpu.region"() ({
      %run_scoped3A = tpu.sem_alloc : memref<!tpu.dma_semaphore, #tpu.memory_space<semaphore_mem>>
      %dma_start3A = arith.constant 0 : i32
      %dma_start3A_13 = tpu.memref_slice %arg8[%mul3A_0, %dma_start3A] : memref<5120x128xf32, #tpu.memory_space<vmem_shared>> -> memref<320x128xf32, #tpu.memory_space<vmem_shared>>
      %dma_start3A_14 = arith.constant 0 : i32
      %dma_start3A_15 = arith.constant 0 : i32
      %dma_start3A_16 = tpu.memref_slice %arg5[%dma_start3A_14, %dma_start3A_15] : memref<632x128xf32, #tpu.memory_space<hbm>> -> memref<320x128xf32, #tpu.memory_space<hbm>>
      tpu.enqueue_dma source(%dma_start3A_16 : memref<320x128xf32, #tpu.memory_space<hbm>>) target(%dma_start3A_13 : memref<320x128xf32, #tpu.memory_space<vmem_shared>>) target_semaphore(%run_scoped3A : memref<!tpu.dma_semaphore, #tpu.memory_space<semaphore_mem>>)
      %dma_wait3A = arith.constant 0 : i32
      %dma_wait3A_17 = tpu.memref_slice %arg8[%mul3A_0, %dma_wait3A] : memref<5120x128xf32, #tpu.memory_space<vmem_shared>> -> memref<320x128xf32, #tpu.memory_space<vmem_shared>>
      %dma_wait3A_18 = arith.constant 0 : i32
      %dma_wait3A_19 = arith.constant 0 : i32
      %dma_wait3A_20 = tpu.memref_slice %arg5[%dma_wait3A_18, %dma_wait3A_19] : memref<632x128xf32, #tpu.memory_space<hbm>> -> memref<320x128xf32, #tpu.memory_space<hbm>>
      tpu.wait_dma2 semaphore(%run_scoped3A : memref<!tpu.dma_semaphore, #tpu.memory_space<semaphore_mem>>) src(%dma_wait3A_20 : memref<320x128xf32, #tpu.memory_space<hbm>>) dst(%dma_wait3A_17 : memref<320x128xf32, #tpu.memory_space<vmem_shared>>)
      tpu.yield
    }) : () -> ()
    %lt3A = arith.constant 10 : i32
    %lt3A_1 = arith.cmpi slt, %arg1, %lt3A : i32
    %convert_element_type3A = arith.extui %lt3A_1 : i1 to i32
    %cond3A = arith.constant 0 : i32
    %cond3A_2 = arith.cmpi ne, %convert_element_type3A, %cond3A : i32
    scf.if %cond3A_2 {
      %mul3A_13 = arith.constant 1000 : i32
      %mul3A_14 = arith.muli %arg1, %mul3A_13 : i32
      %mul3A_15 = arith.constant 1000 : i32
      %mul3A_16 = arith.muli %arg1, %mul3A_15 : i32
      "tpu.region"() ({
        %run_scoped3A = tpu.sem_alloc : memref<!tpu.dma_semaphore, #tpu.memory_space<semaphore_mem>>
        %dma_start3A = arith.constant 0 : i32
        %dma_start3A_17 = tpu.memref_slice %arg7[%mul3A_16, %dma_start3A] : memref<10000x128xf32, #tpu.memory_space<vmem_shared>> -> memref<1000x128xf32, #tpu.memory_space<vmem_shared>>
        %dma_start3A_18 = arith.constant 0 : i32
        %dma_start3A_19 = tpu.memref_slice %arg2[%mul3A_14, %dma_start3A_18] : memref<10000x128xf32, #tpu.memory_space<hbm>> -> memref<1000x128xf32, #tpu.memory_space<hbm>>
        tpu.enqueue_dma source(%dma_start3A_19 : memref<1000x128xf32, #tpu.memory_space<hbm>>) target(%dma_start3A_17 : memref<1000x128xf32, #tpu.memory_space<vmem_shared>>) target_semaphore(%run_scoped3A : memref<!tpu.dma_semaphore, #tpu.memory_space<semaphore_mem>>)
        %dma_wait3A = arith.constant 0 : i32
        %dma_wait3A_20 = tpu.memref_slice %arg7[%mul3A_16, %dma_wait3A] : memref<10000x128xf32, #tpu.memory_space<vmem_shared>> -> memref<1000x128xf32, #tpu.memory_space<vmem_shared>>
        %dma_wait3A_21 = arith.constant 0 : i32
        %dma_wait3A_22 = tpu.memref_slice %arg2[%mul3A_14, %dma_wait3A_21] : memref<10000x128xf32, #tpu.memory_space<hbm>> -> memref<1000x128xf32, #tpu.memory_space<hbm>>
        tpu.wait_dma2 semaphore(%run_scoped3A : memref<!tpu.dma_semaphore, #tpu.memory_space<semaphore_mem>>) src(%dma_wait3A_22 : memref<1000x128xf32, #tpu.memory_space<hbm>>) dst(%dma_wait3A_20 : memref<1000x128xf32, #tpu.memory_space<vmem_shared>>)
        tpu.yield
      }) : () -> ()
    } else {
    }
    %barrier3A = arith.constant 0 : index
    tpu.barrier barrier_id(%barrier3A)
    %scan3A = arith.constant 0 : i32
    %scan3A_3 = arith.constant 0 : i32
    %scan3A_4 = arith.constant 80 : i32
    %scan3A_5 = arith.addi %scan3A_3, %scan3A_4 : i32
    %scan3A_6 = arith.constant 1 : i32
    scf.for %scan3A_13 = %scan3A_3 to %scan3A_5 step %scan3A_6  : i32 {
      %mul3A_14 = arith.constant 1280 : i32
      %mul3A_15 = arith.muli %arg1, %mul3A_14 : i32
      %mul3A_16 = arith.constant 16 : i32
      %mul3A_17 = arith.muli %scan3A_13, %mul3A_16 : i32
      %add3A = arith.addi %mul3A_15, %mul3A_17 : i32
      "tpu.region"() ({
        %run_scoped3A_51 = tpu.sem_alloc : memref<!tpu.dma_semaphore, #tpu.memory_space<semaphore_mem>>
        %dma_start3A_52 = arith.constant 0 : i32
        %dma_start3A_53 = tpu.memref_slice %arg3[%add3A, %dma_start3A_52] : memref<20480x16xi32, #tpu.memory_space<hbm>> -> memref<16x16xi32, #tpu.memory_space<hbm>>
        %dma_start3A_54 = arith.constant 0 : i32
        %dma_start3A_55 = tpu.memref_slice %arg3[%add3A, %dma_start3A_54] : memref<20480x16xi32, #tpu.memory_space<hbm>> -> memref<16x16xi32, #tpu.memory_space<hbm>>
        tpu.enqueue_dma source(%dma_start3A_55 : memref<16x16xi32, #tpu.memory_space<hbm>>) target(%arg9 : memref<16x16xi32, #tpu.memory_space<vmem>>) target_semaphore(%run_scoped3A_51 : memref<!tpu.dma_semaphore, #tpu.memory_space<semaphore_mem>>)
        %dma_wait3A_56 = arith.constant 0 : i32
        %dma_wait3A_57 = tpu.memref_slice %arg3[%add3A, %dma_wait3A_56] : memref<20480x16xi32, #tpu.memory_space<hbm>> -> memref<16x16xi32, #tpu.memory_space<hbm>>
        %dma_wait3A_58 = arith.constant 0 : i32
        %dma_wait3A_59 = tpu.memref_slice %arg3[%add3A, %dma_wait3A_58] : memref<20480x16xi32, #tpu.memory_space<hbm>> -> memref<16x16xi32, #tpu.memory_space<hbm>>
        tpu.wait_dma2 semaphore(%run_scoped3A_51 : memref<!tpu.dma_semaphore, #tpu.memory_space<semaphore_mem>>) src(%dma_wait3A_59 : memref<16x16xi32, #tpu.memory_space<hbm>>) dst(%arg9 : memref<16x16xi32, #tpu.memory_space<vmem>>)
        tpu.yield
      }) : () -> ()
      "tpu.region"() ({
        %run_scoped3A_51 = tpu.sem_alloc : memref<!tpu.dma_semaphore, #tpu.memory_space<semaphore_mem>>
        %dma_start3A_52 = arith.constant 0 : i32
        %dma_start3A_53 = tpu.memref_slice %arg4[%arg0, %add3A, %dma_start3A_52] : memref<2x20480x16xi32, #tpu.memory_space<hbm>> -> memref<1x16x16xi32, #tpu.memory_space<hbm>>
        %dma_start3A_54 = tpu.memref_squeeze %dma_start3A_53 : memref<1x16x16xi32, #tpu.memory_space<hbm>> -> memref<16x16xi32, #tpu.memory_space<hbm>>
        %dma_start3A_55 = arith.constant 0 : i32
        %dma_start3A_56 = tpu.memref_slice %arg4[%arg0, %add3A, %dma_start3A_55] : memref<2x20480x16xi32, #tpu.memory_space<hbm>> -> memref<1x16x16xi32, #tpu.memory_space<hbm>>
        %dma_start3A_57 = tpu.memref_squeeze %dma_start3A_56 : memref<1x16x16xi32, #tpu.memory_space<hbm>> -> memref<16x16xi32, #tpu.memory_space<hbm>>
        tpu.enqueue_dma source(%dma_start3A_57 : memref<16x16xi32, #tpu.memory_space<hbm>>) target(%arg10 : memref<16x16xi32, #tpu.memory_space<vmem>>) target_semaphore(%run_scoped3A_51 : memref<!tpu.dma_semaphore, #tpu.memory_space<semaphore_mem>>)
        %dma_wait3A_58 = arith.constant 0 : i32
        %dma_wait3A_59 = tpu.memref_slice %arg4[%arg0, %add3A, %dma_wait3A_58] : memref<2x20480x16xi32, #tpu.memory_space<hbm>> -> memref<1x16x16xi32, #tpu.memory_space<hbm>>
        %dma_wait3A_60 = tpu.memref_squeeze %dma_wait3A_59 : memref<1x16x16xi32, #tpu.memory_space<hbm>> -> memref<16x16xi32, #tpu.memory_space<hbm>>
        %dma_wait3A_61 = arith.constant 0 : i32
        %dma_wait3A_62 = tpu.memref_slice %arg4[%arg0, %add3A, %dma_wait3A_61] : memref<2x20480x16xi32, #tpu.memory_space<hbm>> -> memref<1x16x16xi32, #tpu.memory_space<hbm>>
        %dma_wait3A_63 = tpu.memref_squeeze %dma_wait3A_62 : memref<1x16x16xi32, #tpu.memory_space<hbm>> -> memref<16x16xi32, #tpu.memory_space<hbm>>
        tpu.wait_dma2 semaphore(%run_scoped3A_51 : memref<!tpu.dma_semaphore, #tpu.memory_space<semaphore_mem>>) src(%dma_wait3A_63 : memref<16x16xi32, #tpu.memory_space<hbm>>) dst(%arg10 : memref<16x16xi32, #tpu.memory_space<vmem>>)
        tpu.yield
      }) : () -> ()
      %dma_start3A = arith.constant 0 : i32
      %dma_start3A_18 = arith.constant 0 : i32
      %dma_start3A_19 = tpu.memref_slice %arg9[%dma_start3A, %dma_start3A_18] : memref<16x16xi32, #tpu.memory_space<vmem>> -> memref<1x16xi32, #tpu.memory_space<vmem>>
      %dma_start3A_20 = tpu.memref_squeeze %dma_start3A_19 : memref<1x16xi32, #tpu.memory_space<vmem>> -> memref<16xi32, #tpu.memory_space<vmem>>
      %dma_start3A_21 = arith.constant 0 : i32
      %dma_start3A_22 = arith.constant 0 : i32
      %dma_start3A_23 = tpu.memref_slice %arg7[%dma_start3A_21, %dma_start3A_22] : memref<10000x128xf32, #tpu.memory_space<vmem_shared>> -> memref<10000x128xf32, #tpu.memory_space<vmem_shared>>
      tpu.enqueue_indirect_dma source(%dma_start3A_23 : memref<10000x128xf32, #tpu.memory_space<vmem_shared>>) target(%arg11 : memref<16x128xf32, #tpu.memory_space<vmem>>) offsets(%dma_start3A_20 : memref<16xi32, #tpu.memory_space<vmem>>) semaphore(%arg13 : memref<!tpu.dma_semaphore, #tpu.memory_space<semaphore_mem>>)
      %dma_start3A_24 = arith.constant 1 : i32
      %dma_start3A_25 = arith.constant 0 : i32
      %dma_start3A_26 = tpu.memref_slice %arg9[%dma_start3A_24, %dma_start3A_25] : memref<16x16xi32, #tpu.memory_space<vmem>> -> memref<1x16xi32, #tpu.memory_space<vmem>>
      %dma_start3A_27 = tpu.memref_squeeze %dma_start3A_26 : memref<1x16xi32, #tpu.memory_space<vmem>> -> memref<16xi32, #tpu.memory_space<vmem>>
      %dma_start3A_28 = arith.constant 0 : i32
      %dma_start3A_29 = arith.constant 0 : i32
      %dma_start3A_30 = tpu.memref_slice %arg7[%dma_start3A_28, %dma_start3A_29] : memref<10000x128xf32, #tpu.memory_space<vmem_shared>> -> memref<10000x128xf32, #tpu.memory_space<vmem_shared>>
      tpu.enqueue_indirect_dma source(%dma_start3A_30 : memref<10000x128xf32, #tpu.memory_space<vmem_shared>>) target(%arg12 : memref<16x128xf32, #tpu.memory_space<vmem>>) offsets(%dma_start3A_27 : memref<16xi32, #tpu.memory_space<vmem>>) semaphore(%arg14 : memref<!tpu.dma_semaphore, #tpu.memory_space<semaphore_mem>>)
      %scan3A_31 = arith.constant 0 : i32
      %scan3A_32 = arith.constant 0 : i32
      %scan3A_33 = arith.constant 7 : i32
      %scan3A_34 = arith.addi %scan3A_32, %scan3A_33 : i32
      %scan3A_35 = arith.constant 1 : i32
      scf.for %scan3A_51 = %scan3A_32 to %scan3A_34 step %scan3A_35  : i32 {
        %mul3A_52 = arith.constant 2 : i32
        %mul3A_53 = arith.muli %scan3A_51, %mul3A_52 : i32
        %add3A_54 = arith.constant 0 : i32
        %add3A_55 = arith.addi %mul3A_53, %add3A_54 : i32
        %dma_wait3A_56 = arith.constant 0 : i32
        %dma_wait3A_57 = tpu.memref_slice %arg9[%add3A_55, %dma_wait3A_56] : memref<16x16xi32, #tpu.memory_space<vmem>> -> memref<1x16xi32, #tpu.memory_space<vmem>>
        %dma_wait3A_58 = tpu.memref_squeeze %dma_wait3A_57 : memref<1x16xi32, #tpu.memory_space<vmem>> -> memref<16xi32, #tpu.memory_space<vmem>>
        %dma_wait3A_59 = arith.constant 0 : i32
        %dma_wait3A_60 = arith.constant 0 : i32
        %dma_wait3A_61 = tpu.memref_slice %arg7[%dma_wait3A_59, %dma_wait3A_60] : memref<10000x128xf32, #tpu.memory_space<vmem_shared>> -> memref<10000x128xf32, #tpu.memory_space<vmem_shared>>
        tpu.wait_indirect_dma semaphore(%arg13 : memref<!tpu.dma_semaphore, #tpu.memory_space<semaphore_mem>>) src(%dma_wait3A_61 : memref<10000x128xf32, #tpu.memory_space<vmem_shared>>) dst(%arg11 : memref<16x128xf32, #tpu.memory_space<vmem>>)
        "tpu.region"() ({
          %run_scoped3A_88 = tpu.sem_alloc : memref<!tpu.dma_semaphore, #tpu.memory_space<semaphore_mem>>
          %dma_start3A_89 = arith.constant 0 : i32
          %dma_start3A_90 = tpu.memref_slice %arg10[%add3A_55, %dma_start3A_89] : memref<16x16xi32, #tpu.memory_space<vmem>> -> memref<1x16xi32, #tpu.memory_space<vmem>>
          %dma_start3A_91 = tpu.memref_squeeze %dma_start3A_90 : memref<1x16xi32, #tpu.memory_space<vmem>> -> memref<16xi32, #tpu.memory_space<vmem>>
          %dma_start3A_92 = arith.constant 0 : i32
          %dma_start3A_93 = arith.constant 0 : i32
          %dma_start3A_94 = tpu.memref_slice %arg8[%dma_start3A_92, %dma_start3A_93] : memref<5120x128xf32, #tpu.memory_space<vmem_shared>> -> memref<5120x128xf32, #tpu.memory_space<vmem_shared>>
          tpu.enqueue_indirect_dma source(%arg11 : memref<16x128xf32, #tpu.memory_space<vmem>>) target(%dma_start3A_94 : memref<5120x128xf32, #tpu.memory_space<vmem_shared>>) offsets(%dma_start3A_91 : memref<16xi32, #tpu.memory_space<vmem>>) semaphore(%run_scoped3A_88 : memref<!tpu.dma_semaphore, #tpu.memory_space<semaphore_mem>>) {add = true}
          %dma_wait3A_95 = arith.constant 0 : i32
          %dma_wait3A_96 = tpu.memref_slice %arg10[%add3A_55, %dma_wait3A_95] : memref<16x16xi32, #tpu.memory_space<vmem>> -> memref<1x16xi32, #tpu.memory_space<vmem>>
          %dma_wait3A_97 = tpu.memref_squeeze %dma_wait3A_96 : memref<1x16xi32, #tpu.memory_space<vmem>> -> memref<16xi32, #tpu.memory_space<vmem>>
          %dma_wait3A_98 = arith.constant 0 : i32
          %dma_wait3A_99 = arith.constant 0 : i32
          %dma_wait3A_100 = tpu.memref_slice %arg8[%dma_wait3A_98, %dma_wait3A_99] : memref<5120x128xf32, #tpu.memory_space<vmem_shared>> -> memref<5120x128xf32, #tpu.memory_space<vmem_shared>>
          tpu.wait_indirect_dma semaphore(%run_scoped3A_88 : memref<!tpu.dma_semaphore, #tpu.memory_space<semaphore_mem>>) src(%arg11 : memref<16x128xf32, #tpu.memory_space<vmem>>) dst(%dma_wait3A_100 : memref<5120x128xf32, #tpu.memory_space<vmem_shared>>)
          tpu.yield
        }) : () -> ()
        %add3A_62 = arith.constant 2 : i32
        %add3A_63 = arith.addi %add3A_55, %add3A_62 : i32
        %dma_start3A_64 = arith.constant 0 : i32
        %dma_start3A_65 = tpu.memref_slice %arg9[%add3A_63, %dma_start3A_64] : memref<16x16xi32, #tpu.memory_space<vmem>> -> memref<1x16xi32, #tpu.memory_space<vmem>>
        %dma_start3A_66 = tpu.memref_squeeze %dma_start3A_65 : memref<1x16xi32, #tpu.memory_space<vmem>> -> memref<16xi32, #tpu.memory_space<vmem>>
        %dma_start3A_67 = arith.constant 0 : i32
        %dma_start3A_68 = arith.constant 0 : i32
        %dma_start3A_69 = tpu.memref_slice %arg7[%dma_start3A_67, %dma_start3A_68] : memref<10000x128xf32, #tpu.memory_space<vmem_shared>> -> memref<10000x128xf32, #tpu.memory_space<vmem_shared>>
        tpu.enqueue_indirect_dma source(%dma_start3A_69 : memref<10000x128xf32, #tpu.memory_space<vmem_shared>>) target(%arg11 : memref<16x128xf32, #tpu.memory_space<vmem>>) offsets(%dma_start3A_66 : memref<16xi32, #tpu.memory_space<vmem>>) semaphore(%arg13 : memref<!tpu.dma_semaphore, #tpu.memory_space<semaphore_mem>>)
        %mul3A_70 = arith.constant 2 : i32
        %mul3A_71 = arith.muli %scan3A_51, %mul3A_70 : i32
        %add3A_72 = arith.constant 1 : i32
        %add3A_73 = arith.addi %mul3A_71, %add3A_72 : i32
        %dma_wait3A_74 = arith.constant 0 : i32
        %dma_wait3A_75 = tpu.memref_slice %arg9[%add3A_73, %dma_wait3A_74] : memref<16x16xi32, #tpu.memory_space<vmem>> -> memref<1x16xi32, #tpu.memory_space<vmem>>
        %dma_wait3A_76 = tpu.memref_squeeze %dma_wait3A_75 : memref<1x16xi32, #tpu.memory_space<vmem>> -> memref<16xi32, #tpu.memory_space<vmem>>
        %dma_wait3A_77 = arith.constant 0 : i32
        %dma_wait3A_78 = arith.constant 0 : i32
        %dma_wait3A_79 = tpu.memref_slice %arg7[%dma_wait3A_77, %dma_wait3A_78] : memref<10000x128xf32, #tpu.memory_space<vmem_shared>> -> memref<10000x128xf32, #tpu.memory_space<vmem_shared>>
        tpu.wait_indirect_dma semaphore(%arg14 : memref<!tpu.dma_semaphore, #tpu.memory_space<semaphore_mem>>) src(%dma_wait3A_79 : memref<10000x128xf32, #tpu.memory_space<vmem_shared>>) dst(%arg12 : memref<16x128xf32, #tpu.memory_space<vmem>>)
        "tpu.region"() ({
          %run_scoped3A_88 = tpu.sem_alloc : memref<!tpu.dma_semaphore, #tpu.memory_space<semaphore_mem>>
          %dma_start3A_89 = arith.constant 0 : i32
          %dma_start3A_90 = tpu.memref_slice %arg10[%add3A_73, %dma_start3A_89] : memref<16x16xi32, #tpu.memory_space<vmem>> -> memref<1x16xi32, #tpu.memory_space<vmem>>
          %dma_start3A_91 = tpu.memref_squeeze %dma_start3A_90 : memref<1x16xi32, #tpu.memory_space<vmem>> -> memref<16xi32, #tpu.memory_space<vmem>>
          %dma_start3A_92 = arith.constant 0 : i32
          %dma_start3A_93 = arith.constant 0 : i32
          %dma_start3A_94 = tpu.memref_slice %arg8[%dma_start3A_92, %dma_start3A_93] : memref<5120x128xf32, #tpu.memory_space<vmem_shared>> -> memref<5120x128xf32, #tpu.memory_space<vmem_shared>>
          tpu.enqueue_indirect_dma source(%arg12 : memref<16x128xf32, #tpu.memory_space<vmem>>) target(%dma_start3A_94 : memref<5120x128xf32, #tpu.memory_space<vmem_shared>>) offsets(%dma_start3A_91 : memref<16xi32, #tpu.memory_space<vmem>>) semaphore(%run_scoped3A_88 : memref<!tpu.dma_semaphore, #tpu.memory_space<semaphore_mem>>) {add = true}
          %dma_wait3A_95 = arith.constant 0 : i32
          %dma_wait3A_96 = tpu.memref_slice %arg10[%add3A_73, %dma_wait3A_95] : memref<16x16xi32, #tpu.memory_space<vmem>> -> memref<1x16xi32, #tpu.memory_space<vmem>>
          %dma_wait3A_97 = tpu.memref_squeeze %dma_wait3A_96 : memref<1x16xi32, #tpu.memory_space<vmem>> -> memref<16xi32, #tpu.memory_space<vmem>>
          %dma_wait3A_98 = arith.constant 0 : i32
          %dma_wait3A_99 = arith.constant 0 : i32
          %dma_wait3A_100 = tpu.memref_slice %arg8[%dma_wait3A_98, %dma_wait3A_99] : memref<5120x128xf32, #tpu.memory_space<vmem_shared>> -> memref<5120x128xf32, #tpu.memory_space<vmem_shared>>
          tpu.wait_indirect_dma semaphore(%run_scoped3A_88 : memref<!tpu.dma_semaphore, #tpu.memory_space<semaphore_mem>>) src(%arg12 : memref<16x128xf32, #tpu.memory_space<vmem>>) dst(%dma_wait3A_100 : memref<5120x128xf32, #tpu.memory_space<vmem_shared>>)
          tpu.yield
        }) : () -> ()
        %add3A_80 = arith.constant 2 : i32
        %add3A_81 = arith.addi %add3A_73, %add3A_80 : i32
        %dma_start3A_82 = arith.constant 0 : i32
        %dma_start3A_83 = tpu.memref_slice %arg9[%add3A_81, %dma_start3A_82] : memref<16x16xi32, #tpu.memory_space<vmem>> -> memref<1x16xi32, #tpu.memory_space<vmem>>
        %dma_start3A_84 = tpu.memref_squeeze %dma_start3A_83 : memref<1x16xi32, #tpu.memory_space<vmem>> -> memref<16xi32, #tpu.memory_space<vmem>>
        %dma_start3A_85 = arith.constant 0 : i32
        %dma_start3A_86 = arith.constant 0 : i32
        %dma_start3A_87 = tpu.memref_slice %arg7[%dma_start3A_85, %dma_start3A_86] : memref<10000x128xf32, #tpu.memory_space<vmem_shared>> -> memref<10000x128xf32, #tpu.memory_space<vmem_shared>>
        tpu.enqueue_indirect_dma source(%dma_start3A_87 : memref<10000x128xf32, #tpu.memory_space<vmem_shared>>) target(%arg12 : memref<16x128xf32, #tpu.memory_space<vmem>>) offsets(%dma_start3A_84 : memref<16xi32, #tpu.memory_space<vmem>>) semaphore(%arg14 : memref<!tpu.dma_semaphore, #tpu.memory_space<semaphore_mem>>)
      }
      %scan3A_36 = arith.constant 7 : i32
      %dma_wait3A = arith.constant 14 : i32
      %dma_wait3A_37 = arith.constant 0 : i32
      %dma_wait3A_38 = tpu.memref_slice %arg9[%dma_wait3A, %dma_wait3A_37] : memref<16x16xi32, #tpu.memory_space<vmem>> -> memref<1x16xi32, #tpu.memory_space<vmem>>
      %dma_wait3A_39 = tpu.memref_squeeze %dma_wait3A_38 : memref<1x16xi32, #tpu.memory_space<vmem>> -> memref<16xi32, #tpu.memory_space<vmem>>
      %dma_wait3A_40 = arith.constant 0 : i32
      %dma_wait3A_41 = arith.constant 0 : i32
      %dma_wait3A_42 = tpu.memref_slice %arg7[%dma_wait3A_40, %dma_wait3A_41] : memref<10000x128xf32, #tpu.memory_space<vmem_shared>> -> memref<10000x128xf32, #tpu.memory_space<vmem_shared>>
      tpu.wait_indirect_dma semaphore(%arg13 : memref<!tpu.dma_semaphore, #tpu.memory_space<semaphore_mem>>) src(%dma_wait3A_42 : memref<10000x128xf32, #tpu.memory_space<vmem_shared>>) dst(%arg11 : memref<16x128xf32, #tpu.memory_space<vmem>>)
      %run_scoped3A = arith.constant 14 : i32
      "tpu.region"() ({
        %run_scoped3A_51 = tpu.sem_alloc : memref<!tpu.dma_semaphore, #tpu.memory_space<semaphore_mem>>
        %dma_start3A_52 = arith.constant 0 : i32
        %dma_start3A_53 = tpu.memref_slice %arg10[%run_scoped3A, %dma_start3A_52] : memref<16x16xi32, #tpu.memory_space<vmem>> -> memref<1x16xi32, #tpu.memory_space<vmem>>
        %dma_start3A_54 = tpu.memref_squeeze %dma_start3A_53 : memref<1x16xi32, #tpu.memory_space<vmem>> -> memref<16xi32, #tpu.memory_space<vmem>>
        %dma_start3A_55 = arith.constant 0 : i32
        %dma_start3A_56 = arith.constant 0 : i32
        %dma_start3A_57 = tpu.memref_slice %arg8[%dma_start3A_55, %dma_start3A_56] : memref<5120x128xf32, #tpu.memory_space<vmem_shared>> -> memref<5120x128xf32, #tpu.memory_space<vmem_shared>>
        tpu.enqueue_indirect_dma source(%arg11 : memref<16x128xf32, #tpu.memory_space<vmem>>) target(%dma_start3A_57 : memref<5120x128xf32, #tpu.memory_space<vmem_shared>>) offsets(%dma_start3A_54 : memref<16xi32, #tpu.memory_space<vmem>>) semaphore(%run_scoped3A_51 : memref<!tpu.dma_semaphore, #tpu.memory_space<semaphore_mem>>) {add = true}
        %dma_wait3A_58 = arith.constant 0 : i32
        %dma_wait3A_59 = tpu.memref_slice %arg10[%run_scoped3A, %dma_wait3A_58] : memref<16x16xi32, #tpu.memory_space<vmem>> -> memref<1x16xi32, #tpu.memory_space<vmem>>
        %dma_wait3A_60 = tpu.memref_squeeze %dma_wait3A_59 : memref<1x16xi32, #tpu.memory_space<vmem>> -> memref<16xi32, #tpu.memory_space<vmem>>
        %dma_wait3A_61 = arith.constant 0 : i32
        %dma_wait3A_62 = arith.constant 0 : i32
        %dma_wait3A_63 = tpu.memref_slice %arg8[%dma_wait3A_61, %dma_wait3A_62] : memref<5120x128xf32, #tpu.memory_space<vmem_shared>> -> memref<5120x128xf32, #tpu.memory_space<vmem_shared>>
        tpu.wait_indirect_dma semaphore(%run_scoped3A_51 : memref<!tpu.dma_semaphore, #tpu.memory_space<semaphore_mem>>) src(%arg11 : memref<16x128xf32, #tpu.memory_space<vmem>>) dst(%dma_wait3A_63 : memref<5120x128xf32, #tpu.memory_space<vmem_shared>>)
        tpu.yield
      }) : () -> ()
      %dma_wait3A_43 = arith.constant 15 : i32
      %dma_wait3A_44 = arith.constant 0 : i32
      %dma_wait3A_45 = tpu.memref_slice %arg9[%dma_wait3A_43, %dma_wait3A_44] : memref<16x16xi32, #tpu.memory_space<vmem>> -> memref<1x16xi32, #tpu.memory_space<vmem>>
      %dma_wait3A_46 = tpu.memref_squeeze %dma_wait3A_45 : memref<1x16xi32, #tpu.memory_space<vmem>> -> memref<16xi32, #tpu.memory_space<vmem>>
      %dma_wait3A_47 = arith.constant 0 : i32
      %dma_wait3A_48 = arith.constant 0 : i32
      %dma_wait3A_49 = tpu.memref_slice %arg7[%dma_wait3A_47, %dma_wait3A_48] : memref<10000x128xf32, #tpu.memory_space<vmem_shared>> -> memref<10000x128xf32, #tpu.memory_space<vmem_shared>>
      tpu.wait_indirect_dma semaphore(%arg14 : memref<!tpu.dma_semaphore, #tpu.memory_space<semaphore_mem>>) src(%dma_wait3A_49 : memref<10000x128xf32, #tpu.memory_space<vmem_shared>>) dst(%arg12 : memref<16x128xf32, #tpu.memory_space<vmem>>)
      %run_scoped3A_50 = arith.constant 15 : i32
      "tpu.region"() ({
        %run_scoped3A_51 = tpu.sem_alloc : memref<!tpu.dma_semaphore, #tpu.memory_space<semaphore_mem>>
        %dma_start3A_52 = arith.constant 0 : i32
        %dma_start3A_53 = tpu.memref_slice %arg10[%run_scoped3A_50, %dma_start3A_52] : memref<16x16xi32, #tpu.memory_space<vmem>> -> memref<1x16xi32, #tpu.memory_space<vmem>>
        %dma_start3A_54 = tpu.memref_squeeze %dma_start3A_53 : memref<1x16xi32, #tpu.memory_space<vmem>> -> memref<16xi32, #tpu.memory_space<vmem>>
        %dma_start3A_55 = arith.constant 0 : i32
        %dma_start3A_56 = arith.constant 0 : i32
        %dma_start3A_57 = tpu.memref_slice %arg8[%dma_start3A_55, %dma_start3A_56] : memref<5120x128xf32, #tpu.memory_space<vmem_shared>> -> memref<5120x128xf32, #tpu.memory_space<vmem_shared>>
        tpu.enqueue_indirect_dma source(%arg12 : memref<16x128xf32, #tpu.memory_space<vmem>>) target(%dma_start3A_57 : memref<5120x128xf32, #tpu.memory_space<vmem_shared>>) offsets(%dma_start3A_54 : memref<16xi32, #tpu.memory_space<vmem>>) semaphore(%run_scoped3A_51 : memref<!tpu.dma_semaphore, #tpu.memory_space<semaphore_mem>>) {add = true}
        %dma_wait3A_58 = arith.constant 0 : i32
        %dma_wait3A_59 = tpu.memref_slice %arg10[%run_scoped3A_50, %dma_wait3A_58] : memref<16x16xi32, #tpu.memory_space<vmem>> -> memref<1x16xi32, #tpu.memory_space<vmem>>
        %dma_wait3A_60 = tpu.memref_squeeze %dma_wait3A_59 : memref<1x16xi32, #tpu.memory_space<vmem>> -> memref<16xi32, #tpu.memory_space<vmem>>
        %dma_wait3A_61 = arith.constant 0 : i32
        %dma_wait3A_62 = arith.constant 0 : i32
        %dma_wait3A_63 = tpu.memref_slice %arg8[%dma_wait3A_61, %dma_wait3A_62] : memref<5120x128xf32, #tpu.memory_space<vmem_shared>> -> memref<5120x128xf32, #tpu.memory_space<vmem_shared>>
        tpu.wait_indirect_dma semaphore(%run_scoped3A_51 : memref<!tpu.dma_semaphore, #tpu.memory_space<semaphore_mem>>) src(%arg12 : memref<16x128xf32, #tpu.memory_space<vmem>>) dst(%dma_wait3A_63 : memref<5120x128xf32, #tpu.memory_space<vmem_shared>>)
        tpu.yield
      }) : () -> ()
    }
    %scan3A_7 = arith.constant 80 : i32
    %barrier3A_8 = arith.constant 0 : index
    tpu.barrier barrier_id(%barrier3A_8)
    %mul3A_9 = arith.constant 320 : i32
    %mul3A_10 = arith.muli %arg1, %mul3A_9 : i32
    %mul3A_11 = arith.constant 320 : i32
    %mul3A_12 = arith.muli %arg1, %mul3A_11 : i32
    "tpu.region"() ({
      %run_scoped3A = tpu.sem_alloc : memref<!tpu.dma_semaphore, #tpu.memory_space<semaphore_mem>>
      %dma_start3A = arith.constant 0 : i32
      %dma_start3A_13 = tpu.memref_slice %arg6[%arg0, %mul3A_12, %dma_start3A] : memref<2x5120x128xf32, #tpu.memory_space<hbm>> -> memref<1x320x128xf32, #tpu.memory_space<hbm>>
      %dma_start3A_14 = tpu.memref_squeeze %dma_start3A_13 : memref<1x320x128xf32, #tpu.memory_space<hbm>> -> memref<320x128xf32, #tpu.memory_space<hbm>>
      %dma_start3A_15 = arith.constant 0 : i32
      %dma_start3A_16 = tpu.memref_slice %arg8[%mul3A_10, %dma_start3A_15] : memref<5120x128xf32, #tpu.memory_space<vmem_shared>> -> memref<320x128xf32, #tpu.memory_space<vmem_shared>>
      tpu.enqueue_dma source(%dma_start3A_16 : memref<320x128xf32, #tpu.memory_space<vmem_shared>>) target(%dma_start3A_14 : memref<320x128xf32, #tpu.memory_space<hbm>>) target_semaphore(%run_scoped3A : memref<!tpu.dma_semaphore, #tpu.memory_space<semaphore_mem>>)
      %dma_wait3A = arith.constant 0 : i32
      %dma_wait3A_17 = tpu.memref_slice %arg6[%arg0, %mul3A_12, %dma_wait3A] : memref<2x5120x128xf32, #tpu.memory_space<hbm>> -> memref<1x320x128xf32, #tpu.memory_space<hbm>>
      %dma_wait3A_18 = tpu.memref_squeeze %dma_wait3A_17 : memref<1x320x128xf32, #tpu.memory_space<hbm>> -> memref<320x128xf32, #tpu.memory_space<hbm>>
      %dma_wait3A_19 = arith.constant 0 : i32
      %dma_wait3A_20 = tpu.memref_slice %arg8[%mul3A_10, %dma_wait3A_19] : memref<5120x128xf32, #tpu.memory_space<vmem_shared>> -> memref<320x128xf32, #tpu.memory_space<vmem_shared>>
      tpu.wait_dma2 semaphore(%run_scoped3A : memref<!tpu.dma_semaphore, #tpu.memory_space<semaphore_mem>>) src(%dma_wait3A_20 : memref<320x128xf32, #tpu.memory_space<vmem_shared>>) dst(%dma_wait3A_18 : memref<320x128xf32, #tpu.memory_space<hbm>>)
      tpu.yield
    }) : () -> ()
    return
  }
}

#map = affine_map<(d0, d1) -> (0, 0)>
#map1 = affine_map<(d0, d1) -> (0, 0, 0)>
module attributes {stable_mosaic.version = 14 : i64} {
  func.func @_spmm_s_body(%arg0: i32, %arg1: i32, %arg2: memref<10000x128xf32, #tpu.memory_space<hbm>>, %arg3: memref<20480x16xi32, #tpu.memory_space<hbm>>, %arg4: memref<2x20480x16xi32, #tpu.memory_space<hbm>>, %arg5: memref<632x128xf32, #tpu.memory_space<hbm>>, %arg6: memref<2x5120x128xf32, #tpu.memory_space<hbm>>, %arg7: memref<10000x128xf32, #tpu.memory_space<vmem_shared>>, %arg8: memref<5120x128xf32, #tpu.memory_space<vmem_shared>>, %arg9: memref<16x16xi32, #tpu.memory_space<vmem>>, %arg10: memref<16x16xi32, #tpu.memory_space<vmem>>, %arg11: memref<16x128xf32, #tpu.memory_space<vmem>>, %arg12: memref<16x128xf32, #tpu.memory_space<vmem>>, %arg13: memref<!tpu.dma_semaphore, #tpu.memory_space<semaphore_mem>>, %arg14: memref<!tpu.dma_semaphore, #tpu.memory_space<semaphore_mem>>) attributes {dimension_semantics = [#tpu.dimension_semantics<core_parallel>, #tpu.dimension_semantics<subcore_parallel>], iteration_bounds = array<i64: 2, 16>, scalar_prefetch = 0 : i64, scratch_operands = 8 : i64, tpu.core_type = #tpu.core_type<sc_vector_subcore>, window_params = [{transform_indices = #map}, {transform_indices = #map}, {transform_indices = #map1}, {transform_indices = #map}, {transform_indices = #map1}]} {
    %mul3A = arith.constant 320 : i32
    %mul3A_0 = arith.muli %arg1, %mul3A : i32
    "tpu.region"() ({
      %run_scoped3A = tpu.sem_alloc : memref<!tpu.dma_semaphore, #tpu.memory_space<semaphore_mem>>
      %dma_start3A = arith.constant 0 : i32
      %dma_start3A_13 = tpu.memref_slice %arg8[%mul3A_0, %dma_start3A] : memref<5120x128xf32, #tpu.memory_space<vmem_shared>> -> memref<320x128xf32, #tpu.memory_space<vmem_shared>>
      %dma_start3A_14 = arith.constant 0 : i32
      %dma_start3A_15 = arith.constant 0 : i32
      %dma_start3A_16 = tpu.memref_slice %arg5[%dma_start3A_14, %dma_start3A_15] : memref<632x128xf32, #tpu.memory_space<hbm>> -> memref<320x128xf32, #tpu.memory_space<hbm>>
      tpu.enqueue_dma source(%dma_start3A_16 : memref<320x128xf32, #tpu.memory_space<hbm>>) target(%dma_start3A_13 : memref<320x128xf32, #tpu.memory_space<vmem_shared>>) target_semaphore(%run_scoped3A : memref<!tpu.dma_semaphore, #tpu.memory_space<semaphore_mem>>)
      %dma_wait3A = arith.constant 0 : i32
      %dma_wait3A_17 = tpu.memref_slice %arg8[%mul3A_0, %dma_wait3A] : memref<5120x128xf32, #tpu.memory_space<vmem_shared>> -> memref<320x128xf32, #tpu.memory_space<vmem_shared>>
      %dma_wait3A_18 = arith.constant 0 : i32
      %dma_wait3A_19 = arith.constant 0 : i32
      %dma_wait3A_20 = tpu.memref_slice %arg5[%dma_wait3A_18, %dma_wait3A_19] : memref<632x128xf32, #tpu.memory_space<hbm>> -> memref<320x128xf32, #tpu.memory_space<hbm>>
      tpu.wait_dma2 semaphore(%run_scoped3A : memref<!tpu.dma_semaphore, #tpu.memory_space<semaphore_mem>>) src(%dma_wait3A_20 : memref<320x128xf32, #tpu.memory_space<hbm>>) dst(%dma_wait3A_17 : memref<320x128xf32, #tpu.memory_space<vmem_shared>>)
      tpu.yield
    }) : () -> ()
    %lt3A = arith.constant 10 : i32
    %lt3A_1 = arith.cmpi slt, %arg1, %lt3A : i32
    %convert_element_type3A = arith.extui %lt3A_1 : i1 to i32
    %cond3A = arith.constant 0 : i32
    %cond3A_2 = arith.cmpi ne, %convert_element_type3A, %cond3A : i32
    scf.if %cond3A_2 {
      %mul3A_13 = arith.constant 1000 : i32
      %mul3A_14 = arith.muli %arg1, %mul3A_13 : i32
      %mul3A_15 = arith.constant 1000 : i32
      %mul3A_16 = arith.muli %arg1, %mul3A_15 : i32
      "tpu.region"() ({
        %run_scoped3A = tpu.sem_alloc : memref<!tpu.dma_semaphore, #tpu.memory_space<semaphore_mem>>
        %dma_start3A = arith.constant 0 : i32
        %dma_start3A_17 = tpu.memref_slice %arg7[%mul3A_16, %dma_start3A] : memref<10000x128xf32, #tpu.memory_space<vmem_shared>> -> memref<1000x128xf32, #tpu.memory_space<vmem_shared>>
        %dma_start3A_18 = arith.constant 0 : i32
        %dma_start3A_19 = tpu.memref_slice %arg2[%mul3A_14, %dma_start3A_18] : memref<10000x128xf32, #tpu.memory_space<hbm>> -> memref<1000x128xf32, #tpu.memory_space<hbm>>
        tpu.enqueue_dma source(%dma_start3A_19 : memref<1000x128xf32, #tpu.memory_space<hbm>>) target(%dma_start3A_17 : memref<1000x128xf32, #tpu.memory_space<vmem_shared>>) target_semaphore(%run_scoped3A : memref<!tpu.dma_semaphore, #tpu.memory_space<semaphore_mem>>)
        %dma_wait3A = arith.constant 0 : i32
        %dma_wait3A_20 = tpu.memref_slice %arg7[%mul3A_16, %dma_wait3A] : memref<10000x128xf32, #tpu.memory_space<vmem_shared>> -> memref<1000x128xf32, #tpu.memory_space<vmem_shared>>
        %dma_wait3A_21 = arith.constant 0 : i32
        %dma_wait3A_22 = tpu.memref_slice %arg2[%mul3A_14, %dma_wait3A_21] : memref<10000x128xf32, #tpu.memory_space<hbm>> -> memref<1000x128xf32, #tpu.memory_space<hbm>>
        tpu.wait_dma2 semaphore(%run_scoped3A : memref<!tpu.dma_semaphore, #tpu.memory_space<semaphore_mem>>) src(%dma_wait3A_22 : memref<1000x128xf32, #tpu.memory_space<hbm>>) dst(%dma_wait3A_20 : memref<1000x128xf32, #tpu.memory_space<vmem_shared>>)
        tpu.yield
      }) : () -> ()
    } else {
    }
    %barrier3A = arith.constant 0 : index
    tpu.barrier barrier_id(%barrier3A)
    %scan3A = arith.constant 0 : i32
    %scan3A_3 = arith.constant 0 : i32
    %scan3A_4 = arith.constant 80 : i32
    %scan3A_5 = arith.addi %scan3A_3, %scan3A_4 : i32
    %scan3A_6 = arith.constant 1 : i32
    scf.for %scan3A_13 = %scan3A_3 to %scan3A_5 step %scan3A_6  : i32 {
      %mul3A_14 = arith.constant 1280 : i32
      %mul3A_15 = arith.muli %arg1, %mul3A_14 : i32
      %mul3A_16 = arith.constant 16 : i32
      %mul3A_17 = arith.muli %scan3A_13, %mul3A_16 : i32
      %add3A = arith.addi %mul3A_15, %mul3A_17 : i32
      "tpu.region"() ({
        %run_scoped3A_51 = tpu.sem_alloc : memref<!tpu.dma_semaphore, #tpu.memory_space<semaphore_mem>>
        %dma_start3A_52 = arith.constant 0 : i32
        %dma_start3A_53 = tpu.memref_slice %arg3[%add3A, %dma_start3A_52] : memref<20480x16xi32, #tpu.memory_space<hbm>> -> memref<16x16xi32, #tpu.memory_space<hbm>>
        %dma_start3A_54 = arith.constant 0 : i32
        %dma_start3A_55 = tpu.memref_slice %arg3[%add3A, %dma_start3A_54] : memref<20480x16xi32, #tpu.memory_space<hbm>> -> memref<16x16xi32, #tpu.memory_space<hbm>>
        tpu.enqueue_dma source(%dma_start3A_55 : memref<16x16xi32, #tpu.memory_space<hbm>>) target(%arg9 : memref<16x16xi32, #tpu.memory_space<vmem>>) target_semaphore(%run_scoped3A_51 : memref<!tpu.dma_semaphore, #tpu.memory_space<semaphore_mem>>)
        %dma_wait3A_56 = arith.constant 0 : i32
        %dma_wait3A_57 = tpu.memref_slice %arg3[%add3A, %dma_wait3A_56] : memref<20480x16xi32, #tpu.memory_space<hbm>> -> memref<16x16xi32, #tpu.memory_space<hbm>>
        %dma_wait3A_58 = arith.constant 0 : i32
        %dma_wait3A_59 = tpu.memref_slice %arg3[%add3A, %dma_wait3A_58] : memref<20480x16xi32, #tpu.memory_space<hbm>> -> memref<16x16xi32, #tpu.memory_space<hbm>>
        tpu.wait_dma2 semaphore(%run_scoped3A_51 : memref<!tpu.dma_semaphore, #tpu.memory_space<semaphore_mem>>) src(%dma_wait3A_59 : memref<16x16xi32, #tpu.memory_space<hbm>>) dst(%arg9 : memref<16x16xi32, #tpu.memory_space<vmem>>)
        tpu.yield
      }) : () -> ()
      "tpu.region"() ({
        %run_scoped3A_51 = tpu.sem_alloc : memref<!tpu.dma_semaphore, #tpu.memory_space<semaphore_mem>>
        %dma_start3A_52 = arith.constant 0 : i32
        %dma_start3A_53 = tpu.memref_slice %arg4[%arg0, %add3A, %dma_start3A_52] : memref<2x20480x16xi32, #tpu.memory_space<hbm>> -> memref<1x16x16xi32, #tpu.memory_space<hbm>>
        %dma_start3A_54 = tpu.memref_squeeze %dma_start3A_53 : memref<1x16x16xi32, #tpu.memory_space<hbm>> -> memref<16x16xi32, #tpu.memory_space<hbm>>
        %dma_start3A_55 = arith.constant 0 : i32
        %dma_start3A_56 = tpu.memref_slice %arg4[%arg0, %add3A, %dma_start3A_55] : memref<2x20480x16xi32, #tpu.memory_space<hbm>> -> memref<1x16x16xi32, #tpu.memory_space<hbm>>
        %dma_start3A_57 = tpu.memref_squeeze %dma_start3A_56 : memref<1x16x16xi32, #tpu.memory_space<hbm>> -> memref<16x16xi32, #tpu.memory_space<hbm>>
        tpu.enqueue_dma source(%dma_start3A_57 : memref<16x16xi32, #tpu.memory_space<hbm>>) target(%arg10 : memref<16x16xi32, #tpu.memory_space<vmem>>) target_semaphore(%run_scoped3A_51 : memref<!tpu.dma_semaphore, #tpu.memory_space<semaphore_mem>>)
        %dma_wait3A_58 = arith.constant 0 : i32
        %dma_wait3A_59 = tpu.memref_slice %arg4[%arg0, %add3A, %dma_wait3A_58] : memref<2x20480x16xi32, #tpu.memory_space<hbm>> -> memref<1x16x16xi32, #tpu.memory_space<hbm>>
        %dma_wait3A_60 = tpu.memref_squeeze %dma_wait3A_59 : memref<1x16x16xi32, #tpu.memory_space<hbm>> -> memref<16x16xi32, #tpu.memory_space<hbm>>
        %dma_wait3A_61 = arith.constant 0 : i32
        %dma_wait3A_62 = tpu.memref_slice %arg4[%arg0, %add3A, %dma_wait3A_61] : memref<2x20480x16xi32, #tpu.memory_space<hbm>> -> memref<1x16x16xi32, #tpu.memory_space<hbm>>
        %dma_wait3A_63 = tpu.memref_squeeze %dma_wait3A_62 : memref<1x16x16xi32, #tpu.memory_space<hbm>> -> memref<16x16xi32, #tpu.memory_space<hbm>>
        tpu.wait_dma2 semaphore(%run_scoped3A_51 : memref<!tpu.dma_semaphore, #tpu.memory_space<semaphore_mem>>) src(%dma_wait3A_63 : memref<16x16xi32, #tpu.memory_space<hbm>>) dst(%arg10 : memref<16x16xi32, #tpu.memory_space<vmem>>)
        tpu.yield
      }) : () -> ()
      %dma_start3A = arith.constant 0 : i32
      %dma_start3A_18 = arith.constant 0 : i32
      %dma_start3A_19 = tpu.memref_slice %arg9[%dma_start3A, %dma_start3A_18] : memref<16x16xi32, #tpu.memory_space<vmem>> -> memref<1x16xi32, #tpu.memory_space<vmem>>
      %dma_start3A_20 = tpu.memref_squeeze %dma_start3A_19 : memref<1x16xi32, #tpu.memory_space<vmem>> -> memref<16xi32, #tpu.memory_space<vmem>>
      %dma_start3A_21 = arith.constant 0 : i32
      %dma_start3A_22 = arith.constant 0 : i32
      %dma_start3A_23 = tpu.memref_slice %arg7[%dma_start3A_21, %dma_start3A_22] : memref<10000x128xf32, #tpu.memory_space<vmem_shared>> -> memref<10000x128xf32, #tpu.memory_space<vmem_shared>>
      tpu.enqueue_indirect_dma source(%dma_start3A_23 : memref<10000x128xf32, #tpu.memory_space<vmem_shared>>) target(%arg11 : memref<16x128xf32, #tpu.memory_space<vmem>>) offsets(%dma_start3A_20 : memref<16xi32, #tpu.memory_space<vmem>>) semaphore(%arg13 : memref<!tpu.dma_semaphore, #tpu.memory_space<semaphore_mem>>)
      %dma_start3A_24 = arith.constant 1 : i32
      %dma_start3A_25 = arith.constant 0 : i32
      %dma_start3A_26 = tpu.memref_slice %arg9[%dma_start3A_24, %dma_start3A_25] : memref<16x16xi32, #tpu.memory_space<vmem>> -> memref<1x16xi32, #tpu.memory_space<vmem>>
      %dma_start3A_27 = tpu.memref_squeeze %dma_start3A_26 : memref<1x16xi32, #tpu.memory_space<vmem>> -> memref<16xi32, #tpu.memory_space<vmem>>
      %dma_start3A_28 = arith.constant 0 : i32
      %dma_start3A_29 = arith.constant 0 : i32
      %dma_start3A_30 = tpu.memref_slice %arg7[%dma_start3A_28, %dma_start3A_29] : memref<10000x128xf32, #tpu.memory_space<vmem_shared>> -> memref<10000x128xf32, #tpu.memory_space<vmem_shared>>
      tpu.enqueue_indirect_dma source(%dma_start3A_30 : memref<10000x128xf32, #tpu.memory_space<vmem_shared>>) target(%arg12 : memref<16x128xf32, #tpu.memory_space<vmem>>) offsets(%dma_start3A_27 : memref<16xi32, #tpu.memory_space<vmem>>) semaphore(%arg14 : memref<!tpu.dma_semaphore, #tpu.memory_space<semaphore_mem>>)
      %scan3A_31 = arith.constant 0 : i32
      %scan3A_32 = arith.constant 0 : i32
      %scan3A_33 = arith.constant 7 : i32
      %scan3A_34 = arith.addi %scan3A_32, %scan3A_33 : i32
      %scan3A_35 = arith.constant 1 : i32
      scf.for %scan3A_51 = %scan3A_32 to %scan3A_34 step %scan3A_35  : i32 {
        %mul3A_52 = arith.constant 2 : i32
        %mul3A_53 = arith.muli %scan3A_51, %mul3A_52 : i32
        %add3A_54 = arith.constant 0 : i32
        %add3A_55 = arith.addi %mul3A_53, %add3A_54 : i32
        %dma_wait3A_56 = arith.constant 0 : i32
        %dma_wait3A_57 = tpu.memref_slice %arg9[%add3A_55, %dma_wait3A_56] : memref<16x16xi32, #tpu.memory_space<vmem>> -> memref<1x16xi32, #tpu.memory_space<vmem>>
        %dma_wait3A_58 = tpu.memref_squeeze %dma_wait3A_57 : memref<1x16xi32, #tpu.memory_space<vmem>> -> memref<16xi32, #tpu.memory_space<vmem>>
        %dma_wait3A_59 = arith.constant 0 : i32
        %dma_wait3A_60 = arith.constant 0 : i32
        %dma_wait3A_61 = tpu.memref_slice %arg7[%dma_wait3A_59, %dma_wait3A_60] : memref<10000x128xf32, #tpu.memory_space<vmem_shared>> -> memref<10000x128xf32, #tpu.memory_space<vmem_shared>>
        tpu.wait_indirect_dma semaphore(%arg13 : memref<!tpu.dma_semaphore, #tpu.memory_space<semaphore_mem>>) src(%dma_wait3A_61 : memref<10000x128xf32, #tpu.memory_space<vmem_shared>>) dst(%arg11 : memref<16x128xf32, #tpu.memory_space<vmem>>)
        "tpu.region"() ({
          %run_scoped3A_88 = tpu.sem_alloc : memref<!tpu.dma_semaphore, #tpu.memory_space<semaphore_mem>>
          %dma_start3A_89 = arith.constant 0 : i32
          %dma_start3A_90 = tpu.memref_slice %arg10[%add3A_55, %dma_start3A_89] : memref<16x16xi32, #tpu.memory_space<vmem>> -> memref<1x16xi32, #tpu.memory_space<vmem>>
          %dma_start3A_91 = tpu.memref_squeeze %dma_start3A_90 : memref<1x16xi32, #tpu.memory_space<vmem>> -> memref<16xi32, #tpu.memory_space<vmem>>
          %dma_start3A_92 = arith.constant 0 : i32
          %dma_start3A_93 = arith.constant 0 : i32
          %dma_start3A_94 = tpu.memref_slice %arg8[%dma_start3A_92, %dma_start3A_93] : memref<5120x128xf32, #tpu.memory_space<vmem_shared>> -> memref<5120x128xf32, #tpu.memory_space<vmem_shared>>
          tpu.enqueue_indirect_dma source(%arg11 : memref<16x128xf32, #tpu.memory_space<vmem>>) target(%dma_start3A_94 : memref<5120x128xf32, #tpu.memory_space<vmem_shared>>) offsets(%dma_start3A_91 : memref<16xi32, #tpu.memory_space<vmem>>) semaphore(%run_scoped3A_88 : memref<!tpu.dma_semaphore, #tpu.memory_space<semaphore_mem>>) {add = true}
          %dma_wait3A_95 = arith.constant 0 : i32
          %dma_wait3A_96 = tpu.memref_slice %arg10[%add3A_55, %dma_wait3A_95] : memref<16x16xi32, #tpu.memory_space<vmem>> -> memref<1x16xi32, #tpu.memory_space<vmem>>
          %dma_wait3A_97 = tpu.memref_squeeze %dma_wait3A_96 : memref<1x16xi32, #tpu.memory_space<vmem>> -> memref<16xi32, #tpu.memory_space<vmem>>
          %dma_wait3A_98 = arith.constant 0 : i32
          %dma_wait3A_99 = arith.constant 0 : i32
          %dma_wait3A_100 = tpu.memref_slice %arg8[%dma_wait3A_98, %dma_wait3A_99] : memref<5120x128xf32, #tpu.memory_space<vmem_shared>> -> memref<5120x128xf32, #tpu.memory_space<vmem_shared>>
          tpu.wait_indirect_dma semaphore(%run_scoped3A_88 : memref<!tpu.dma_semaphore, #tpu.memory_space<semaphore_mem>>) src(%arg11 : memref<16x128xf32, #tpu.memory_space<vmem>>) dst(%dma_wait3A_100 : memref<5120x128xf32, #tpu.memory_space<vmem_shared>>)
          tpu.yield
        }) : () -> ()
        %add3A_62 = arith.constant 2 : i32
        %add3A_63 = arith.addi %add3A_55, %add3A_62 : i32
        %dma_start3A_64 = arith.constant 0 : i32
        %dma_start3A_65 = tpu.memref_slice %arg9[%add3A_63, %dma_start3A_64] : memref<16x16xi32, #tpu.memory_space<vmem>> -> memref<1x16xi32, #tpu.memory_space<vmem>>
        %dma_start3A_66 = tpu.memref_squeeze %dma_start3A_65 : memref<1x16xi32, #tpu.memory_space<vmem>> -> memref<16xi32, #tpu.memory_space<vmem>>
        %dma_start3A_67 = arith.constant 0 : i32
        %dma_start3A_68 = arith.constant 0 : i32
        %dma_start3A_69 = tpu.memref_slice %arg7[%dma_start3A_67, %dma_start3A_68] : memref<10000x128xf32, #tpu.memory_space<vmem_shared>> -> memref<10000x128xf32, #tpu.memory_space<vmem_shared>>
        tpu.enqueue_indirect_dma source(%dma_start3A_69 : memref<10000x128xf32, #tpu.memory_space<vmem_shared>>) target(%arg11 : memref<16x128xf32, #tpu.memory_space<vmem>>) offsets(%dma_start3A_66 : memref<16xi32, #tpu.memory_space<vmem>>) semaphore(%arg13 : memref<!tpu.dma_semaphore, #tpu.memory_space<semaphore_mem>>)
        %mul3A_70 = arith.constant 2 : i32
        %mul3A_71 = arith.muli %scan3A_51, %mul3A_70 : i32
        %add3A_72 = arith.constant 1 : i32
        %add3A_73 = arith.addi %mul3A_71, %add3A_72 : i32
        %dma_wait3A_74 = arith.constant 0 : i32
        %dma_wait3A_75 = tpu.memref_slice %arg9[%add3A_73, %dma_wait3A_74] : memref<16x16xi32, #tpu.memory_space<vmem>> -> memref<1x16xi32, #tpu.memory_space<vmem>>
        %dma_wait3A_76 = tpu.memref_squeeze %dma_wait3A_75 : memref<1x16xi32, #tpu.memory_space<vmem>> -> memref<16xi32, #tpu.memory_space<vmem>>
        %dma_wait3A_77 = arith.constant 0 : i32
        %dma_wait3A_78 = arith.constant 0 : i32
        %dma_wait3A_79 = tpu.memref_slice %arg7[%dma_wait3A_77, %dma_wait3A_78] : memref<10000x128xf32, #tpu.memory_space<vmem_shared>> -> memref<10000x128xf32, #tpu.memory_space<vmem_shared>>
        tpu.wait_indirect_dma semaphore(%arg14 : memref<!tpu.dma_semaphore, #tpu.memory_space<semaphore_mem>>) src(%dma_wait3A_79 : memref<10000x128xf32, #tpu.memory_space<vmem_shared>>) dst(%arg12 : memref<16x128xf32, #tpu.memory_space<vmem>>)
        "tpu.region"() ({
          %run_scoped3A_88 = tpu.sem_alloc : memref<!tpu.dma_semaphore, #tpu.memory_space<semaphore_mem>>
          %dma_start3A_89 = arith.constant 0 : i32
          %dma_start3A_90 = tpu.memref_slice %arg10[%add3A_73, %dma_start3A_89] : memref<16x16xi32, #tpu.memory_space<vmem>> -> memref<1x16xi32, #tpu.memory_space<vmem>>
          %dma_start3A_91 = tpu.memref_squeeze %dma_start3A_90 : memref<1x16xi32, #tpu.memory_space<vmem>> -> memref<16xi32, #tpu.memory_space<vmem>>
          %dma_start3A_92 = arith.constant 0 : i32
          %dma_start3A_93 = arith.constant 0 : i32
          %dma_start3A_94 = tpu.memref_slice %arg8[%dma_start3A_92, %dma_start3A_93] : memref<5120x128xf32, #tpu.memory_space<vmem_shared>> -> memref<5120x128xf32, #tpu.memory_space<vmem_shared>>
          tpu.enqueue_indirect_dma source(%arg12 : memref<16x128xf32, #tpu.memory_space<vmem>>) target(%dma_start3A_94 : memref<5120x128xf32, #tpu.memory_space<vmem_shared>>) offsets(%dma_start3A_91 : memref<16xi32, #tpu.memory_space<vmem>>) semaphore(%run_scoped3A_88 : memref<!tpu.dma_semaphore, #tpu.memory_space<semaphore_mem>>) {add = true}
          %dma_wait3A_95 = arith.constant 0 : i32
          %dma_wait3A_96 = tpu.memref_slice %arg10[%add3A_73, %dma_wait3A_95] : memref<16x16xi32, #tpu.memory_space<vmem>> -> memref<1x16xi32, #tpu.memory_space<vmem>>
          %dma_wait3A_97 = tpu.memref_squeeze %dma_wait3A_96 : memref<1x16xi32, #tpu.memory_space<vmem>> -> memref<16xi32, #tpu.memory_space<vmem>>
          %dma_wait3A_98 = arith.constant 0 : i32
          %dma_wait3A_99 = arith.constant 0 : i32
          %dma_wait3A_100 = tpu.memref_slice %arg8[%dma_wait3A_98, %dma_wait3A_99] : memref<5120x128xf32, #tpu.memory_space<vmem_shared>> -> memref<5120x128xf32, #tpu.memory_space<vmem_shared>>
          tpu.wait_indirect_dma semaphore(%run_scoped3A_88 : memref<!tpu.dma_semaphore, #tpu.memory_space<semaphore_mem>>) src(%arg12 : memref<16x128xf32, #tpu.memory_space<vmem>>) dst(%dma_wait3A_100 : memref<5120x128xf32, #tpu.memory_space<vmem_shared>>)
          tpu.yield
        }) : () -> ()
        %add3A_80 = arith.constant 2 : i32
        %add3A_81 = arith.addi %add3A_73, %add3A_80 : i32
        %dma_start3A_82 = arith.constant 0 : i32
        %dma_start3A_83 = tpu.memref_slice %arg9[%add3A_81, %dma_start3A_82] : memref<16x16xi32, #tpu.memory_space<vmem>> -> memref<1x16xi32, #tpu.memory_space<vmem>>
        %dma_start3A_84 = tpu.memref_squeeze %dma_start3A_83 : memref<1x16xi32, #tpu.memory_space<vmem>> -> memref<16xi32, #tpu.memory_space<vmem>>
        %dma_start3A_85 = arith.constant 0 : i32
        %dma_start3A_86 = arith.constant 0 : i32
        %dma_start3A_87 = tpu.memref_slice %arg7[%dma_start3A_85, %dma_start3A_86] : memref<10000x128xf32, #tpu.memory_space<vmem_shared>> -> memref<10000x128xf32, #tpu.memory_space<vmem_shared>>
        tpu.enqueue_indirect_dma source(%dma_start3A_87 : memref<10000x128xf32, #tpu.memory_space<vmem_shared>>) target(%arg12 : memref<16x128xf32, #tpu.memory_space<vmem>>) offsets(%dma_start3A_84 : memref<16xi32, #tpu.memory_space<vmem>>) semaphore(%arg14 : memref<!tpu.dma_semaphore, #tpu.memory_space<semaphore_mem>>)
      }
      %scan3A_36 = arith.constant 7 : i32
      %dma_wait3A = arith.constant 14 : i32
      %dma_wait3A_37 = arith.constant 0 : i32
      %dma_wait3A_38 = tpu.memref_slice %arg9[%dma_wait3A, %dma_wait3A_37] : memref<16x16xi32, #tpu.memory_space<vmem>> -> memref<1x16xi32, #tpu.memory_space<vmem>>
      %dma_wait3A_39 = tpu.memref_squeeze %dma_wait3A_38 : memref<1x16xi32, #tpu.memory_space<vmem>> -> memref<16xi32, #tpu.memory_space<vmem>>
      %dma_wait3A_40 = arith.constant 0 : i32
      %dma_wait3A_41 = arith.constant 0 : i32
      %dma_wait3A_42 = tpu.memref_slice %arg7[%dma_wait3A_40, %dma_wait3A_41] : memref<10000x128xf32, #tpu.memory_space<vmem_shared>> -> memref<10000x128xf32, #tpu.memory_space<vmem_shared>>
      tpu.wait_indirect_dma semaphore(%arg13 : memref<!tpu.dma_semaphore, #tpu.memory_space<semaphore_mem>>) src(%dma_wait3A_42 : memref<10000x128xf32, #tpu.memory_space<vmem_shared>>) dst(%arg11 : memref<16x128xf32, #tpu.memory_space<vmem>>)
      %run_scoped3A = arith.constant 14 : i32
      "tpu.region"() ({
        %run_scoped3A_51 = tpu.sem_alloc : memref<!tpu.dma_semaphore, #tpu.memory_space<semaphore_mem>>
        %dma_start3A_52 = arith.constant 0 : i32
        %dma_start3A_53 = tpu.memref_slice %arg10[%run_scoped3A, %dma_start3A_52] : memref<16x16xi32, #tpu.memory_space<vmem>> -> memref<1x16xi32, #tpu.memory_space<vmem>>
        %dma_start3A_54 = tpu.memref_squeeze %dma_start3A_53 : memref<1x16xi32, #tpu.memory_space<vmem>> -> memref<16xi32, #tpu.memory_space<vmem>>
        %dma_start3A_55 = arith.constant 0 : i32
        %dma_start3A_56 = arith.constant 0 : i32
        %dma_start3A_57 = tpu.memref_slice %arg8[%dma_start3A_55, %dma_start3A_56] : memref<5120x128xf32, #tpu.memory_space<vmem_shared>> -> memref<5120x128xf32, #tpu.memory_space<vmem_shared>>
        tpu.enqueue_indirect_dma source(%arg11 : memref<16x128xf32, #tpu.memory_space<vmem>>) target(%dma_start3A_57 : memref<5120x128xf32, #tpu.memory_space<vmem_shared>>) offsets(%dma_start3A_54 : memref<16xi32, #tpu.memory_space<vmem>>) semaphore(%run_scoped3A_51 : memref<!tpu.dma_semaphore, #tpu.memory_space<semaphore_mem>>) {add = true}
        %dma_wait3A_58 = arith.constant 0 : i32
        %dma_wait3A_59 = tpu.memref_slice %arg10[%run_scoped3A, %dma_wait3A_58] : memref<16x16xi32, #tpu.memory_space<vmem>> -> memref<1x16xi32, #tpu.memory_space<vmem>>
        %dma_wait3A_60 = tpu.memref_squeeze %dma_wait3A_59 : memref<1x16xi32, #tpu.memory_space<vmem>> -> memref<16xi32, #tpu.memory_space<vmem>>
        %dma_wait3A_61 = arith.constant 0 : i32
        %dma_wait3A_62 = arith.constant 0 : i32
        %dma_wait3A_63 = tpu.memref_slice %arg8[%dma_wait3A_61, %dma_wait3A_62] : memref<5120x128xf32, #tpu.memory_space<vmem_shared>> -> memref<5120x128xf32, #tpu.memory_space<vmem_shared>>
        tpu.wait_indirect_dma semaphore(%run_scoped3A_51 : memref<!tpu.dma_semaphore, #tpu.memory_space<semaphore_mem>>) src(%arg11 : memref<16x128xf32, #tpu.memory_space<vmem>>) dst(%dma_wait3A_63 : memref<5120x128xf32, #tpu.memory_space<vmem_shared>>)
        tpu.yield
      }) : () -> ()
      %dma_wait3A_43 = arith.constant 15 : i32
      %dma_wait3A_44 = arith.constant 0 : i32
      %dma_wait3A_45 = tpu.memref_slice %arg9[%dma_wait3A_43, %dma_wait3A_44] : memref<16x16xi32, #tpu.memory_space<vmem>> -> memref<1x16xi32, #tpu.memory_space<vmem>>
      %dma_wait3A_46 = tpu.memref_squeeze %dma_wait3A_45 : memref<1x16xi32, #tpu.memory_space<vmem>> -> memref<16xi32, #tpu.memory_space<vmem>>
      %dma_wait3A_47 = arith.constant 0 : i32
      %dma_wait3A_48 = arith.constant 0 : i32
      %dma_wait3A_49 = tpu.memref_slice %arg7[%dma_wait3A_47, %dma_wait3A_48] : memref<10000x128xf32, #tpu.memory_space<vmem_shared>> -> memref<10000x128xf32, #tpu.memory_space<vmem_shared>>
      tpu.wait_indirect_dma semaphore(%arg14 : memref<!tpu.dma_semaphore, #tpu.memory_space<semaphore_mem>>) src(%dma_wait3A_49 : memref<10000x128xf32, #tpu.memory_space<vmem_shared>>) dst(%arg12 : memref<16x128xf32, #tpu.memory_space<vmem>>)
      %run_scoped3A_50 = arith.constant 15 : i32
      "tpu.region"() ({
        %run_scoped3A_51 = tpu.sem_alloc : memref<!tpu.dma_semaphore, #tpu.memory_space<semaphore_mem>>
        %dma_start3A_52 = arith.constant 0 : i32
        %dma_start3A_53 = tpu.memref_slice %arg10[%run_scoped3A_50, %dma_start3A_52] : memref<16x16xi32, #tpu.memory_space<vmem>> -> memref<1x16xi32, #tpu.memory_space<vmem>>
        %dma_start3A_54 = tpu.memref_squeeze %dma_start3A_53 : memref<1x16xi32, #tpu.memory_space<vmem>> -> memref<16xi32, #tpu.memory_space<vmem>>
        %dma_start3A_55 = arith.constant 0 : i32
        %dma_start3A_56 = arith.constant 0 : i32
        %dma_start3A_57 = tpu.memref_slice %arg8[%dma_start3A_55, %dma_start3A_56] : memref<5120x128xf32, #tpu.memory_space<vmem_shared>> -> memref<5120x128xf32, #tpu.memory_space<vmem_shared>>
        tpu.enqueue_indirect_dma source(%arg12 : memref<16x128xf32, #tpu.memory_space<vmem>>) target(%dma_start3A_57 : memref<5120x128xf32, #tpu.memory_space<vmem_shared>>) offsets(%dma_start3A_54 : memref<16xi32, #tpu.memory_space<vmem>>) semaphore(%run_scoped3A_51 : memref<!tpu.dma_semaphore, #tpu.memory_space<semaphore_mem>>) {add = true}
        %dma_wait3A_58 = arith.constant 0 : i32
        %dma_wait3A_59 = tpu.memref_slice %arg10[%run_scoped3A_50, %dma_wait3A_58] : memref<16x16xi32, #tpu.memory_space<vmem>> -> memref<1x16xi32, #tpu.memory_space<vmem>>
        %dma_wait3A_60 = tpu.memref_squeeze %dma_wait3A_59 : memref<1x16xi32, #tpu.memory_space<vmem>> -> memref<16xi32, #tpu.memory_space<vmem>>
        %dma_wait3A_61 = arith.constant 0 : i32
        %dma_wait3A_62 = arith.constant 0 : i32
        %dma_wait3A_63 = tpu.memref_slice %arg8[%dma_wait3A_61, %dma_wait3A_62] : memref<5120x128xf32, #tpu.memory_space<vmem_shared>> -> memref<5120x128xf32, #tpu.memory_space<vmem_shared>>
        tpu.wait_indirect_dma semaphore(%run_scoped3A_51 : memref<!tpu.dma_semaphore, #tpu.memory_space<semaphore_mem>>) src(%arg12 : memref<16x128xf32, #tpu.memory_space<vmem>>) dst(%dma_wait3A_63 : memref<5120x128xf32, #tpu.memory_space<vmem_shared>>)
        tpu.yield
      }) : () -> ()
    }
    %scan3A_7 = arith.constant 80 : i32
    %barrier3A_8 = arith.constant 0 : index
    tpu.barrier barrier_id(%barrier3A_8)
    %mul3A_9 = arith.constant 320 : i32
    %mul3A_10 = arith.muli %arg1, %mul3A_9 : i32
    %mul3A_11 = arith.constant 320 : i32
    %mul3A_12 = arith.muli %arg1, %mul3A_11 : i32
    "tpu.region"() ({
      %run_scoped3A = tpu.sem_alloc : memref<!tpu.dma_semaphore, #tpu.memory_space<semaphore_mem>>
      %dma_start3A = arith.constant 0 : i32
      %dma_start3A_13 = tpu.memref_slice %arg6[%arg0, %mul3A_12, %dma_start3A] : memref<2x5120x128xf32, #tpu.memory_space<hbm>> -> memref<1x320x128xf32, #tpu.memory_space<hbm>>
      %dma_start3A_14 = tpu.memref_squeeze %dma_start3A_13 : memref<1x320x128xf32, #tpu.memory_space<hbm>> -> memref<320x128xf32, #tpu.memory_space<hbm>>
      %dma_start3A_15 = arith.constant 0 : i32
      %dma_start3A_16 = tpu.memref_slice %arg8[%mul3A_10, %dma_start3A_15] : memref<5120x128xf32, #tpu.memory_space<vmem_shared>> -> memref<320x128xf32, #tpu.memory_space<vmem_shared>>
      tpu.enqueue_dma source(%dma_start3A_16 : memref<320x128xf32, #tpu.memory_space<vmem_shared>>) target(%dma_start3A_14 : memref<320x128xf32, #tpu.memory_space<hbm>>) target_semaphore(%run_scoped3A : memref<!tpu.dma_semaphore, #tpu.memory_space<semaphore_mem>>)
      %dma_wait3A = arith.constant 0 : i32
      %dma_wait3A_17 = tpu.memref_slice %arg6[%arg0, %mul3A_12, %dma_wait3A] : memref<2x5120x128xf32, #tpu.memory_space<hbm>> -> memref<1x320x128xf32, #tpu.memory_space<hbm>>
      %dma_wait3A_18 = tpu.memref_squeeze %dma_wait3A_17 : memref<1x320x128xf32, #tpu.memory_space<hbm>> -> memref<320x128xf32, #tpu.memory_space<hbm>>
      %dma_wait3A_19 = arith.constant 0 : i32
      %dma_wait3A_20 = tpu.memref_slice %arg8[%mul3A_10, %dma_wait3A_19] : memref<5120x128xf32, #tpu.memory_space<vmem_shared>> -> memref<320x128xf32, #tpu.memory_space<vmem_shared>>
      tpu.wait_dma2 semaphore(%run_scoped3A : memref<!tpu.dma_semaphore, #tpu.memory_space<semaphore_mem>>) src(%dma_wait3A_20 : memref<320x128xf32, #tpu.memory_space<vmem_shared>>) dst(%dma_wait3A_18 : memref<320x128xf32, #tpu.memory_space<hbm>>)
      tpu.yield
    }) : () -> ()
    return
  }
}

module attributes {stable_mosaic.version = 14 : i64} {
  func.func @_prep1_body(%arg0: i32, %arg1: memref<1000x128xf32, #tpu.memory_space<vmem>>, %arg2: memref<128x128xf32, #tpu.memory_space<vmem>>, %arg3: memref<2x1000x128xf32, #tpu.memory_space<vmem>>, %arg4: memref<1000x128xf32, #tpu.memory_space<vmem>>) attributes {dimension_semantics = [#tpu.dimension_semantics<arbitrary>], iteration_bounds = array<i64: 10>, scalar_prefetch = 0 : i64, scratch_operands = 0 : i64, tpu.core_type = #tpu.core_type<tc>, window_params = [{transform_indices = @transform_0, window_bounds = array<i64: 1000, 128>}, {pipeline_mode = #tpu.pipeline_mode<synchronous>, transform_indices = @transform_1, window_bounds = array<i64: 128, 128>}, {transform_indices = @transform_2, window_bounds = array<i64: 2, 1000, 128>}, {transform_indices = @transform_3, window_bounds = array<i64: 1000, 128>}]} {
    %get3A = arith.constant 0 : index
    %get3A_0 = arith.constant 0 : index
    %get3A_1 = vector.load %arg1[%get3A, %get3A_0] : memref<1000x128xf32, #tpu.memory_space<vmem>>, vector<1000x128xf32>
    %get3A_2 = arith.constant 0 : index
    %get3A_3 = arith.constant 0 : index
    %get3A_4 = vector.load %arg2[%get3A_2, %get3A_3] : memref<128x128xf32, #tpu.memory_space<vmem>>, vector<128x128xf32>
    %dot_general3A = arith.constant dense<0.000000e+00> : vector<1000x128xf32>
    %dot_general3A_5 = tpu.matmul %get3A_1, %get3A_4, %dot_general3A {dimension_numbers = #tpu.dot_dimension_numbers<[1], [1], [0], [0], [0, 0, 1, 0], [], []>, transpose_lhs_hint = false} : vector<1000x128xf32>, vector<128x128xf32>, vector<1000x128xf32> -> vector<1000x128xf32>
    %get3A_6 = arith.constant 0 : index
    %get3A_7 = arith.constant 0 : index
    %get3A_8 = arith.constant 0 : index
    %get3A_9 = vector.load %arg3[%get3A_6, %get3A_7, %get3A_8] : memref<2x1000x128xf32, #tpu.memory_space<vmem>>, vector<1x1000x128xf32>
    %get3A_10 = vector.shape_cast %get3A_9 : vector<1x1000x128xf32> to vector<1000x128xf32>
    %slice3A = vector.extract_strided_slice %get3A_10 {offsets = [0, 0], sizes = [1000, 1], strides = [1, 1]} : vector<1000x128xf32> to vector<1000x1xf32>
    %get3A_11 = arith.constant 1 : index
    %get3A_12 = arith.constant 0 : index
    %get3A_13 = arith.constant 0 : index
    %get3A_14 = vector.load %arg3[%get3A_11, %get3A_12, %get3A_13] : memref<2x1000x128xf32, #tpu.memory_space<vmem>>, vector<1x1000x128xf32>
    %get3A_15 = vector.shape_cast %get3A_14 : vector<1x1000x128xf32> to vector<1000x128xf32>
    %slice3A_16 = vector.extract_strided_slice %get3A_15 {offsets = [0, 0], sizes = [1000, 1], strides = [1, 1]} : vector<1000x128xf32> to vector<1000x1xf32>
    %add3A = arith.addf %slice3A, %slice3A_16 : vector<1000x1xf32>
    %add3A_17 = arith.constant 1.000000e+00 : f32
    %add3A_18 = vector.broadcast %add3A_17 : f32 to vector<1000x1xf32>
    %add3A_19 = arith.addf %add3A, %add3A_18 : vector<1000x1xf32>
    %rsqrt3A = math.rsqrt %add3A_19 : vector<1000x1xf32>
    %mul3A = vector.broadcast %rsqrt3A : vector<1000x1xf32> to vector<1000x128xf32>
    %mul3A_20 = arith.mulf %dot_general3A_5, %mul3A : vector<1000x128xf32>
    %swap3A = arith.constant 0 : index
    %swap3A_21 = arith.constant 0 : index
    %swap3A_22 = vector.load %arg4[%swap3A, %swap3A_21] : memref<1000x128xf32, #tpu.memory_space<vmem>>, vector<1000x128xf32>
    tpu.vector_store %arg4[%swap3A, %swap3A_21], %mul3A_20 {strides = array<i32>} : memref<1000x128xf32, #tpu.memory_space<vmem>>, vector<1000x128xf32>,
    return
  }
  func.func @transform_0(%arg0: i32) -> (i32, i32) {
    %c0_i32 = arith.constant 0 : i32
    %c0_i32_0 = arith.constant 0 : i32
    return %arg0, %c0_i32 : i32, i32
  }
  func.func @transform_1(%arg0: i32) -> (i32, i32) {
    %c0_i32 = arith.constant 0 : i32
    %c0_i32_0 = arith.constant 0 : i32
    %c0_i32_1 = arith.constant 0 : i32
    return %c0_i32, %c0_i32_0 : i32, i32
  }
  func.func @transform_2(%arg0: i32) -> (i32, i32, i32) {
    %c0_i32 = arith.constant 0 : i32
    %c0_i32_0 = arith.constant 0 : i32
    %c0_i32_1 = arith.constant 0 : i32
    return %c0_i32, %arg0, %c0_i32_0 : i32, i32, i32
  }
  func.func @transform_3(%arg0: i32) -> (i32, i32) {
    %c0_i32 = arith.constant 0 : i32
    %c0_i32_0 = arith.constant 0 : i32
    return %arg0, %c0_i32 : i32, i32
  }
}

module attributes {stable_mosaic.version = 14 : i64} {
  func.func @_prep2_body(%arg0: i32, %arg1: memref<1x1000x128xf32, #tpu.memory_space<vmem>>, %arg2: memref<1000x128xf32, #tpu.memory_space<vmem>>, %arg3: memref<2x1000x128xf32, #tpu.memory_space<vmem>>, %arg4: memref<1x128xf32, #tpu.memory_space<vmem>>, %arg5: memref<128x128xf32, #tpu.memory_space<vmem>>, %arg6: memref<1000x128xf32, #tpu.memory_space<vmem>>) attributes {dimension_semantics = [#tpu.dimension_semantics<arbitrary>], iteration_bounds = array<i64: 10>, scalar_prefetch = 0 : i64, scratch_operands = 0 : i64, tpu.core_type = #tpu.core_type<tc>, window_params = [{transform_indices = @transform_0, window_bounds = array<i64: 1, 1000, 128>}, {transform_indices = @transform_1, window_bounds = array<i64: 1000, 128>}, {transform_indices = @transform_2, window_bounds = array<i64: 2, 1000, 128>}, {pipeline_mode = #tpu.pipeline_mode<synchronous>, transform_indices = @transform_3, window_bounds = array<i64: 1, 128>}, {pipeline_mode = #tpu.pipeline_mode<synchronous>, transform_indices = @transform_4, window_bounds = array<i64: 128, 128>}, {transform_indices = @transform_5, window_bounds = array<i64: 1000, 128>}]} {
    %get3A = arith.constant 0 : index
    %get3A_0 = arith.constant 0 : index
    %get3A_1 = arith.constant 0 : index
    %get3A_2 = vector.load %arg3[%get3A, %get3A_0, %get3A_1] : memref<2x1000x128xf32, #tpu.memory_space<vmem>>, vector<1x1000x128xf32>
    %get3A_3 = vector.shape_cast %get3A_2 : vector<1x1000x128xf32> to vector<1000x128xf32>
    %slice3A = vector.extract_strided_slice %get3A_3 {offsets = [0, 0], sizes = [1000, 1], strides = [1, 1]} : vector<1000x128xf32> to vector<1000x1xf32>
    %get3A_4 = arith.constant 1 : index
    %get3A_5 = arith.constant 0 : index
    %get3A_6 = arith.constant 0 : index
    %get3A_7 = vector.load %arg3[%get3A_4, %get3A_5, %get3A_6] : memref<2x1000x128xf32, #tpu.memory_space<vmem>>, vector<1x1000x128xf32>
    %get3A_8 = vector.shape_cast %get3A_7 : vector<1x1000x128xf32> to vector<1000x128xf32>
    %slice3A_9 = vector.extract_strided_slice %get3A_8 {offsets = [0, 0], sizes = [1000, 1], strides = [1, 1]} : vector<1000x128xf32> to vector<1000x1xf32>
    %add3A = arith.addf %slice3A, %slice3A_9 : vector<1000x1xf32>
    %add3A_10 = arith.constant 1.000000e+00 : f32
    %add3A_11 = vector.broadcast %add3A_10 : f32 to vector<1000x1xf32>
    %add3A_12 = arith.addf %add3A, %add3A_11 : vector<1000x1xf32>
    %rsqrt3A = math.rsqrt %add3A_12 : vector<1000x1xf32>
    %get3A_13 = arith.constant 0 : index
    %get3A_14 = arith.constant 0 : index
    %get3A_15 = arith.constant 0 : index
    %get3A_16 = vector.load %arg1[%get3A_13, %get3A_14, %get3A_15] : memref<1x1000x128xf32, #tpu.memory_space<vmem>>, vector<1x1000x128xf32>
    %get3A_17 = vector.shape_cast %get3A_16 : vector<1x1000x128xf32> to vector<1000x128xf32>
    %get3A_18 = arith.constant 0 : index
    %get3A_19 = arith.constant 0 : index
    %get3A_20 = vector.load %arg2[%get3A_18, %get3A_19] : memref<1000x128xf32, #tpu.memory_space<vmem>>, vector<1000x128xf32>
    %add3A_21 = arith.addf %get3A_17, %get3A_20 : vector<1000x128xf32>
    %mul3A = vector.broadcast %rsqrt3A : vector<1000x1xf32> to vector<1000x128xf32>
    %mul3A_22 = arith.mulf %mul3A, %add3A_21 : vector<1000x128xf32>
    %get3A_23 = arith.constant 0 : index
    %get3A_24 = arith.constant 0 : index
    %get3A_25 = vector.load %arg4[%get3A_23, %get3A_24] : memref<1x128xf32, #tpu.memory_space<vmem>>, vector<1x128xf32>
    %add3A_26 = vector.broadcast %get3A_25 : vector<1x128xf32> to vector<1000x128xf32>
    %add3A_27 = arith.addf %mul3A_22, %add3A_26 : vector<1000x128xf32>
    %max3A = arith.constant 0.000000e+00 : f32
    %max3A_28 = vector.broadcast %max3A : f32 to vector<1000x128xf32>
    %max3A_29 = arith.maximumf %add3A_27, %max3A_28 : vector<1000x128xf32>
    %get3A_30 = arith.constant 0 : index
    %get3A_31 = arith.constant 0 : index
    %get3A_32 = vector.load %arg5[%get3A_30, %get3A_31] : memref<128x128xf32, #tpu.memory_space<vmem>>, vector<128x128xf32>
    %dot_general3A = arith.constant dense<0.000000e+00> : vector<1000x128xf32>
    %dot_general3A_33 = tpu.matmul %max3A_29, %get3A_32, %dot_general3A {dimension_numbers = #tpu.dot_dimension_numbers<[1], [1], [0], [0], [0, 0, 1, 0], [], []>, transpose_lhs_hint = false} : vector<1000x128xf32>, vector<128x128xf32>, vector<1000x128xf32> -> vector<1000x128xf32>
    %mul3A_34 = vector.broadcast %rsqrt3A : vector<1000x1xf32> to vector<1000x128xf32>
    %mul3A_35 = arith.mulf %dot_general3A_33, %mul3A_34 : vector<1000x128xf32>
    %swap3A = arith.constant 0 : index
    %swap3A_36 = arith.constant 0 : index
    %swap3A_37 = vector.load %arg6[%swap3A, %swap3A_36] : memref<1000x128xf32, #tpu.memory_space<vmem>>, vector<1000x128xf32>
    tpu.vector_store %arg6[%swap3A, %swap3A_36], %mul3A_35 {strides = array<i32>} : memref<1000x128xf32, #tpu.memory_space<vmem>>, vector<1000x128xf32>,
    return
  }
  func.func @transform_0(%arg0: i32) -> (i32, i32, i32) {
    %jit3A = arith.constant 5 : i32
    %div3A = arith.divsi %arg0, %jit3A : i32
    %sign3A = arith.constant 0 : i32
    %sign3A_0 = arith.cmpi sgt, %arg0, %sign3A : i32
    %sign3A_1 = arith.extui %sign3A_0 : i1 to i32
    %sign3A_2 = arith.constant 0 : i32
    %sign3A_3 = arith.cmpi slt, %arg0, %sign3A_2 : i32
    %sign3A_4 = arith.extui %sign3A_3 : i1 to i32
    %sign3A_5 = arith.subi %sign3A_1, %sign3A_4 : i32
    %sign3A_6 = arith.constant 0 : i32
    %sign3A_7 = arith.cmpi sgt, %jit3A, %sign3A_6 : i32
    %sign3A_8 = arith.extui %sign3A_7 : i1 to i32
    %sign3A_9 = arith.constant 0 : i32
    %sign3A_10 = arith.cmpi slt, %jit3A, %sign3A_9 : i32
    %sign3A_11 = arith.extui %sign3A_10 : i1 to i32
    %sign3A_12 = arith.subi %sign3A_8, %sign3A_11 : i32
    %ne3A = arith.cmpi ne, %sign3A_5, %sign3A_12 : i32
    %rem3A = arith.remsi %arg0, %jit3A : i32
    %ne3A_13 = arith.constant 0 : i32
    %ne3A_14 = arith.cmpi ne, %rem3A, %ne3A_13 : i32
    %and3A = arith.andi %ne3A, %ne3A_14 : i1
    %sub3A = arith.constant 1 : i32
    %sub3A_15 = arith.subi %div3A, %sub3A : i32
    %select_n3A = arith.select %and3A, %sub3A_15, %div3A : i32
    %jit3A_16 = arith.constant 5 : i32
    %eq3A = arith.constant 0 : i32
    %eq3A_17 = arith.cmpi eq, %jit3A_16, %eq3A : i32
    %jit3A_18 = arith.constant 1 : i32
    %select_n3A_19 = arith.select %eq3A_17, %jit3A_18, %jit3A_16 : i32
    %rem3A_20 = arith.remsi %arg0, %select_n3A_19 : i32
    %ne3A_21 = arith.constant 0 : i32
    %ne3A_22 = arith.cmpi ne, %rem3A_20, %ne3A_21 : i32
    %lt3A = arith.constant 0 : i32
    %lt3A_23 = arith.cmpi slt, %rem3A_20, %lt3A : i32
    %lt3A_24 = arith.constant 0 : i32
    %lt3A_25 = arith.cmpi slt, %select_n3A_19, %lt3A_24 : i32
    %ne3A_26 = arith.xori %lt3A_23, %lt3A_25 : i1
    %and3A_27 = arith.andi %ne3A_26, %ne3A_22 : i1
    %add3A = arith.addi %rem3A_20, %select_n3A_19 : i32
    %select_n3A_28 = arith.select %and3A_27, %add3A, %rem3A_20 : i32
    %c0_i32 = arith.constant 0 : i32
    %c0_i32_29 = arith.constant 0 : i32
    return %select_n3A, %select_n3A_28, %c0_i32 : i32, i32, i32
  }
  func.func @transform_1(%arg0: i32) -> (i32, i32) {
    %c0_i32 = arith.constant 0 : i32
    %c0_i32_0 = arith.constant 0 : i32
    return %arg0, %c0_i32 : i32, i32
  }
  func.func @transform_2(%arg0: i32) -> (i32, i32, i32) {
    %c0_i32 = arith.constant 0 : i32
    %c0_i32_0 = arith.constant 0 : i32
    %c0_i32_1 = arith.constant 0 : i32
    return %c0_i32, %arg0, %c0_i32_0 : i32, i32, i32
  }
  func.func @transform_3(%arg0: i32) -> (i32, i32) {
    %c0_i32 = arith.constant 0 : i32
    %c0_i32_0 = arith.constant 0 : i32
    %c0_i32_1 = arith.constant 0 : i32
    return %c0_i32, %c0_i32_0 : i32, i32
  }
  func.func @transform_4(%arg0: i32) -> (i32, i32) {
    %c0_i32 = arith.constant 0 : i32
    %c0_i32_0 = arith.constant 0 : i32
    %c0_i32_1 = arith.constant 0 : i32
    return %c0_i32, %c0_i32_0 : i32, i32
  }
  func.func @transform_5(%arg0: i32) -> (i32, i32) {
    %c0_i32 = arith.constant 0 : i32
    %c0_i32_0 = arith.constant 0 : i32
    return %arg0, %c0_i32 : i32, i32
  }
}

module attributes {stable_mosaic.version = 14 : i64} {
  func.func @_final_body(%arg0: i32, %arg1: memref<1x1000x128xf32, #tpu.memory_space<vmem>>, %arg2: memref<1000x128xf32, #tpu.memory_space<vmem>>, %arg3: memref<2x1000x128xf32, #tpu.memory_space<vmem>>, %arg4: memref<1x64xf32, #tpu.memory_space<vmem>>, %arg5: memref<1x64xf32, #tpu.memory_space<vmem>>, %arg6: memref<1000x64xf32, #tpu.memory_space<vmem>>, %arg7: memref<1000x64xf32, #tpu.memory_space<vmem>>) attributes {dimension_semantics = [#tpu.dimension_semantics<arbitrary>], iteration_bounds = array<i64: 10>, scalar_prefetch = 0 : i64, scratch_operands = 0 : i64, tpu.core_type = #tpu.core_type<tc>, window_params = [{transform_indices = @transform_0, window_bounds = array<i64: 1, 1000, 128>}, {transform_indices = @transform_1, window_bounds = array<i64: 1000, 128>}, {transform_indices = @transform_2, window_bounds = array<i64: 2, 1000, 128>}, {pipeline_mode = #tpu.pipeline_mode<synchronous>, transform_indices = @transform_3, window_bounds = array<i64: 1, 64>}, {pipeline_mode = #tpu.pipeline_mode<synchronous>, transform_indices = @transform_4, window_bounds = array<i64: 1, 64>}, {transform_indices = @transform_5, window_bounds = array<i64: 1000, 64>}, {transform_indices = @transform_6, window_bounds = array<i64: 1000, 64>}]} {
    %get3A = arith.constant 0 : index
    %get3A_0 = arith.constant 0 : index
    %get3A_1 = arith.constant 0 : index
    %get3A_2 = vector.load %arg3[%get3A, %get3A_0, %get3A_1] : memref<2x1000x128xf32, #tpu.memory_space<vmem>>, vector<1x1000x128xf32>
    %get3A_3 = vector.shape_cast %get3A_2 : vector<1x1000x128xf32> to vector<1000x128xf32>
    %slice3A = vector.extract_strided_slice %get3A_3 {offsets = [0, 0], sizes = [1000, 1], strides = [1, 1]} : vector<1000x128xf32> to vector<1000x1xf32>
    %get3A_4 = arith.constant 1 : index
    %get3A_5 = arith.constant 0 : index
    %get3A_6 = arith.constant 0 : index
    %get3A_7 = vector.load %arg3[%get3A_4, %get3A_5, %get3A_6] : memref<2x1000x128xf32, #tpu.memory_space<vmem>>, vector<1x1000x128xf32>
    %get3A_8 = vector.shape_cast %get3A_7 : vector<1x1000x128xf32> to vector<1000x128xf32>
    %slice3A_9 = vector.extract_strided_slice %get3A_8 {offsets = [0, 0], sizes = [1000, 1], strides = [1, 1]} : vector<1000x128xf32> to vector<1000x1xf32>
    %add3A = arith.addf %slice3A, %slice3A_9 : vector<1000x1xf32>
    %add3A_10 = arith.constant 1.000000e+00 : f32
    %add3A_11 = vector.broadcast %add3A_10 : f32 to vector<1000x1xf32>
    %add3A_12 = arith.addf %add3A, %add3A_11 : vector<1000x1xf32>
    %rsqrt3A = math.rsqrt %add3A_12 : vector<1000x1xf32>
    %get3A_13 = arith.constant 0 : index
    %get3A_14 = arith.constant 0 : index
    %get3A_15 = arith.constant 0 : index
    %get3A_16 = vector.load %arg1[%get3A_13, %get3A_14, %get3A_15] : memref<1x1000x128xf32, #tpu.memory_space<vmem>>, vector<1x1000x128xf32>
    %get3A_17 = vector.shape_cast %get3A_16 : vector<1x1000x128xf32> to vector<1000x128xf32>
    %get3A_18 = arith.constant 0 : index
    %get3A_19 = arith.constant 0 : index
    %get3A_20 = vector.load %arg2[%get3A_18, %get3A_19] : memref<1000x128xf32, #tpu.memory_space<vmem>>, vector<1000x128xf32>
    %add3A_21 = arith.addf %get3A_17, %get3A_20 : vector<1000x128xf32>
    %mul3A = vector.broadcast %rsqrt3A : vector<1000x1xf32> to vector<1000x128xf32>
    %mul3A_22 = arith.mulf %mul3A, %add3A_21 : vector<1000x128xf32>
    %slice3A_23 = vector.extract_strided_slice %mul3A_22 {offsets = [0, 0], sizes = [1000, 64], strides = [1, 1]} : vector<1000x128xf32> to vector<1000x64xf32>
    %get3A_24 = arith.constant 0 : index
    %get3A_25 = arith.constant 0 : index
    %get3A_26 = vector.load %arg4[%get3A_24, %get3A_25] : memref<1x64xf32, #tpu.memory_space<vmem>>, vector<1x64xf32>
    %add3A_27 = vector.broadcast %get3A_26 : vector<1x64xf32> to vector<1000x64xf32>
    %add3A_28 = arith.addf %slice3A_23, %add3A_27 : vector<1000x64xf32>
    %swap3A = arith.constant 0 : index
    %swap3A_29 = arith.constant 0 : index
    %swap3A_30 = vector.load %arg6[%swap3A, %swap3A_29] : memref<1000x64xf32, #tpu.memory_space<vmem>>, vector<1000x64xf32>
    tpu.vector_store %arg6[%swap3A, %swap3A_29], %add3A_28 {strides = array<i32>} : memref<1000x64xf32, #tpu.memory_space<vmem>>, vector<1000x64xf32>,
    %slice3A_31 = vector.extract_strided_slice %mul3A_22 {offsets = [0, 64], sizes = [1000, 64], strides = [1, 1]} : vector<1000x128xf32> to vector<1000x64xf32>
    %get3A_32 = arith.constant 0 : index
    %get3A_33 = arith.constant 0 : index
    %get3A_34 = vector.load %arg5[%get3A_32, %get3A_33] : memref<1x64xf32, #tpu.memory_space<vmem>>, vector<1x64xf32>
    %add3A_35 = vector.broadcast %get3A_34 : vector<1x64xf32> to vector<1000x64xf32>
    %add3A_36 = arith.addf %slice3A_31, %add3A_35 : vector<1000x64xf32>
    %swap3A_37 = arith.constant 0 : index
    %swap3A_38 = arith.constant 0 : index
    %swap3A_39 = vector.load %arg7[%swap3A_37, %swap3A_38] : memref<1000x64xf32, #tpu.memory_space<vmem>>, vector<1000x64xf32>
    tpu.vector_store %arg7[%swap3A_37, %swap3A_38], %add3A_36 {strides = array<i32>} : memref<1000x64xf32, #tpu.memory_space<vmem>>, vector<1000x64xf32>,
    return
  }
  func.func @transform_0(%arg0: i32) -> (i32, i32, i32) {
    %jit3A = arith.constant 5 : i32
    %div3A = arith.divsi %arg0, %jit3A : i32
    %sign3A = arith.constant 0 : i32
    %sign3A_0 = arith.cmpi sgt, %arg0, %sign3A : i32
    %sign3A_1 = arith.extui %sign3A_0 : i1 to i32
    %sign3A_2 = arith.constant 0 : i32
    %sign3A_3 = arith.cmpi slt, %arg0, %sign3A_2 : i32
    %sign3A_4 = arith.extui %sign3A_3 : i1 to i32
    %sign3A_5 = arith.subi %sign3A_1, %sign3A_4 : i32
    %sign3A_6 = arith.constant 0 : i32
    %sign3A_7 = arith.cmpi sgt, %jit3A, %sign3A_6 : i32
    %sign3A_8 = arith.extui %sign3A_7 : i1 to i32
    %sign3A_9 = arith.constant 0 : i32
    %sign3A_10 = arith.cmpi slt, %jit3A, %sign3A_9 : i32
    %sign3A_11 = arith.extui %sign3A_10 : i1 to i32
    %sign3A_12 = arith.subi %sign3A_8, %sign3A_11 : i32
    %ne3A = arith.cmpi ne, %sign3A_5, %sign3A_12 : i32
    %rem3A = arith.remsi %arg0, %jit3A : i32
    %ne3A_13 = arith.constant 0 : i32
    %ne3A_14 = arith.cmpi ne, %rem3A, %ne3A_13 : i32
    %and3A = arith.andi %ne3A, %ne3A_14 : i1
    %sub3A = arith.constant 1 : i32
    %sub3A_15 = arith.subi %div3A, %sub3A : i32
    %select_n3A = arith.select %and3A, %sub3A_15, %div3A : i32
    %jit3A_16 = arith.constant 5 : i32
    %eq3A = arith.constant 0 : i32
    %eq3A_17 = arith.cmpi eq, %jit3A_16, %eq3A : i32
    %jit3A_18 = arith.constant 1 : i32
    %select_n3A_19 = arith.select %eq3A_17, %jit3A_18, %jit3A_16 : i32
    %rem3A_20 = arith.remsi %arg0, %select_n3A_19 : i32
    %ne3A_21 = arith.constant 0 : i32
    %ne3A_22 = arith.cmpi ne, %rem3A_20, %ne3A_21 : i32
    %lt3A = arith.constant 0 : i32
    %lt3A_23 = arith.cmpi slt, %rem3A_20, %lt3A : i32
    %lt3A_24 = arith.constant 0 : i32
    %lt3A_25 = arith.cmpi slt, %select_n3A_19, %lt3A_24 : i32
    %ne3A_26 = arith.xori %lt3A_23, %lt3A_25 : i1
    %and3A_27 = arith.andi %ne3A_26, %ne3A_22 : i1
    %add3A = arith.addi %rem3A_20, %select_n3A_19 : i32
    %select_n3A_28 = arith.select %and3A_27, %add3A, %rem3A_20 : i32
    %c0_i32 = arith.constant 0 : i32
    %c0_i32_29 = arith.constant 0 : i32
    return %select_n3A, %select_n3A_28, %c0_i32 : i32, i32, i32
  }
  func.func @transform_1(%arg0: i32) -> (i32, i32) {
    %c0_i32 = arith.constant 0 : i32
    %c0_i32_0 = arith.constant 0 : i32
    return %arg0, %c0_i32 : i32, i32
  }
  func.func @transform_2(%arg0: i32) -> (i32, i32, i32) {
    %c0_i32 = arith.constant 0 : i32
    %c0_i32_0 = arith.constant 0 : i32
    %c0_i32_1 = arith.constant 0 : i32
    return %c0_i32, %arg0, %c0_i32_0 : i32, i32, i32
  }
  func.func @transform_3(%arg0: i32) -> (i32, i32) {
    %c0_i32 = arith.constant 0 : i32
    %c0_i32_0 = arith.constant 0 : i32
    %c0_i32_1 = arith.constant 0 : i32
    return %c0_i32, %c0_i32_0 : i32, i32
  }
  func.func @transform_4(%arg0: i32) -> (i32, i32) {
    %c0_i32 = arith.constant 0 : i32
    %c0_i32_0 = arith.constant 0 : i32
    %c0_i32_1 = arith.constant 0 : i32
    return %c0_i32, %c0_i32_0 : i32, i32
  }
  func.func @transform_5(%arg0: i32) -> (i32, i32) {
    %c0_i32 = arith.constant 0 : i32
    %c0_i32_0 = arith.constant 0 : i32
    return %arg0, %c0_i32 : i32, i32
  }
  func.func @transform_6(%arg0: i32) -> (i32, i32) {
    %c0_i32 = arith.constant 0 : i32
    %c0_i32_0 = arith.constant 0 : i32
    return %arg0, %c0_i32 : i32, i32
  }
}

</mosaic_0001>

<sc_bundles>
// kernel: kernel.11.cloned.1.call-start
scs
__scs_entry_jumppad:
0x0: {  	(pc) =	sbr.rel $0x88, $3  }
0x1: {  	(tag) =	ssettag $0x0;
	lr =	simm.s32 $0x1  }
0x2: {  	[smem:$0x3F99] =	sst lr;
	_ =	strace $0xD0000000  }
0x3: {  	_ = 	snop  }
0x4: {  	_ = 	snop  }
0x5: {  	_ = 	snop  }
0x6: {  	_ = 	snop  }
0x7: {  	_ = 	snop  }
__scs_overlays_trampoline_lowered:
0x8: {  	[smem:$0x3FA8] =	sst s0  }
0x9: {  	[smem:$0x3FA9] =	sst s1  }
0xa: {  	[smem:$0x3FAA] =	sst s2  }
0xb: {  	[smem:$0x3FAB] =	sst s3  }
0xc: {  	[smem:$0x3FAC] =	sst s4  }
0xd: {  	[smem:$0x3FAD] =	sst s5  }
0xe: {  	[smem:$0x3FAE] =	sst s6  }
0xf: {  	[smem:$0x3FAF] =	sst s7  }
0x10: {  	[smem:$0x3FB0] =	sst s8  }
0x11: {  	[smem:$0x3FB1] =	sst s9;
	s0 =	simm.s32 @!p0 $0x0  }
0x12: {  	s1 =	sld [smem:$0x3F97];
	s0 =	simm.s32 @p0 $0x1  }
0x13: {  	[smem:$0x3FB2] =	sst s0;
	s0 =	simm.s32 @!p1 $0x0  }
0x14: {  	s2 =	sld [smem:$0x3F96];
	s0 =	simm.s32 @p1 $0x1  }
0x15: {  	[smem:$0x3FB3] =	sst s0;
	s0 =	simm.s32 @!p2 $0x0  }
0x16: {  	s3 =	sld [smem:$0x3FDB];
	s0 =	simm.s32 @p2 $0x1  }
0x17: {  	s4 =	simm.s32 $0x1BF5;
	[smem:$0x3FB5] =	sst s0  }
0x18: {  	s0 =	sld [smem:$0x3F98];
	_ =	swait.ge [sflag:s4], $0x0  }
0x19: {  	s7 =	sld [smem:$0x3F99]  }
0x1a: {  	s8 =	sadd.s32 $0xFFFFE003, lr  }
0x1b: {  	s9 =	sadd.s32 $0xFFFFFEF7, lr;
	s5 =	simm.s32 $0xFFFFFFFF;
	p2 =	slt.u32 s8, $0xFFFFF086  }
0x1c: {  	p1 =	slt.u32 s9, $0xF7A;
	s5 =	simm.s32 @!p2 $0x0  }
0x1d: {  	s5 =	simm.s32 @p1 $0x1;
	p0 =	seq.s32 s7, s2  }
0x1e: {  	s7 =	smul.u32 @!p0 $0xF7A, s2;
	p2 =	seq.s32 @!p0 s5, $0x0  }
0x1f: {  	s9 =	smul.u32 $0xF7A, s1;
	s8 =	simm.s32 @!p0 $0x1BF5;
	p2 =	por !p2, p0  }
0x20: {  	[sflag:s8] =	ssyncset.s32 @!p0 $0xFFFFF086;
	s6 =	sadd.s32 @!p0 s3, s7;
	s7 =	simm.s32 @!p0 $0x108  }
0x21: {  	s3 =	sadd.s32 s3, s9;
	s6 =	sadd.s32 @!p0 $0x88, s6;
	s7 =	simm.s32 @p2 $0x1082  }
0x22: {  	[simem:s7], [sflag:s8] =	dma.local @!p0 [hbm:s6], $0xF7A  }
0x23: {  	s9 =	sor.u32 $0xD0000000, s2;
	s6 =	simm.s32 $0x108;
	_ =	swait.ge @!p0 [sflag:s8], $0x0  }
0x24: {  	s3 =	sadd.s32 $0x88, s3;
	s6 =	simm.s32 @!p1 $0x1082;
	[sflag:s4] =	ssyncset.s32 $0xFFFFF086  }
0x25: {  	[simem:s6], [sflag:s4] =	dma.local [hbm:s3], $0xF7A  }
0x26: {  	[smem:$0x3F99] =	sst s1;
	(tag) =	ssettag s2;
	_ =	strace s9  }
0x27: {  	s1 =	sld [smem:$0x3FA9]  }
0x28: {  	s2 =	sld [smem:$0x3FAA]  }
0x29: {  	s4 =	sld [smem:$0x3FAC]  }
0x2a: {  	p0 =	seq.s32 s5, $0x0;
	s5 =	sld [smem:$0x3FAD]  }
0x2b: {  	s6 =	sld [smem:$0x3FAE]  }
0x2c: {  	s7 =	sld [smem:$0x3FAF]  }
0x2d: {  	s3 =	simm.s32 $0x108;
	s8 =	sld [smem:$0x3FB0]  }
0x2e: {  	s3 =	simm.s32 @!p0 $0x1082;
	s9 =	sld [smem:$0x3FB1]  }
0x2f: {  	lr =	sadd.s32 s0, s3;
	s0 =	sld [smem:$0x3FA8]  }
0x30: {  	s3 =	sld [smem:$0x3FAB]  }
0x31: {  	[smem:$0x3FB4] =	sst s10  }
0x32: {  	s10 =	sld [smem:$0x3FB2];
	_ =	sdelay $0x3  }
0x33: {  	p0 =	seq.s32 s10, $0x1;
	s10 =	sld [smem:$0x3FB4];
	_ =	sdelay $0x3  }
0x34: {  	[smem:$0x3FB4] =	sst s10  }
0x35: {  	s10 =	sld [smem:$0x3FB3];
	_ =	sdelay $0x3  }
0x36: {  	p1 =	seq.s32 s10, $0x1;
	s10 =	sld [smem:$0x3FB4];
	_ =	sdelay $0x3  }
0x37: {  	[smem:$0x3FB4] =	sst s10  }
0x38: {  	s10 =	sld [smem:$0x3FB5]  }
0x39: {  	_ = 	snop;
	(pc) =	sbr.ind lr, $3  }
0x3a: {  	_ = 	snop  }
0x3b: {  	_ = 	snop  }
0x3c: {  	p2 =	seq.s32 s10, $0x1;
	s10 =	sld [smem:$0x3FB4]  }
0x3d: {  	_ =	shalt  }
0x3e: {  	_ =	shalt  }
0x3f: {  	_ =	shalt  }
0x40: {  	_ =	shalt  }
0x41: {  	_ =	shalt  }
0x42: {  	_ =	shalt  }
0x43: {  	_ =	shalt  }
0x44: {  	_ =	shalt  }
0x45: {  	_ =	shalt  }
0x46: {  	_ =	shalt  }
0x47: {  	_ =	shalt  }
0x48: {  	_ =	shalt  }
0x49: {  	_ =	shalt  }
0x4a: {  	_ =	shalt  }
0x4b: {  	_ =	shalt  }
0x4c: {  	_ =	shalt  }
0x4d: {  	_ =	shalt  }
0x4e: {  	_ =	shalt  }
0x4f: {  	_ =	shalt  }
0x50: {  	_ =	shalt  }
0x51: {  	_ =	shalt  }
0x52: {  	_ =	shalt  }
0x53: {  	_ =	shalt  }
0x54: {  	_ =	shalt  }
0x55: {  	_ =	shalt  }
0x56: {  	_ =	shalt  }
0x57: {  	_ =	shalt  }
0x58: {  	_ =	shalt  }
0x59: {  	_ =	shalt  }
0x5a: {  	_ =	shalt  }
0x5b: {  	_ =	shalt  }
0x5c: {  	_ =	shalt  }
0x5d: {  	_ =	shalt  }
0x5e: {  	_ =	shalt  }
0x5f: {  	_ =	shalt  }
0x60: {  	_ =	shalt  }
0x61: {  	_ =	shalt  }
0x62: {  	_ =	shalt  }
0x63: {  	_ =	shalt  }
0x64: {  	_ =	shalt  }
0x65: {  	_ =	shalt  }
0x66: {  	_ =	shalt  }
0x67: {  	_ =	shalt  }
0x68: {  	_ =	shalt  }
0x69: {  	_ =	shalt  }
0x6a: {  	_ =	shalt  }
0x6b: {  	_ =	shalt  }
0x6c: {  	_ =	shalt  }
0x6d: {  	_ =	shalt  }
0x6e: {  	_ =	shalt  }
0x6f: {  	_ =	shalt  }
0x70: {  	_ =	shalt  }
0x71: {  	_ =	shalt  }
0x72: {  	_ =	shalt  }
0x73: {  	_ =	shalt  }
0x74: {  	_ =	shalt  }
0x75: {  	_ =	shalt  }
0x76: {  	_ =	shalt  }
0x77: {  	_ =	shalt  }
0x78: {  	_ =	shalt  }
0x79: {  	_ =	shalt  }
0x7a: {  	_ =	shalt  }
0x7b: {  	_ =	shalt  }
0x7c: {  	_ =	shalt  }
0x7d: {  	_ =	shalt  }
0x7e: {  	_ =	shalt  }
0x7f: {  	_ =	shalt  }
0x80: {  	_ =	shalt  }
0x81: {  	_ =	shalt  }
0x82: {  	_ =	shalt  }
0x83: {  	_ =	shalt  }
0x84: {  	_ =	shalt  }
0x85: {  	_ =	shalt  }
0x86: {  	_ =	shalt  }
0x87: {  	_ =	shalt  }
.Lfunc_end0:
.L_simem_size_0:
called_computation.1_lowered:
.L_overlay_start_0:
0x88: {  	s2 =	sld [smem:$0x3FD9]  }
0x89: {  	s3 =	sld [smem:$0x3FFE];
	_ =	sdelay $0x1  }
0x8a: {  	s1 =	srdreg.scid  }
0x8b: {  	s0 =	sand.u32 $0x1, s1  }
0x8c: {  	s14 =	sshll.u32 s0, $0xA;
	s2 =	sadd.s32 s3, s2  }
0x8d: {  	s2 =	sadd.s32 s2, s14  }
0x8e: {  	[smem:$0x3FC0] =	sst s2  }
0x8f: {  	_ = 	snop  }
0x90: {  	s2 =	sld [smem:$0x3FD0];
	_ =	sdelay $0x2  }
0x91: {  	s15 =	simm.s32 $0xA;
	s4 =	simm.s32 $0x10  }
0x92: {  	[smem:s4], [sflag:s15] =	dma.local [hbm:s2], $0x1  }
0x93: {  	_ =	swait.eq [sflag:s15], $0x1  }
0x94: {  	[sflag:s15] =	ssyncset.done $0x0  }
0x95: {  	[sflag:s15] =	ssyncadd.s32 $0xFFFFFFFF  }
0x96: {  	s16 =	sld [smem:$0x10];
	(tm) =	ssettm $0x1  }
0x97: {  	s17 =	sld [smem:$0x3FFB];
	_ =	sdelay $0x3  }
0x98: {  	_ =	strace s17  }
0x99: {  	s3 =	sld [smem:$0x3FFC];
	_ =	sdelay $0x3  }
0x9a: {  	_ =	strace s3  }
0x9b: {  	s3 =	sld [smem:$0x3FFD];
	_ =	sdelay $0x3  }
0x9c: {  	_ =	strace s3  }
0x9d: {  	_ =	strace $0x8FFFFFFF  }
0x9e: {  	s18 =	sld [smem:$0x3FDB];
	_ =	sdelay $0x1  }
0x9f: {  	s19 =	simm.s32 $_scs_section_size  }
0xa0: {  	s5 =	simm.s32 $_size__tile_overlayer_lowered;
	s6 =	simm.s32 $_tile_overlayer_lowered  }
0xa1: {  	s22 =	simm.s32 $0x1BFF;
	s21 =	sshll.u32 s6, $0x1;
	s3 =	sadd.s32 s19, s18  }
0xa2: {  	s7 =	simm.s32 $0x0;
	s20 =	sshll.u32 s5, $0x1;
	s5 =	sadd.s32 s21, s3  }
0xa3: {  	[timem:s7], [sflag:s22] =	dma.local [hbm:s5], s20  }
0xa4: {  	_ =	swait.ge [sflag:s22], s20  }
0xa5: {  	s4 =	ssub.s32 $0x0, s20;
	[sflag:s22] =	ssyncset.done $0x0  }
0xa6: {  	[sflag:s22] =	ssyncadd.s32 s4;
	_ =	sdelay $0x1  }
0xa7: {  	s23 =	simm.s32 $0x1B8B  }
0xa8: {  	_ =	swait.ge [sflag:s23], $0x1  }
0xa9: {  	[sflag:s23] =	ssyncset.done $0x0  }
0xaa: {  	s25 =	simm.s32 $0x1B8E;
	s24 =	sld [smem:$0x3FFE];
	[sflag:s23] =	ssyncadd.s32 $0xFFFFFFFF  }
0xab: {  	s26 =	simm.s32 $execute0_lowered;
	[smem:$0x3FD2] =	sst s25  }
0xac: {  	s5 =	sshll.u32 s26, $0x1;
	_ =	strace $0x80000049;
	[dreg:$0x1] =	wrdreg $0xFFFFFFFF  }
0xad: {  	s28 =	simm.s32 $_size_execute0_lowered;
	s3 =	sadd.s32 s3, s5;
	[dreg:$0x0] =	wrdreg $0x0  }
0xae: {  	s5 =	sshll.u32 s28, $0x1;
	[dreg:$0x2] =	wrdreg s3  }
0xaf: {  	[dreg:$0x3] =	wrdreg s5  }
0xb0: {  	[dreg:$0x4] =	wrdreg $0xC0  }
0xb1: {  	_ =	task [dreg:s7], $0x5FFFF  }
0xb2: {  	[dreg:$0x1] =	wrdreg $0xFFFFFFFF  }
0xb3: {  	[dreg:$0x0] =	wrdreg $0x60  }
0xb4: {  	[dreg:$0x2] =	wrdreg s24  }
0xb5: {  	[dreg:$0x3] =	wrdreg s16  }
0xb6: {  	[dreg:$0x4] =	wrdreg $0x0  }
0xb7: {  	[dreg:$0x5] =	wrdreg $0x138800  }
0xb8: {  	[dreg:$0x6] =	wrdreg $0x9  }
0xb9: {  	_ =	task.clear_ibuf [dreg:s7], $0x7FFFF;
	_ =	strace $0x90000049  }
0xba: {  	s29 =	simm.s32 $0x9;
	_ =	strace $0x8000004B  }
0xbb: {  	_ =	swait.ge [sflag:s29], $0x1  }
0xbc: {  	[sflag:s29] =	ssyncadd.s32 $0xFFFFFFFF  }
0xbd: {  	_ =	strace $0x9000004B  }
0xbe: {  	_ =	sfence  }
0xbf: {  	s30 =	sld [smem:$0x0];
	_ =	sdelay $0x2  }
0xc0: {  	s31 =	sshll.u32 s1, $0xD;
	s1 =	sshrl.u32 s1, $0x2  }
0xc1: {  	s3 =	sand.u32 $0x4000, s31;
	s1 =	sadd.s32 s1, s30  }
0xc2: {  	s0 =	sor.u32 s3, s0;
	s1 =	sshll.u32 s1, $0x11  }
0xc3: {  	s0 =	sor.u32 s1, s0  }
0xc4: {  	s0 =	sadd.s32 $0x8F2B, s0  }
0xc5: {  	[sflag:s0] =	ssyncadd.remote.s32 $0x1  }
0xc6: {  	_ =	sfence.sel $0xFFFF  }
0xc7: {  	[dreg:$0x0] =	wrdreg $0xFFFFFFFF;
	(pc) =	sbr.abs _section_cstart, $3  }
0xc8: {  	[dreg:$0x1] =	wrdreg $0xFFFFFFFF  }
0xc9: {  	_ =	task.clear_ibuf [dreg:s7], $0x2FFFF;
	_ =	strace $0x9FFFFFFF  }
0xca: {  	(tm) =	ssettm $0x7FFFFFFF  }
0xcb: {  	_ =	shalt  }
tec
execute0_lowered:
.L_overlay_start_1:
0x0: {  	(tag) =	ssettag $0x1  }
0x1: {  	s0 =	rddreg [dreg:$0x0]  }
0x2: {  	s11 =	stileid.u32;
	s3 =	rddreg [dreg:$0x2]  }
0x3: {  	s2 =	srdreg.scid;
	s4 =	rddreg [dreg:$0x3];
	s5 =	simm.s32 $0x0  }
0x4: {  	s13 =	simm.s32 $0x1D980;
	s15 =	simm.s32 $0x1E100;
	s16 =	simm.s32 $0x1DA00  }
0x5: {  	s17 =	simm.s32 $0x1E180;
	s18 =	simm.s32 $0x1DA80;
	s19 =	simm.s32 $0x1E200  }
0x6: {  	s20 =	simm.s32 $0x1DB00;
	s21 =	simm.s32 $0x1E280;
	s28 =	simm.s32 $0x1DE80  }
0x7: {  	s29 =	simm.s32 $0x1E600;
	s30 =	simm.s32 $0x1DF00;
	s1 =	smul.u32 $0x3E80, s11  }
0x8: {  	s31 =	simm.s32 $0x1E680;
	s6 =	smul.u32 $0x28000, s11;
	[smem:$0x7FF] =	sst s5  }
0x9: {  	s9 =	smul.u32 $0xA000, s11;
	_ =	strace $0x8000004A;
	[dreg:$0x8] =	wrdreg s13  }
0xa: {  	s2 =	sand.u32 $0x1, s2;
	s10 =	smul.u32 $0x5000, s11;
	[dreg:$0x9] =	wrdreg s15  }
0xb: {  	s24 =	smul.u32 $0x7D000, s11;
	s25 =	sshll.u32 s11, $0x6;
	[dreg:$0xa] =	wrdreg s16  }
0xc: {  	p0 =	sgt.u32 s11, $0x9;
	s7 =	smul.u32 $0x280000, s2;
	[dreg:$0xb] =	wrdreg s17  }
0xd: {  	s11 =	simm.s32 $0x3;
	s8 =	smul.u32 $0xA0000, s2;
	[dreg:$0xc] =	wrdreg s18  }
0xe: {  	s2 =	ssub.s32 $0x2, s2;
	s12 =	sor.u32 $0x1C03, s25;
	[dreg:$0xd] =	wrdreg s19  }
0xf: {  	s13 =	simm.s32 $0x1D880;
	[dreg:$0xe] =	wrdreg s20;
	s15 =	simm.s32 $0x10  }
0x10: {  	[dreg:$0xf] =	wrdreg s21;
	s16 =	simm.s32 $0x1E880;
	s17 =	simm.s32 $0x1F080  }
0x11: {  	s18 =	simm.s32 $0x1;
	s25 =	simm.s32 $0x1E380;
	s19 =	simm.s32 $0x2  }
0x12: {  	s20 =	simm.s32 $0x1E400;
	s21 =	simm.s32 $0x1DD00;
	s1 =	sadd.s32 s1, s0  }
0x13: {  	s22 =	sadd.s32 s10, s0;
	s23 =	sshrl.u32 s2, $0x1;
	s26 =	sshrl.u32 s24, $0x2  }
0x14: {  	s10 =	simm.s32 $0x1D900;
	s24 =	simm.s32 $0x1DC00;
	[dreg:$0x13] =	wrdreg s25  }
0x15: {  	s25 =	simm.s32 $0x1DE00;
	[dreg:$0x15] =	wrdreg s12;
	s7 =	sadd.s32 s6, s7  }
0x16: {  	s8 =	sadd.s32 s9, s8;
	s6 =	sshrl.u32 s6, $0x2;
	s2 =	ssub.s32 s2, s23  }
0x17: {  	s9 =	sadd.s32 $0x52200, s22;
	s1 =	sadd.s32 $0x142200, s1;
	[dreg:$0x7] =	wrdreg s10  }
0x18: {  	s22 =	simm.s32 $0x1DB80;
	s23 =	simm.s32 $0x1E300;
	[dreg:$0x12] =	wrdreg s24  }
0x19: {  	s24 =	simm.s32 $0x1E500;
	s10 =	simm.s32 $0x0;
	[dreg:$0x5] =	wrdreg s9  }
0x1a: {  	s7 =	sshrl.u32 s7, $0x3;
	s8 =	sshrl.u32 s8, $0x3;
	[dreg:$0x16] =	wrdreg s1  }
0x1b: {  	s6 =	sadd.s32 s6, s4;
	s14 =	smax.u32 s2, $0x1;
	[dreg:$0x10] =	wrdreg s22  }
0x1c: {  	[dreg:$0x11] =	wrdreg s23;
	s7 =	sadd.s32 s7, s0;
	s0 =	sadd.s32 s8, s0  }
0x1d: {  	s8 =	sadd.s32 s26, s3;
	[dreg:$0x18] =	wrdreg s14;
	s26 =	simm.s32 $0x1DC80  }
0x1e: {  	s22 =	simm.s32 $0x1E480;
	s9 =	sshrl.u32 s6, $0x3;
	[dreg:$0x14] =	wrdreg s26  }
0x1f: {  	s23 =	simm.s32 $0x1DD80;
	s7 =	sadd.s32 $0xA2200, s7;
	[dreg:$0x19] =	wrdreg s9  }
0x20: {  	s2 =	simm.s32 $0x1DF80;
	s0 =	sadd.s32 $0x169400, s0;
	[dreg:$0x6] =	wrdreg s7  }
0x21: {  	s14 =	simm.s32 $0x1E080;
	s1 =	sshrl.u32 @!p0 s8, $0x3;
	[dreg:$0x17] =	wrdreg s0  }
0x22: {  	s26 =	simm.s32 $0x1E580;
	s8 =	simm.s32 $0x1E800;
	[dreg:$0x1a] =	wrdreg s1  }
0x23: {  	s0 =	simm.s32 $0x1E700;
	s1 =	simm.s32 $0x1E000;
	s7 =	simm.s32 $0x1E780  }
.LBB2_1:
0x24: {  	[dreg:$0x1b] =	wrdreg s10  }
0x25: {  	s6 =	rddreg [dreg:$0x1]  }
0x26: {  	[spmem:s9], [sflag:s12] =	dma.local [hbm:s6], $0x1400  }
0x27: {  	_ =	swait.ge [sflag:s11], $0x1400  }
0x28: {  	[sflag:s11] =	ssyncset.done $0x0;
	s6 =	rddreg [dreg:$0x16]  }
0x29: {  	s9 =	rddreg [dreg:$0x1a];
	[sflag:s11] =	ssyncadd.s32 $0xFFFFEC00  }
0x2a: {  	[spmem:s9], [sflag:s12] =	dma.local @!p0 [hbm:s6], $0x3E80  }
0x2b: {  	s6 =	simm.s32 @!p0 $0x3  }
0x2c: {  	_ =	swait.ge @!p0 [sflag:s6], $0x3E80  }
0x2d: {  	[sflag:s6] =	ssyncset.done @!p0 $0x0  }
0x2e: {  	[sflag:s6] =	ssyncadd.s32 @!p0 $0xFFFFC180  }
0x2f: {  	[bflag:$0x0] =	sbarrier.arrive $0xFFFF  }
0x30: {  	s12 =	rddreg [dreg:$0x5]  }
0x31: {  	s6 =	sadd.s32 $0x0, s12  }
0x32: {  	[tilespmem:s13], [sflag:$0x3] =	stream.linear.gather [hbm4b:s6+s5], $0x800, $0x38;
	[tilespmem:$0x1F880] =	vst v63  }
0x33: {  	_ =	swait.ge [sflag:s11], $0x800  }
0x34: {  	s9 =	rddreg [dreg:$0x6];
	[sflag:s11] =	ssyncset.done $0x0  }
0x35: {  	[sflag:s11] =	ssyncadd.s32 $0xFFFFF800;
	s6 =	sadd.s32 $0x0, s9  }
0x36: {  	[tilespmem:s14], [sflag:$0x3] =	stream.linear.gather [hbm4b:s6+s5], $0x800, $0x38;
	[tilespmem:$0x1F880] =	vst v63  }
0x37: {  	_ =	swait.ge [sflag:s11], $0x800  }
0x38: {  	[sflag:s11] =	ssyncset.done $0x0  }
0x39: {  	[sflag:s11] =	ssyncadd.s32 $0xFFFFF800  }
0x3a: {  	[tilespmem:s16], [sflag:$0x1] =	stream.indirect.gather [spmem:s3], $0x80, s13, s15, $0xb8;
	[tilespmem:$0x1F880] =	vst v63  }
0x3b: {  	s10 =	rddreg [dreg:$0x7]  }
0x3c: {  	[tilespmem:s17], [sflag:$0x2] =	stream.indirect.gather [spmem:s3], $0x80, s10, s15, $0xb8;
	[tilespmem:$0x1F880] =	vst v63  }
0x3d: {  	_ =	swait.ge [sflag:s18], $0x800  }
0x3e: {  	[sflag:s18] =	ssyncset.done $0x0  }
0x3f: {  	[sflag:s18] =	ssyncadd.s32 $0xFFFFF800  }
0x40: {  	[spmem:s4] =	stream.indirect.scatter.add.f32 [tilespmem:s16], [sflag:$0x3], $0x80, s14, s15, $0xb8;
	[tilespmem:$0x1F880] =	vst v63  }
0x41: {  	_ =	swait.ge [sflag:s11], $0x800  }
0x42: {  	[sflag:s11] =	ssyncset.done $0x0  }
0x43: {  	s12 =	rddreg [dreg:$0x8];
	[sflag:s11] =	ssyncadd.s32 $0xFFFFF800  }
0x44: {  	[tilespmem:s16], [sflag:$0x1] =	stream.indirect.gather [spmem:s3], $0x80, s12, s15, $0xb8;
	[tilespmem:$0x1F880] =	vst v63  }
0x45: {  	_ =	swait.ge [sflag:s19], $0x800  }
0x46: {  	[sflag:s19] =	ssyncset.done $0x0  }
0x47: {  	s9 =	rddreg [dreg:$0x9];
	[sflag:s19] =	ssyncadd.s32 $0xFFFFF800  }
0x48: {  	[spmem:s4] =	stream.indirect.scatter.add.f32 [tilespmem:s17], [sflag:$0x3], $0x80, s9, s15, $0xb8;
	[tilespmem:$0x1F880] =	vst v63  }
0x49: {  	_ =	swait.ge [sflag:s11], $0x800  }
0x4a: {  	[sflag:s11] =	ssyncset.done $0x0  }
0x4b: {  	s10 =	rddreg [dreg:$0xa];
	[sflag:s11] =	ssyncadd.s32 $0xFFFFF800  }
0x4c: {  	[tilespmem:s17], [sflag:$0x2] =	stream.indirect.gather [spmem:s3], $0x80, s10, s15, $0xb8;
	[tilespmem:$0x1F880] =	vst v63  }
0x4d: {  	_ =	swait.ge [sflag:s18], $0x800  }
0x4e: {  	[sflag:s18] =	ssyncset.done $0x0  }
0x4f: {  	s12 =	rddreg [dreg:$0xb];
	[sflag:s18] =	ssyncadd.s32 $0xFFFFF800  }
0x50: {  	[spmem:s4] =	stream.indirect.scatter.add.f32 [tilespmem:s16], [sflag:$0x3], $0x80, s12, s15, $0xb8;
	[tilespmem:$0x1F880] =	vst v63  }
0x51: {  	_ =	swait.ge [sflag:s11], $0x800  }
0x52: {  	[sflag:s11] =	ssyncset.done $0x0  }
0x53: {  	s9 =	rddreg [dreg:$0xc];
	[sflag:s11] =	ssyncadd.s32 $0xFFFFF800  }
0x54: {  	[tilespmem:s16], [sflag:$0x1] =	stream.indirect.gather [spmem:s3], $0x80, s9, s15, $0xb8;
	[tilespmem:$0x1F880] =	vst v63  }
0x55: {  	_ =	swait.ge [sflag:s19], $0x800  }
0x56: {  	[sflag:s19] =	ssyncset.done $0x0  }
0x57: {  	s10 =	rddreg [dreg:$0xd];
	[sflag:s19] =	ssyncadd.s32 $0xFFFFF800  }
0x58: {  	[spmem:s4] =	stream.indirect.scatter.add.f32 [tilespmem:s17], [sflag:$0x3], $0x80, s10, s15, $0xb8;
	[tilespmem:$0x1F880] =	vst v63  }
0x59: {  	_ =	swait.ge [sflag:s11], $0x800  }
0x5a: {  	[sflag:s11] =	ssyncset.done $0x0  }
0x5b: {  	s12 =	rddreg [dreg:$0xe];
	[sflag:s11] =	ssyncadd.s32 $0xFFFFF800  }
0x5c: {  	[tilespmem:s17], [sflag:$0x2] =	stream.indirect.gather [spmem:s3], $0x80, s12, s15, $0xb8;
	[tilespmem:$0x1F880] =	vst v63  }
0x5d: {  	_ =	swait.ge [sflag:s18], $0x800  }
0x5e: {  	[sflag:s18] =	ssyncset.done $0x0  }
0x5f: {  	s9 =	rddreg [dreg:$0xf];
	[sflag:s18] =	ssyncadd.s32 $0xFFFFF800  }
0x60: {  	[spmem:s4] =	stream.indirect.scatter.add.f32 [tilespmem:s16], [sflag:$0x3], $0x80, s9, s15, $0xb8;
	[tilespmem:$0x1F880] =	vst v63  }
0x61: {  	_ =	swait.ge [sflag:s11], $0x800  }
0x62: {  	[sflag:s11] =	ssyncset.done $0x0  }
0x63: {  	s10 =	rddreg [dreg:$0x10];
	[sflag:s11] =	ssyncadd.s32 $0xFFFFF800  }
0x64: {  	[tilespmem:s16], [sflag:$0x1] =	stream.indirect.gather [spmem:s3], $0x80, s10, s15, $0xb8;
	[tilespmem:$0x1F880] =	vst v63  }
0x65: {  	_ =	swait.ge [sflag:s19], $0x800  }
0x66: {  	[sflag:s19] =	ssyncset.done $0x0  }
0x67: {  	s12 =	rddreg [dreg:$0x11];
	[sflag:s19] =	ssyncadd.s32 $0xFFFFF800  }
0x68: {  	[spmem:s4] =	stream.indirect.scatter.add.f32 [tilespmem:s17], [sflag:$0x3], $0x80, s12, s15, $0xb8;
	[tilespmem:$0x1F880] =	vst v63  }
0x69: {  	_ =	swait.ge [sflag:s11], $0x800  }
0x6a: {  	[sflag:s11] =	ssyncset.done $0x0  }
0x6b: {  	s9 =	rddreg [dreg:$0x12];
	[sflag:s11] =	ssyncadd.s32 $0xFFFFF800  }
0x6c: {  	[tilespmem:s17], [sflag:$0x2] =	stream.indirect.gather [spmem:s3], $0x80, s9, s15, $0xb8;
	[tilespmem:$0x1F880] =	vst v63  }
0x6d: {  	_ =	swait.ge [sflag:s18], $0x800  }
0x6e: {  	[sflag:s18] =	ssyncset.done $0x0  }
0x6f: {  	s10 =	rddreg [dreg:$0x13];
	[sflag:s18] =	ssyncadd.s32 $0xFFFFF800  }
0x70: {  	[spmem:s4] =	stream.indirect.scatter.add.f32 [tilespmem:s16], [sflag:$0x3], $0x80, s10, s15, $0xb8;
	[tilespmem:$0x1F880] =	vst v63  }
0x71: {  	_ =	swait.ge [sflag:s11], $0x800  }
0x72: {  	[sflag:s11] =	ssyncset.done $0x0  }
0x73: {  	s12 =	rddreg [dreg:$0x14];
	[sflag:s11] =	ssyncadd.s32 $0xFFFFF800  }
0x74: {  	[tilespmem:s16], [sflag:$0x1] =	stream.indirect.gather [spmem:s3], $0x80, s12, s15, $0xb8;
	[tilespmem:$0x1F880] =	vst v63  }
0x75: {  	_ =	swait.ge [sflag:s19], $0x800  }
0x76: {  	[sflag:s19] =	ssyncset.done $0x0  }
0x77: {  	[sflag:s19] =	ssyncadd.s32 $0xFFFFF800  }
0x78: {  	[spmem:s4] =	stream.indirect.scatter.add.f32 [tilespmem:s17], [sflag:$0x3], $0x80, s20, s15, $0xb8;
	[tilespmem:$0x1F880] =	vst v63  }
0x79: {  	_ =	swait.ge [sflag:s11], $0x800  }
0x7a: {  	[sflag:s11] =	ssyncset.done $0x0  }
0x7b: {  	[sflag:s11] =	ssyncadd.s32 $0xFFFFF800  }
0x7c: {  	[tilespmem:s17], [sflag:$0x2] =	stream.indirect.gather [spmem:s3], $0x80, s21, s15, $0xb8;
	[tilespmem:$0x1F880] =	vst v63  }
0x7d: {  	_ =	swait.ge [sflag:s18], $0x800  }
0x7e: {  	[sflag:s18] =	ssyncset.done $0x0  }
0x7f: {  	[sflag:s18] =	ssyncadd.s32 $0xFFFFF800  }
0x80: {  	[spmem:s4] =	stream.indirect.scatter.add.f32 [tilespmem:s16], [sflag:$0x3], $0x80, s22, s15, $0xb8;
	[tilespmem:$0x1F880] =	vst v63  }
0x81: {  	_ =	swait.ge [sflag:s11], $0x800  }
0x82: {  	[sflag:s11] =	ssyncset.done $0x0  }
0x83: {  	[sflag:s11] =	ssyncadd.s32 $0xFFFFF800  }
0x84: {  	[tilespmem:s16], [sflag:$0x1] =	stream.indirect.gather [spmem:s3], $0x80, s23, s15, $0xb8;
	[tilespmem:$0x1F880] =	vst v63  }
0x85: {  	_ =	swait.ge [sflag:s19], $0x800  }
0x86: {  	[sflag:s19] =	ssyncset.done $0x0  }
0x87: {  	[sflag:s19] =	ssyncadd.s32 $0xFFFFF800  }
0x88: {  	[spmem:s4] =	stream.indirect.scatter.add.f32 [tilespmem:s17], [sflag:$0x3], $0x80, s24, s15, $0xb8;
	[tilespmem:$0x1F880] =	vst v63  }
0x89: {  	_ =	swait.ge [sflag:s11], $0x800  }
0x8a: {  	[sflag:s11] =	ssyncset.done $0x0  }
0x8b: {  	[sflag:s11] =	ssyncadd.s32 $0xFFFFF800  }
0x8c: {  	[tilespmem:s17], [sflag:$0x2] =	stream.indirect.gather [spmem:s3], $0x80, s25, s15, $0xb8;
	[tilespmem:$0x1F880] =	vst v63  }
0x8d: {  	_ =	swait.ge [sflag:s18], $0x800  }
0x8e: {  	[sflag:s18] =	ssyncset.done $0x0  }
0x8f: {  	[sflag:s18] =	ssyncadd.s32 $0xFFFFF800  }
0x90: {  	[spmem:s4] =	stream.indirect.scatter.add.f32 [tilespmem:s16], [sflag:$0x3], $0x80, s26, s15, $0xb8;
	[tilespmem:$0x1F880] =	vst v63  }
0x91: {  	_ =	swait.ge [sflag:s11], $0x800  }
0x92: {  	[sflag:s11] =	ssyncset.done $0x0  }
0x93: {  	[sflag:s11] =	ssyncadd.s32 $0xFFFFF800  }
0x94: {  	[tilespmem:s16], [sflag:$0x1] =	stream.indirect.gather [spmem:s3], $0x80, s28, s15, $0xb8;
	[tilespmem:$0x1F880] =	vst v63  }
0x95: {  	_ =	swait.ge [sflag:s19], $0x800  }
0x96: {  	[sflag:s19] =	ssyncset.done $0x0  }
0x97: {  	[sflag:s19] =	ssyncadd.s32 $0xFFFFF800  }
0x98: {  	[spmem:s4] =	stream.indirect.scatter.add.f32 [tilespmem:s17], [sflag:$0x3], $0x80, s29, s15, $0xb8;
	[tilespmem:$0x1F880] =	vst v63  }
0x99: {  	_ =	swait.ge [sflag:s11], $0x800  }
0x9a: {  	[sflag:s11] =	ssyncset.done $0x0  }
0x9b: {  	[sflag:s11] =	ssyncadd.s32 $0xFFFFF800  }
0x9c: {  	[tilespmem:s17], [sflag:$0x2] =	stream.indirect.gather [spmem:s3], $0x80, s30, s15, $0xb8;
	[tilespmem:$0x1F880] =	vst v63  }
0x9d: {  	_ =	swait.ge [sflag:s18], $0x800  }
0x9e: {  	[sflag:s18] =	ssyncset.done $0x0  }
0x9f: {  	[sflag:s18] =	ssyncadd.s32 $0xFFFFF800  }
0xa0: {  	[spmem:s4] =	stream.indirect.scatter.add.f32 [tilespmem:s16], [sflag:$0x3], $0x80, s31, s15, $0xb8;
	[tilespmem:$0x1F880] =	vst v63  }
0xa1: {  	_ =	swait.ge [sflag:s11], $0x800  }
0xa2: {  	[sflag:s11] =	ssyncset.done $0x0  }
0xa3: {  	[sflag:s11] =	ssyncadd.s32 $0xFFFFF800  }
0xa4: {  	[tilespmem:s16], [sflag:$0x1] =	stream.indirect.gather [spmem:s3], $0x80, s2, s15, $0xb8;
	[tilespmem:$0x1F880] =	vst v63  }
0xa5: {  	_ =	swait.ge [sflag:s19], $0x800  }
0xa6: {  	[sflag:s19] =	ssyncset.done $0x0  }
0xa7: {  	[sflag:s19] =	ssyncadd.s32 $0xFFFFF800  }
0xa8: {  	[spmem:s4] =	stream.indirect.scatter.add.f32 [tilespmem:s17], [sflag:$0x3], $0x80, s0, s15, $0xb8;
	[tilespmem:$0x1F880] =	vst v63  }
0xa9: {  	_ =	swait.ge [sflag:s11], $0x800  }
0xaa: {  	[sflag:s11] =	ssyncset.done $0x0  }
0xab: {  	[sflag:s11] =	ssyncadd.s32 $0xFFFFF800  }
0xac: {  	[tilespmem:s17], [sflag:$0x2] =	stream.indirect.gather [spmem:s3], $0x80, s1, s15, $0xb8;
	[tilespmem:$0x1F880] =	vst v63  }
0xad: {  	_ =	swait.ge [sflag:s18], $0x800  }
0xae: {  	[sflag:s18] =	ssyncset.done $0x0  }
0xaf: {  	[sflag:s18] =	ssyncadd.s32 $0xFFFFF800  }
0xb0: {  	[spmem:s4] =	stream.indirect.scatter.add.f32 [tilespmem:s16], [sflag:$0x3], $0x80, s7, s15, $0xb8;
	[tilespmem:$0x1F880] =	vst v63  }
0xb1: {  	_ =	swait.ge [sflag:s11], $0x800  }
0xb2: {  	[sflag:s11] =	ssyncset.done $0x0  }
0xb3: {  	[sflag:s11] =	ssyncadd.s32 $0xFFFFF800  }
0xb4: {  	_ =	swait.ge [sflag:s19], $0x800  }
0xb5: {  	[sflag:s19] =	ssyncset.done $0x0  }
0xb6: {  	[sflag:s19] =	ssyncadd.s32 $0xFFFFF800  }
0xb7: {  	[spmem:s4] =	stream.indirect.scatter.add.f32 [tilespmem:s17], [sflag:$0x3], $0x80, s8, s15, $0xb8;
	[tilespmem:$0x1F880] =	vst v63  }
0xb8: {  	s10 =	simm.s32 $0x200;
	_ =	swait.ge [sflag:s11], $0x800  }
0xb9: {  	s12 =	simm.s32 $0x100;
	s6 =	rddreg [dreg:$0x5];
	[sflag:s11] =	ssyncset.done $0x0  }
.LBB2_2:
0xba: {  	[sflag:s11] =	ssyncadd.s32 $0xFFFFF800;
	s6 =	sadd.s32 s12, s6  }
0xbb: {  	[tilespmem:s13], [sflag:$0x3] =	stream.linear.gather [hbm4b:s6+s5], $0x800, $0x38;
	[tilespmem:$0x1F880] =	vst v63  }
0xbc: {  	_ =	swait.ge [sflag:s11], $0x800  }
0xbd: {  	s6 =	rddreg [dreg:$0x6];
	[sflag:s11] =	ssyncset.done $0x0  }
0xbe: {  	[sflag:s11] =	ssyncadd.s32 $0xFFFFF800;
	s6 =	sadd.s32 s12, s6  }
0xbf: {  	[tilespmem:s14], [sflag:$0x3] =	stream.linear.gather [hbm4b:s6+s5], $0x800, $0x38;
	[tilespmem:$0x1F880] =	vst v63  }
0xc0: {  	_ =	swait.ge [sflag:s11], $0x800  }
0xc1: {  	[sflag:s11] =	ssyncset.done $0x0  }
0xc2: {  	s9 =	smov.u32 s10;
	[sflag:s11] =	ssyncadd.s32 $0xFFFFF800  }
0xc3: {  	[tilespmem:s16], [sflag:$0x1] =	stream.indirect.gather [spmem:s3], $0x80, s13, s15, $0xb8;
	[tilespmem:$0x1F880] =	vst v63  }
0xc4: {  	s12 =	smov.u32 s9;
	s9 =	rddreg [dreg:$0x7]  }
0xc5: {  	[tilespmem:s17], [sflag:$0x2] =	stream.indirect.gather [spmem:s3], $0x80, s9, s15, $0xb8;
	[tilespmem:$0x1F880] =	vst v63  }
0xc6: {  	_ =	swait.ge [sflag:s18], $0x800  }
0xc7: {  	[sflag:s18] =	ssyncset.done $0x0  }
0xc8: {  	[sflag:s18] =	ssyncadd.s32 $0xFFFFF800  }
0xc9: {  	[spmem:s4] =	stream.indirect.scatter.add.f32 [tilespmem:s16], [sflag:$0x3], $0x80, s14, s15, $0xb8;
	[tilespmem:$0x1F880] =	vst v63  }
0xca: {  	_ =	swait.ge [sflag:s11], $0x800  }
0xcb: {  	[sflag:s11] =	ssyncset.done $0x0  }
0xcc: {  	s9 =	rddreg [dreg:$0x8];
	[sflag:s11] =	ssyncadd.s32 $0xFFFFF800  }
0xcd: {  	[tilespmem:s16], [sflag:$0x1] =	stream.indirect.gather [spmem:s3], $0x80, s9, s15, $0xb8;
	[tilespmem:$0x1F880] =	vst v63  }
0xce: {  	_ =	swait.ge [sflag:s19], $0x800  }
0xcf: {  	[sflag:s19] =	ssyncset.done $0x0  }
0xd0: {  	s9 =	rddreg [dreg:$0x9];
	[sflag:s19] =	ssyncadd.s32 $0xFFFFF800  }
0xd1: {  	[spmem:s4] =	stream.indirect.scatter.add.f32 [tilespmem:s17], [sflag:$0x3], $0x80, s9, s15, $0xb8;
	[tilespmem:$0x1F880] =	vst v63  }
0xd2: {  	_ =	swait.ge [sflag:s11], $0x800  }
0xd3: {  	[sflag:s11] =	ssyncset.done $0x0  }
0xd4: {  	s9 =	rddreg [dreg:$0xa];
	[sflag:s11] =	ssyncadd.s32 $0xFFFFF800  }
0xd5: {  	[tilespmem:s17], [sflag:$0x2] =	stream.indirect.gather [spmem:s3], $0x80, s9, s15, $0xb8;
	[tilespmem:$0x1F880] =	vst v63  }
0xd6: {  	_ =	swait.ge [sflag:s18], $0x800  }
0xd7: {  	[sflag:s18] =	ssyncset.done $0x0  }
0xd8: {  	s9 =	rddreg [dreg:$0xb];
	[sflag:s18] =	ssyncadd.s32 $0xFFFFF800  }
0xd9: {  	[spmem:s4] =	stream.indirect.scatter.add.f32 [tilespmem:s16], [sflag:$0x3], $0x80, s9, s15, $0xb8;
	[tilespmem:$0x1F880] =	vst v63  }
0xda: {  	_ =	swait.ge [sflag:s11], $0x800  }
0xdb: {  	[sflag:s11] =	ssyncset.done $0x0  }
0xdc: {  	s9 =	rddreg [dreg:$0xc];
	[sflag:s11] =	ssyncadd.s32 $0xFFFFF800  }
0xdd: {  	[tilespmem:s16], [sflag:$0x1] =	stream.indirect.gather [spmem:s3], $0x80, s9, s15, $0xb8;
	[tilespmem:$0x1F880] =	vst v63  }
0xde: {  	_ =	swait.ge [sflag:s19], $0x800  }
0xdf: {  	[sflag:s19] =	ssyncset.done $0x0  }
0xe0: {  	s9 =	rddreg [dreg:$0xd];
	[sflag:s19] =	ssyncadd.s32 $0xFFFFF800  }
0xe1: {  	[spmem:s4] =	stream.indirect.scatter.add.f32 [tilespmem:s17], [sflag:$0x3], $0x80, s9, s15, $0xb8;
	[tilespmem:$0x1F880] =	vst v63  }
0xe2: {  	_ =	swait.ge [sflag:s11], $0x800  }
0xe3: {  	[sflag:s11] =	ssyncset.done $0x0  }
0xe4: {  	s9 =	rddreg [dreg:$0xe];
	[sflag:s11] =	ssyncadd.s32 $0xFFFFF800  }
0xe5: {  	[tilespmem:s17], [sflag:$0x2] =	stream.indirect.gather [spmem:s3], $0x80, s9, s15, $0xb8;
	[tilespmem:$0x1F880] =	vst v63  }
0xe6: {  	_ =	swait.ge [sflag:s18], $0x800  }
0xe7: {  	[sflag:s18] =	ssyncset.done $0x0  }
0xe8: {  	s9 =	rddreg [dreg:$0xf];
	[sflag:s18] =	ssyncadd.s32 $0xFFFFF800  }
0xe9: {  	[spmem:s4] =	stream.indirect.scatter.add.f32 [tilespmem:s16], [sflag:$0x3], $0x80, s9, s15, $0xb8;
	[tilespmem:$0x1F880] =	vst v63  }
0xea: {  	_ =	swait.ge [sflag:s11], $0x800  }
0xeb: {  	[sflag:s11] =	ssyncset.done $0x0  }
0xec: {  	s9 =	rddreg [dreg:$0x10];
	[sflag:s11] =	ssyncadd.s32 $0xFFFFF800  }
0xed: {  	[tilespmem:s16], [sflag:$0x1] =	stream.indirect.gather [spmem:s3], $0x80, s9, s15, $0xb8;
	[tilespmem:$0x1F880] =	vst v63  }
0xee: {  	_ =	swait.ge [sflag:s19], $0x800  }
0xef: {  	[sflag:s19] =	ssyncset.done $0x0  }
0xf0: {  	s9 =	rddreg [dreg:$0x11];
	[sflag:s19] =	ssyncadd.s32 $0xFFFFF800  }
0xf1: {  	[spmem:s4] =	stream.indirect.scatter.add.f32 [tilespmem:s17], [sflag:$0x3], $0x80, s9, s15, $0xb8;
	[tilespmem:$0x1F880] =	vst v63  }
0xf2: {  	_ =	swait.ge [sflag:s11], $0x800  }
0xf3: {  	[sflag:s11] =	ssyncset.done $0x0  }
0xf4: {  	s9 =	rddreg [dreg:$0x12];
	[sflag:s11] =	ssyncadd.s32 $0xFFFFF800  }
0xf5: {  	[tilespmem:s17], [sflag:$0x2] =	stream.indirect.gather [spmem:s3], $0x80, s9, s15, $0xb8;
	[tilespmem:$0x1F880] =	vst v63  }
0xf6: {  	_ =	swait.ge [sflag:s18], $0x800  }
0xf7: {  	[sflag:s18] =	ssyncset.done $0x0  }
0xf8: {  	s9 =	rddreg [dreg:$0x13];
	[sflag:s18] =	ssyncadd.s32 $0xFFFFF800  }
0xf9: {  	[spmem:s4] =	stream.indirect.scatter.add.f32 [tilespmem:s16], [sflag:$0x3], $0x80, s9, s15, $0xb8;
	[tilespmem:$0x1F880] =	vst v63  }
0xfa: {  	_ =	swait.ge [sflag:s11], $0x800  }
0xfb: {  	[sflag:s11] =	ssyncset.done $0x0  }
0xfc: {  	s9 =	rddreg [dreg:$0x14];
	[sflag:s11] =	ssyncadd.s32 $0xFFFFF800  }
0xfd: {  	[tilespmem:s16], [sflag:$0x1] =	stream.indirect.gather [spmem:s3], $0x80, s9, s15, $0xb8;
	[tilespmem:$0x1F880] =	vst v63  }
0xfe: {  	_ =	swait.ge [sflag:s19], $0x800  }
0xff: {  	[sflag:s19] =	ssyncset.done $0x0  }
0x100: {  	[sflag:s19] =	ssyncadd.s32 $0xFFFFF800  }
0x101: {  	[spmem:s4] =	stream.indirect.scatter.add.f32 [tilespmem:s17], [sflag:$0x3], $0x80, s20, s15, $0xb8;
	[tilespmem:$0x1F880] =	vst v63  }
0x102: {  	_ =	swait.ge [sflag:s11], $0x800  }
0x103: {  	[sflag:s11] =	ssyncset.done $0x0  }
0x104: {  	[sflag:s11] =	ssyncadd.s32 $0xFFFFF800  }
0x105: {  	[tilespmem:s17], [sflag:$0x2] =	stream.indirect.gather [spmem:s3], $0x80, s21, s15, $0xb8;
	[tilespmem:$0x1F880] =	vst v63  }
0x106: {  	_ =	swait.ge [sflag:s18], $0x800  }
0x107: {  	[sflag:s18] =	ssyncset.done $0x0  }
0x108: {  	[sflag:s18] =	ssyncadd.s32 $0xFFFFF800  }
0x109: {  	[spmem:s4] =	stream.indirect.scatter.add.f32 [tilespmem:s16], [sflag:$0x3], $0x80, s22, s15, $0xb8;
	[tilespmem:$0x1F880] =	vst v63  }
0x10a: {  	_ =	swait.ge [sflag:s11], $0x800  }
0x10b: {  	[sflag:s11] =	ssyncset.done $0x0  }
0x10c: {  	[sflag:s11] =	ssyncadd.s32 $0xFFFFF800  }
0x10d: {  	[tilespmem:s16], [sflag:$0x1] =	stream.indirect.gather [spmem:s3], $0x80, s23, s15, $0xb8;
	[tilespmem:$0x1F880] =	vst v63  }
0x10e: {  	_ =	swait.ge [sflag:s19], $0x800  }
0x10f: {  	[sflag:s19] =	ssyncset.done $0x0  }
0x110: {  	[sflag:s19] =	ssyncadd.s32 $0xFFFFF800  }
0x111: {  	[spmem:s4] =	stream.indirect.scatter.add.f32 [tilespmem:s17], [sflag:$0x3], $0x80, s24, s15, $0xb8;
	[tilespmem:$0x1F880] =	vst v63  }
0x112: {  	_ =	swait.ge [sflag:s11], $0x800  }
0x113: {  	[sflag:s11] =	ssyncset.done $0x0  }
0x114: {  	[sflag:s11] =	ssyncadd.s32 $0xFFFFF800  }
0x115: {  	[tilespmem:s17], [sflag:$0x2] =	stream.indirect.gather [spmem:s3], $0x80, s25, s15, $0xb8;
	[tilespmem:$0x1F880] =	vst v63  }
0x116: {  	_ =	swait.ge [sflag:s18], $0x800  }
0x117: {  	[sflag:s18] =	ssyncset.done $0x0  }
0x118: {  	[sflag:s18] =	ssyncadd.s32 $0xFFFFF800  }
0x119: {  	[spmem:s4] =	stream.indirect.scatter.add.f32 [tilespmem:s16], [sflag:$0x3], $0x80, s26, s15, $0xb8;
	[tilespmem:$0x1F880] =	vst v63  }
0x11a: {  	_ =	swait.ge [sflag:s11], $0x800  }
0x11b: {  	[sflag:s11] =	ssyncset.done $0x0  }
0x11c: {  	[sflag:s11] =	ssyncadd.s32 $0xFFFFF800  }
0x11d: {  	[tilespmem:s16], [sflag:$0x1] =	stream.indirect.gather [spmem:s3], $0x80, s28, s15, $0xb8;
	[tilespmem:$0x1F880] =	vst v63  }
0x11e: {  	_ =	swait.ge [sflag:s19], $0x800  }
0x11f: {  	[sflag:s19] =	ssyncset.done $0x0  }
0x120: {  	[sflag:s19] =	ssyncadd.s32 $0xFFFFF800  }
0x121: {  	[spmem:s4] =	stream.indirect.scatter.add.f32 [tilespmem:s17], [sflag:$0x3], $0x80, s29, s15, $0xb8;
	[tilespmem:$0x1F880] =	vst v63  }
0x122: {  	_ =	swait.ge [sflag:s11], $0x800  }
0x123: {  	[sflag:s11] =	ssyncset.done $0x0  }
0x124: {  	[sflag:s11] =	ssyncadd.s32 $0xFFFFF800  }
0x125: {  	[tilespmem:s17], [sflag:$0x2] =	stream.indirect.gather [spmem:s3], $0x80, s30, s15, $0xb8;
	[tilespmem:$0x1F880] =	vst v63  }
0x126: {  	_ =	swait.ge [sflag:s18], $0x800  }
0x127: {  	[sflag:s18] =	ssyncset.done $0x0  }
0x128: {  	[sflag:s18] =	ssyncadd.s32 $0xFFFFF800  }
0x129: {  	[spmem:s4] =	stream.indirect.scatter.add.f32 [tilespmem:s16], [sflag:$0x3], $0x80, s31, s15, $0xb8;
	[tilespmem:$0x1F880] =	vst v63  }
0x12a: {  	_ =	swait.ge [sflag:s11], $0x800  }
0x12b: {  	[sflag:s11] =	ssyncset.done $0x0  }
0x12c: {  	[sflag:s11] =	ssyncadd.s32 $0xFFFFF800  }
0x12d: {  	[tilespmem:s16], [sflag:$0x1] =	stream.indirect.gather [spmem:s3], $0x80, s2, s15, $0xb8;
	[tilespmem:$0x1F880] =	vst v63  }
0x12e: {  	_ =	swait.ge [sflag:s19], $0x800  }
0x12f: {  	[sflag:s19] =	ssyncset.done $0x0  }
0x130: {  	[sflag:s19] =	ssyncadd.s32 $0xFFFFF800  }
0x131: {  	[spmem:s4] =	stream.indirect.scatter.add.f32 [tilespmem:s17], [sflag:$0x3], $0x80, s0, s15, $0xb8;
	[tilespmem:$0x1F880] =	vst v63  }
0x132: {  	_ =	swait.ge [sflag:s11], $0x800  }
0x133: {  	[sflag:s11] =	ssyncset.done $0x0  }
0x134: {  	[sflag:s11] =	ssyncadd.s32 $0xFFFFF800  }
0x135: {  	[tilespmem:s17], [sflag:$0x2] =	stream.indirect.gather [spmem:s3], $0x80, s1, s15, $0xb8;
	[tilespmem:$0x1F880] =	vst v63  }
0x136: {  	_ =	swait.ge [sflag:s18], $0x800  }
0x137: {  	[sflag:s18] =	ssyncset.done $0x0  }
0x138: {  	[sflag:s18] =	ssyncadd.s32 $0xFFFFF800  }
0x139: {  	[spmem:s4] =	stream.indirect.scatter.add.f32 [tilespmem:s16], [sflag:$0x3], $0x80, s7, s15, $0xb8;
	[tilespmem:$0x1F880] =	vst v63  }
0x13a: {  	_ =	swait.ge [sflag:s11], $0x800  }
0x13b: {  	[sflag:s11] =	ssyncset.done $0x0  }
0x13c: {  	[sflag:s11] =	ssyncadd.s32 $0xFFFFF800  }
0x13d: {  	p1 =	sne.s32 s10, $0x4F00;
	_ =	swait.ge [sflag:s19], $0x800  }
.Ltmp0:
0x13e: {  	[sflag:s19] =	ssyncset.done $0x0;
	(pc) =	sbr.rel @p1 .LBB2_2-.Ltmp0, $4  }
0x13f: {  	[sflag:s19] =	ssyncadd.s32 $0xFFFFF800  }
0x140: {  	[spmem:s4] =	stream.indirect.scatter.add.f32 [tilespmem:s17], [sflag:$0x3], $0x80, s8, s15, $0xb8;
	[tilespmem:$0x1F880] =	vst v63  }
0x141: {  	_ =	swait.ge [sflag:s11], $0x800  }
0x142: {  	s10 =	sadd.s32 $0x100, s10;
	s6 =	rddreg [dreg:$0x5];
	[sflag:s11] =	ssyncset.done $0x0  }
0x143: {  	[sflag:s11] =	ssyncadd.s32 $0xFFFFF800;
	s6 =	sadd.s32 s12, s6  }
0x144: {  	[tilespmem:s13], [sflag:$0x3] =	stream.linear.gather [hbm4b:s6+s5], $0x800, $0x38;
	[tilespmem:$0x1F880] =	vst v63  }
0x145: {  	_ =	swait.ge [sflag:s11], $0x800  }
0x146: {  	s10 =	rddreg [dreg:$0x6];
	[sflag:s11] =	ssyncset.done $0x0  }
0x147: {  	s6 =	sadd.s32 s12, s10;
	[sflag:s11] =	ssyncadd.s32 $0xFFFFF800  }
0x148: {  	[tilespmem:s14], [sflag:$0x3] =	stream.linear.gather [hbm4b:s6+s5], $0x800, $0x38;
	[tilespmem:$0x1F880] =	vst v63  }
0x149: {  	_ =	swait.ge [sflag:s11], $0x800  }
0x14a: {  	[sflag:s11] =	ssyncset.done $0x0  }
0x14b: {  	[sflag:s11] =	ssyncadd.s32 $0xFFFFF800  }
0x14c: {  	[tilespmem:s16], [sflag:$0x1] =	stream.indirect.gather [spmem:s3], $0x80, s13, s15, $0xb8;
	[tilespmem:$0x1F880] =	vst v63  }
0x14d: {  	s12 =	rddreg [dreg:$0x7]  }
0x14e: {  	[tilespmem:s17], [sflag:$0x2] =	stream.indirect.gather [spmem:s3], $0x80, s12, s15, $0xb8;
	[tilespmem:$0x1F880] =	vst v63  }
0x14f: {  	_ =	swait.ge [sflag:s18], $0x800  }
0x150: {  	[sflag:s18] =	ssyncset.done $0x0  }
0x151: {  	[sflag:s18] =	ssyncadd.s32 $0xFFFFF800  }
0x152: {  	[spmem:s4] =	stream.indirect.scatter.add.f32 [tilespmem:s16], [sflag:$0x3], $0x80, s14, s15, $0xb8;
	[tilespmem:$0x1F880] =	vst v63  }
0x153: {  	_ =	swait.ge [sflag:s11], $0x800  }
0x154: {  	[sflag:s11] =	ssyncset.done $0x0  }
0x155: {  	s9 =	rddreg [dreg:$0x8];
	[sflag:s11] =	ssyncadd.s32 $0xFFFFF800  }
0x156: {  	[tilespmem:s16], [sflag:$0x1] =	stream.indirect.gather [spmem:s3], $0x80, s9, s15, $0xb8;
	[tilespmem:$0x1F880] =	vst v63  }
0x157: {  	_ =	swait.ge [sflag:s19], $0x800  }
0x158: {  	[sflag:s19] =	ssyncset.done $0x0  }
0x159: {  	s10 =	rddreg [dreg:$0x9];
	[sflag:s19] =	ssyncadd.s32 $0xFFFFF800  }
0x15a: {  	[spmem:s4] =	stream.indirect.scatter.add.f32 [tilespmem:s17], [sflag:$0x3], $0x80, s10, s15, $0xb8;
	[tilespmem:$0x1F880] =	vst v63  }
0x15b: {  	_ =	swait.ge [sflag:s11], $0x800  }
0x15c: {  	[sflag:s11] =	ssyncset.done $0x0  }
0x15d: {  	s12 =	rddreg [dreg:$0xa];
	[sflag:s11] =	ssyncadd.s32 $0xFFFFF800  }
0x15e: {  	[tilespmem:s17], [sflag:$0x2] =	stream.indirect.gather [spmem:s3], $0x80, s12, s15, $0xb8;
	[tilespmem:$0x1F880] =	vst v63  }
0x15f: {  	_ =	swait.ge [sflag:s18], $0x800  }
0x160: {  	[sflag:s18] =	ssyncset.done $0x0  }
0x161: {  	s9 =	rddreg [dreg:$0xb];
	[sflag:s18] =	ssyncadd.s32 $0xFFFFF800  }
0x162: {  	[spmem:s4] =	stream.indirect.scatter.add.f32 [tilespmem:s16], [sflag:$0x3], $0x80, s9, s15, $0xb8;
	[tilespmem:$0x1F880] =	vst v63  }
0x163: {  	_ =	swait.ge [sflag:s11], $0x800  }
0x164: {  	[sflag:s11] =	ssyncset.done $0x0  }
0x165: {  	s10 =	rddreg [dreg:$0xc];
	[sflag:s11] =	ssyncadd.s32 $0xFFFFF800  }
0x166: {  	[tilespmem:s16], [sflag:$0x1] =	stream.indirect.gather [spmem:s3], $0x80, s10, s15, $0xb8;
	[tilespmem:$0x1F880] =	vst v63  }
0x167: {  	_ =	swait.ge [sflag:s19], $0x800  }
0x168: {  	[sflag:s19] =	ssyncset.done $0x0  }
0x169: {  	s12 =	rddreg [dreg:$0xd];
	[sflag:s19] =	ssyncadd.s32 $0xFFFFF800  }
0x16a: {  	[spmem:s4] =	stream.indirect.scatter.add.f32 [tilespmem:s17], [sflag:$0x3], $0x80, s12, s15, $0xb8;
	[tilespmem:$0x1F880] =	vst v63  }
0x16b: {  	_ =	swait.ge [sflag:s11], $0x800  }
0x16c: {  	[sflag:s11] =	ssyncset.done $0x0  }
0x16d: {  	s9 =	rddreg [dreg:$0xe];
	[sflag:s11] =	ssyncadd.s32 $0xFFFFF800  }
0x16e: {  	[tilespmem:s17], [sflag:$0x2] =	stream.indirect.gather [spmem:s3], $0x80, s9, s15, $0xb8;
	[tilespmem:$0x1F880] =	vst v63  }
0x16f: {  	_ =	swait.ge [sflag:s18], $0x800  }
0x170: {  	[sflag:s18] =	ssyncset.done $0x0  }
0x171: {  	s10 =	rddreg [dreg:$0xf];
	[sflag:s18] =	ssyncadd.s32 $0xFFFFF800  }
0x172: {  	[spmem:s4] =	stream.indirect.scatter.add.f32 [tilespmem:s16], [sflag:$0x3], $0x80, s10, s15, $0xb8;
	[tilespmem:$0x1F880] =	vst v63  }
0x173: {  	_ =	swait.ge [sflag:s11], $0x800  }
0x174: {  	[sflag:s11] =	ssyncset.done $0x0  }
0x175: {  	s12 =	rddreg [dreg:$0x10];
	[sflag:s11] =	ssyncadd.s32 $0xFFFFF800  }
0x176: {  	[tilespmem:s16], [sflag:$0x1] =	stream.indirect.gather [spmem:s3], $0x80, s12, s15, $0xb8;
	[tilespmem:$0x1F880] =	vst v63  }
0x177: {  	_ =	swait.ge [sflag:s19], $0x800  }
0x178: {  	[sflag:s19] =	ssyncset.done $0x0  }
0x179: {  	s9 =	rddreg [dreg:$0x11];
	[sflag:s19] =	ssyncadd.s32 $0xFFFFF800  }
0x17a: {  	[spmem:s4] =	stream.indirect.scatter.add.f32 [tilespmem:s17], [sflag:$0x3], $0x80, s9, s15, $0xb8;
	[tilespmem:$0x1F880] =	vst v63  }
0x17b: {  	_ =	swait.ge [sflag:s11], $0x800  }
0x17c: {  	[sflag:s11] =	ssyncset.done $0x0  }
0x17d: {  	s10 =	rddreg [dreg:$0x12];
	[sflag:s11] =	ssyncadd.s32 $0xFFFFF800  }
0x17e: {  	[tilespmem:s17], [sflag:$0x2] =	stream.indirect.gather [spmem:s3], $0x80, s10, s15, $0xb8;
	[tilespmem:$0x1F880] =	vst v63  }
0x17f: {  	_ =	swait.ge [sflag:s18], $0x800  }
0x180: {  	[sflag:s18] =	ssyncset.done $0x0  }
0x181: {  	s12 =	rddreg [dreg:$0x13];
	[sflag:s18] =	ssyncadd.s32 $0xFFFFF800  }
0x182: {  	[spmem:s4] =	stream.indirect.scatter.add.f32 [tilespmem:s16], [sflag:$0x3], $0x80, s12, s15, $0xb8;
	[tilespmem:$0x1F880] =	vst v63  }
0x183: {  	_ =	swait.ge [sflag:s11], $0x800  }
0x184: {  	[sflag:s11] =	ssyncset.done $0x0  }
0x185: {  	s9 =	rddreg [dreg:$0x14];
	[sflag:s11] =	ssyncadd.s32 $0xFFFFF800  }
0x186: {  	[tilespmem:s16], [sflag:$0x1] =	stream.indirect.gather [spmem:s3], $0x80, s9, s15, $0xb8;
	[tilespmem:$0x1F880] =	vst v63  }
0x187: {  	_ =	swait.ge [sflag:s19], $0x800  }
0x188: {  	[sflag:s19] =	ssyncset.done $0x0  }
0x189: {  	[sflag:s19] =	ssyncadd.s32 $0xFFFFF800  }
0x18a: {  	[spmem:s4] =	stream.indirect.scatter.add.f32 [tilespmem:s17], [sflag:$0x3], $0x80, s20, s15, $0xb8;
	[tilespmem:$0x1F880] =	vst v63  }
0x18b: {  	_ =	swait.ge [sflag:s11], $0x800  }
0x18c: {  	[sflag:s11] =	ssyncset.done $0x0  }
0x18d: {  	[sflag:s11] =	ssyncadd.s32 $0xFFFFF800  }
0x18e: {  	[tilespmem:s17], [sflag:$0x2] =	stream.indirect.gather [spmem:s3], $0x80, s21, s15, $0xb8;
	[tilespmem:$0x1F880] =	vst v63  }
0x18f: {  	_ =	swait.ge [sflag:s18], $0x800  }
0x190: {  	[sflag:s18] =	ssyncset.done $0x0  }
0x191: {  	[sflag:s18] =	ssyncadd.s32 $0xFFFFF800  }
0x192: {  	[spmem:s4] =	stream.indirect.scatter.add.f32 [tilespmem:s16], [sflag:$0x3], $0x80, s22, s15, $0xb8;
	[tilespmem:$0x1F880] =	vst v63  }
0x193: {  	_ =	swait.ge [sflag:s11], $0x800  }
0x194: {  	[sflag:s11] =	ssyncset.done $0x0  }
0x195: {  	[sflag:s11] =	ssyncadd.s32 $0xFFFFF800  }
0x196: {  	[tilespmem:s16], [sflag:$0x1] =	stream.indirect.gather [spmem:s3], $0x80, s23, s15, $0xb8;
	[tilespmem:$0x1F880] =	vst v63  }
0x197: {  	_ =	swait.ge [sflag:s19], $0x800  }
0x198: {  	[sflag:s19] =	ssyncset.done $0x0  }
0x199: {  	[sflag:s19] =	ssyncadd.s32 $0xFFFFF800  }
0x19a: {  	[spmem:s4] =	stream.indirect.scatter.add.f32 [tilespmem:s17], [sflag:$0x3], $0x80, s24, s15, $0xb8;
	[tilespmem:$0x1F880] =	vst v63  }
0x19b: {  	_ =	swait.ge [sflag:s11], $0x800  }
0x19c: {  	[sflag:s11] =	ssyncset.done $0x0  }
0x19d: {  	[sflag:s11] =	ssyncadd.s32 $0xFFFFF800  }
0x19e: {  	[tilespmem:s17], [sflag:$0x2] =	stream.indirect.gather [spmem:s3], $0x80, s25, s15, $0xb8;
	[tilespmem:$0x1F880] =	vst v63  }
0x19f: {  	_ =	swait.ge [sflag:s18], $0x800  }
0x1a0: {  	[sflag:s18] =	ssyncset.done $0x0  }
0x1a1: {  	[sflag:s18] =	ssyncadd.s32 $0xFFFFF800  }
0x1a2: {  	[spmem:s4] =	stream.indirect.scatter.add.f32 [tilespmem:s16], [sflag:$0x3], $0x80, s26, s15, $0xb8;
	[tilespmem:$0x1F880] =	vst v63  }
0x1a3: {  	_ =	swait.ge [sflag:s11], $0x800  }
0x1a4: {  	[sflag:s11] =	ssyncset.done $0x0  }
0x1a5: {  	[sflag:s11] =	ssyncadd.s32 $0xFFFFF800  }
0x1a6: {  	[tilespmem:s16], [sflag:$0x1] =	stream.indirect.gather [spmem:s3], $0x80, s28, s15, $0xb8;
	[tilespmem:$0x1F880] =	vst v63  }
0x1a7: {  	_ =	swait.ge [sflag:s19], $0x800  }
0x1a8: {  	[sflag:s19] =	ssyncset.done $0x0  }
0x1a9: {  	[sflag:s19] =	ssyncadd.s32 $0xFFFFF800  }
0x1aa: {  	[spmem:s4] =	stream.indirect.scatter.add.f32 [tilespmem:s17], [sflag:$0x3], $0x80, s29, s15, $0xb8;
	[tilespmem:$0x1F880] =	vst v63  }
0x1ab: {  	_ =	swait.ge [sflag:s11], $0x800  }
0x1ac: {  	[sflag:s11] =	ssyncset.done $0x0  }
0x1ad: {  	[sflag:s11] =	ssyncadd.s32 $0xFFFFF800  }
0x1ae: {  	[tilespmem:s17], [sflag:$0x2] =	stream.indirect.gather [spmem:s3], $0x80, s30, s15, $0xb8;
	[tilespmem:$0x1F880] =	vst v63  }
0x1af: {  	_ =	swait.ge [sflag:s18], $0x800  }
0x1b0: {  	[sflag:s18] =	ssyncset.done $0x0  }
0x1b1: {  	[sflag:s18] =	ssyncadd.s32 $0xFFFFF800  }
0x1b2: {  	[spmem:s4] =	stream.indirect.scatter.add.f32 [tilespmem:s16], [sflag:$0x3], $0x80, s31, s15, $0xb8;
	[tilespmem:$0x1F880] =	vst v63  }
0x1b3: {  	_ =	swait.ge [sflag:s11], $0x800  }
0x1b4: {  	[sflag:s11] =	ssyncset.done $0x0  }
0x1b5: {  	[sflag:s11] =	ssyncadd.s32 $0xFFFFF800  }
0x1b6: {  	[tilespmem:s16], [sflag:$0x1] =	stream.indirect.gather [spmem:s3], $0x80, s2, s15, $0xb8;
	[tilespmem:$0x1F880] =	vst v63  }
0x1b7: {  	_ =	swait.ge [sflag:s19], $0x800  }
0x1b8: {  	[sflag:s19] =	ssyncset.done $0x0  }
0x1b9: {  	[sflag:s19] =	ssyncadd.s32 $0xFFFFF800  }
0x1ba: {  	[spmem:s4] =	stream.indirect.scatter.add.f32 [tilespmem:s17], [sflag:$0x3], $0x80, s0, s15, $0xb8;
	[tilespmem:$0x1F880] =	vst v63  }
0x1bb: {  	_ =	swait.ge [sflag:s11], $0x800  }
0x1bc: {  	[sflag:s11] =	ssyncset.done $0x0  }
0x1bd: {  	[sflag:s11] =	ssyncadd.s32 $0xFFFFF800  }
0x1be: {  	[tilespmem:s17], [sflag:$0x2] =	stream.indirect.gather [spmem:s3], $0x80, s1, s15, $0xb8;
	[tilespmem:$0x1F880] =	vst v63  }
0x1bf: {  	_ =	swait.ge [sflag:s18], $0x800  }
0x1c0: {  	[sflag:s18] =	ssyncset.done $0x0  }
0x1c1: {  	[sflag:s18] =	ssyncadd.s32 $0xFFFFF800  }
0x1c2: {  	[spmem:s4] =	stream.indirect.scatter.add.f32 [tilespmem:s16], [sflag:$0x3], $0x80, s7, s15, $0xb8;
	[tilespmem:$0x1F880] =	vst v63  }
0x1c3: {  	_ =	swait.ge [sflag:s11], $0x800  }
0x1c4: {  	[sflag:s11] =	ssyncset.done $0x0  }
0x1c5: {  	[sflag:s11] =	ssyncadd.s32 $0xFFFFF800  }
0x1c6: {  	_ =	swait.ge [sflag:s19], $0x800  }
0x1c7: {  	[sflag:s19] =	ssyncset.done $0x0  }
0x1c8: {  	[sflag:s19] =	ssyncadd.s32 $0xFFFFF800  }
0x1c9: {  	[spmem:s4] =	stream.indirect.scatter.add.f32 [tilespmem:s17], [sflag:$0x3], $0x80, s8, s15, $0xb8;
	[tilespmem:$0x1F880] =	vst v63  }
0x1ca: {  	_ =	swait.ge [sflag:s11], $0x800  }
0x1cb: {  	[sflag:s11] =	ssyncset.done $0x0  }
0x1cc: {  	[sflag:s11] =	ssyncadd.s32 $0xFFFFF800  }
0x1cd: {  	[bflag:$0x0] =	sbarrier.arrive $0xFFFF  }
0x1ce: {  	s12 =	rddreg [dreg:$0x15]  }
0x1cf: {  	s10 =	rddreg [dreg:$0x17]  }
0x1d0: {  	s9 =	rddreg [dreg:$0x19]  }
0x1d1: {  	[hbm:s10], [sflag:s12] =	dma.local [spmem:s9], $0x1400  }
0x1d2: {  	_ =	swait.ge [sflag:s11], $0x1400  }
0x1d3: {  	s10 =	rddreg [dreg:$0x1b]  }
0x1d4: {  	s6 =	rddreg [dreg:$0x18];
	s10 =	sadd.s32 $0x1, s10  }
0x1d5: {  	p1 =	sne.s32 s10, s6  }
.Ltmp1:
0x1d6: {  	_ = 	snop;
	(pc) =	sbr.rel @p1 .LBB2_1-.Ltmp1, $3  }
0x1d7: {  	_ =	sdelay $0x1  }
0x1d8: {  	[sflag:s11] =	ssyncset.done $0x0  }
0x1d9: {  	[sflag:s11] =	ssyncadd.s32 $0xFFFFEC00  }
0x1da: {  	_ =	sfence.sel $0x180000  }
0x1db: {  	[bflag:$0x0] =	sbarrier.arrive $0xFFFF  }
0x1dc: {  	_ =	strace $0x9000004A  }
0x1dd: {  	s0 =	stileid.u32;
	[bflag:$0x2] =	sbarrier.arrive $0xFFFF  }
0x1de: {  	p0 =	sne.s32 s0, $0x0;
	s0 =	rddreg [dreg:$0x4]  }
0x1df: {  	s0 =	sadd.s32 @!p0 $0x100000, s0  }
0x1e0: {  	[sflag:s0] =	ssyncadd.tile.s32 @!p0 $0x1;
	_ =	shalt  }
.Lfunc_end2:
_tile_overlayer_lowered:
.L_overlay_start_2:
0x1e1: {  	(tag) =	ssettag $0x2  }
0x1e2: {  	s0 =	rddreg [dreg:$0x0];
	s2 =	stileid.u32  }
0x1e3: {  	s1 =	rddreg [dreg:$0x1];
	p0 =	sne.s32 s2, $0x0  }
0x1e4: {  	s3 =	rddreg [dreg:$0x2];
	[bflag:$0x3] =	sbarrier.arrive $0xFFFF;
	s2 =	simm.s32 @!p0 $0x1C03  }
0x1e5: {  	[timem:s3], [sflag:s2] =	dma.local @!p0 [hbm:s0], s1  }
0x1e6: {  	s0 =	simm.s32 @!p0 $0x3  }
0x1e7: {  	_ =	swait.ge @!p0 [sflag:s0], s1  }
0x1e8: {  	s1 =	ssub.s32 @!p0 $0x0, s1;
	[sflag:s0] =	ssyncset.done @!p0 $0x0  }
0x1e9: {  	[sflag:s0] =	ssyncadd.s32 @!p0 s1  }
0x1ea: {  	[bflag:$0x3] =	sbarrier.arrive $0xFFFF  }
0x1eb: {  	_ =	shalt  }

// kernel: kernel.14.cloned.1.call-start
scs
__scs_entry_jumppad:
0x0: {  	(pc) =	sbr.rel $0x88, $3  }
0x1: {  	(tag) =	ssettag $0x0;
	lr =	simm.s32 $0x1  }
0x2: {  	[smem:$0x3F99] =	sst lr;
	_ =	strace $0xD0000000  }
0x3: {  	_ = 	snop  }
0x4: {  	_ = 	snop  }
0x5: {  	_ = 	snop  }
0x6: {  	_ = 	snop  }
0x7: {  	_ = 	snop  }
__scs_overlays_trampoline_lowered:
0x8: {  	[smem:$0x3FA8] =	sst s0  }
0x9: {  	[smem:$0x3FA9] =	sst s1  }
0xa: {  	[smem:$0x3FAA] =	sst s2  }
0xb: {  	[smem:$0x3FAB] =	sst s3  }
0xc: {  	[smem:$0x3FAC] =	sst s4  }
0xd: {  	[smem:$0x3FAD] =	sst s5  }
0xe: {  	[smem:$0x3FAE] =	sst s6  }
0xf: {  	[smem:$0x3FAF] =	sst s7  }
0x10: {  	[smem:$0x3FB0] =	sst s8  }
0x11: {  	[smem:$0x3FB1] =	sst s9;
	s0 =	simm.s32 @!p0 $0x0  }
0x12: {  	s1 =	sld [smem:$0x3F97];
	s0 =	simm.s32 @p0 $0x1  }
0x13: {  	[smem:$0x3FB2] =	sst s0;
	s0 =	simm.s32 @!p1 $0x0  }
0x14: {  	s2 =	sld [smem:$0x3F96];
	s0 =	simm.s32 @p1 $0x1  }
0x15: {  	[smem:$0x3FB3] =	sst s0;
	s0 =	simm.s32 @!p2 $0x0  }
0x16: {  	s3 =	sld [smem:$0x3FDB];
	s0 =	simm.s32 @p2 $0x1  }
0x17: {  	s4 =	simm.s32 $0x1BF5;
	[smem:$0x3FB5] =	sst s0  }
0x18: {  	s0 =	sld [smem:$0x3F98];
	_ =	swait.ge [sflag:s4], $0x0  }
0x19: {  	s7 =	sld [smem:$0x3F99]  }
0x1a: {  	s8 =	sadd.s32 $0xFFFFE003, lr  }
0x1b: {  	s9 =	sadd.s32 $0xFFFFFEF7, lr;
	s5 =	simm.s32 $0xFFFFFFFF;
	p2 =	slt.u32 s8, $0xFFFFF086  }
0x1c: {  	p1 =	slt.u32 s9, $0xF7A;
	s5 =	simm.s32 @!p2 $0x0  }
0x1d: {  	s5 =	simm.s32 @p1 $0x1;
	p0 =	seq.s32 s7, s2  }
0x1e: {  	s7 =	smul.u32 @!p0 $0xF7A, s2;
	p2 =	seq.s32 @!p0 s5, $0x0  }
0x1f: {  	s9 =	smul.u32 $0xF7A, s1;
	s8 =	simm.s32 @!p0 $0x1BF5;
	p2 =	por !p2, p0  }
0x20: {  	[sflag:s8] =	ssyncset.s32 @!p0 $0xFFFFF086;
	s6 =	sadd.s32 @!p0 s3, s7;
	s7 =	simm.s32 @!p0 $0x108  }
0x21: {  	s3 =	sadd.s32 s3, s9;
	s6 =	sadd.s32 @!p0 $0x88, s6;
	s7 =	simm.s32 @p2 $0x1082  }
0x22: {  	[simem:s7], [sflag:s8] =	dma.local @!p0 [hbm:s6], $0xF7A  }
0x23: {  	s9 =	sor.u32 $0xD0000000, s2;
	s6 =	simm.s32 $0x108;
	_ =	swait.ge @!p0 [sflag:s8], $0x0  }
0x24: {  	s3 =	sadd.s32 $0x88, s3;
	s6 =	simm.s32 @!p1 $0x1082;
	[sflag:s4] =	ssyncset.s32 $0xFFFFF086  }
0x25: {  	[simem:s6], [sflag:s4] =	dma.local [hbm:s3], $0xF7A  }
0x26: {  	[smem:$0x3F99] =	sst s1;
	(tag) =	ssettag s2;
	_ =	strace s9  }
0x27: {  	s1 =	sld [smem:$0x3FA9]  }
0x28: {  	s2 =	sld [smem:$0x3FAA]  }
0x29: {  	s4 =	sld [smem:$0x3FAC]  }
0x2a: {  	p0 =	seq.s32 s5, $0x0;
	s5 =	sld [smem:$0x3FAD]  }
0x2b: {  	s6 =	sld [smem:$0x3FAE]  }
0x2c: {  	s7 =	sld [smem:$0x3FAF]  }
0x2d: {  	s3 =	simm.s32 $0x108;
	s8 =	sld [smem:$0x3FB0]  }
0x2e: {  	s3 =	simm.s32 @!p0 $0x1082;
	s9 =	sld [smem:$0x3FB1]  }
0x2f: {  	lr =	sadd.s32 s0, s3;
	s0 =	sld [smem:$0x3FA8]  }
0x30: {  	s3 =	sld [smem:$0x3FAB]  }
0x31: {  	[smem:$0x3FB4] =	sst s10  }
0x32: {  	s10 =	sld [smem:$0x3FB2];
	_ =	sdelay $0x3  }
0x33: {  	p0 =	seq.s32 s10, $0x1;
	s10 =	sld [smem:$0x3FB4];
	_ =	sdelay $0x3  }
0x34: {  	[smem:$0x3FB4] =	sst s10  }
0x35: {  	s10 =	sld [smem:$0x3FB3];
	_ =	sdelay $0x3  }
0x36: {  	p1 =	seq.s32 s10, $0x1;
	s10 =	sld [smem:$0x3FB4];
	_ =	sdelay $0x3  }
0x37: {  	[smem:$0x3FB4] =	sst s10  }
0x38: {  	s10 =	sld [smem:$0x3FB5]  }
0x39: {  	_ = 	snop;
	(pc) =	sbr.ind lr, $3  }
0x3a: {  	_ = 	snop  }
0x3b: {  	_ = 	snop  }
0x3c: {  	p2 =	seq.s32 s10, $0x1;
	s10 =	sld [smem:$0x3FB4]  }
0x3d: {  	_ =	shalt  }
0x3e: {  	_ =	shalt  }
0x3f: {  	_ =	shalt  }
0x40: {  	_ =	shalt  }
0x41: {  	_ =	shalt  }
0x42: {  	_ =	shalt  }
0x43: {  	_ =	shalt  }
0x44: {  	_ =	shalt  }
0x45: {  	_ =	shalt  }
0x46: {  	_ =	shalt  }
0x47: {  	_ =	shalt  }
0x48: {  	_ =	shalt  }
0x49: {  	_ =	shalt  }
0x4a: {  	_ =	shalt  }
0x4b: {  	_ =	shalt  }
0x4c: {  	_ =	shalt  }
0x4d: {  	_ =	shalt  }
0x4e: {  	_ =	shalt  }
0x4f: {  	_ =	shalt  }
0x50: {  	_ =	shalt  }
0x51: {  	_ =	shalt  }
0x52: {  	_ =	shalt  }
0x53: {  	_ =	shalt  }
0x54: {  	_ =	shalt  }
0x55: {  	_ =	shalt  }
0x56: {  	_ =	shalt  }
0x57: {  	_ =	shalt  }
0x58: {  	_ =	shalt  }
0x59: {  	_ =	shalt  }
0x5a: {  	_ =	shalt  }
0x5b: {  	_ =	shalt  }
0x5c: {  	_ =	shalt  }
0x5d: {  	_ =	shalt  }
0x5e: {  	_ =	shalt  }
0x5f: {  	_ =	shalt  }
0x60: {  	_ =	shalt  }
0x61: {  	_ =	shalt  }
0x62: {  	_ =	shalt  }
0x63: {  	_ =	shalt  }
0x64: {  	_ =	shalt  }
0x65: {  	_ =	shalt  }
0x66: {  	_ =	shalt  }
0x67: {  	_ =	shalt  }
0x68: {  	_ =	shalt  }
0x69: {  	_ =	shalt  }
0x6a: {  	_ =	shalt  }
0x6b: {  	_ =	shalt  }
0x6c: {  	_ =	shalt  }
0x6d: {  	_ =	shalt  }
0x6e: {  	_ =	shalt  }
0x6f: {  	_ =	shalt  }
0x70: {  	_ =	shalt  }
0x71: {  	_ =	shalt  }
0x72: {  	_ =	shalt  }
0x73: {  	_ =	shalt  }
0x74: {  	_ =	shalt  }
0x75: {  	_ =	shalt  }
0x76: {  	_ =	shalt  }
0x77: {  	_ =	shalt  }
0x78: {  	_ =	shalt  }
0x79: {  	_ =	shalt  }
0x7a: {  	_ =	shalt  }
0x7b: {  	_ =	shalt  }
0x7c: {  	_ =	shalt  }
0x7d: {  	_ =	shalt  }
0x7e: {  	_ =	shalt  }
0x7f: {  	_ =	shalt  }
0x80: {  	_ =	shalt  }
0x81: {  	_ =	shalt  }
0x82: {  	_ =	shalt  }
0x83: {  	_ =	shalt  }
0x84: {  	_ =	shalt  }
0x85: {  	_ =	shalt  }
0x86: {  	_ =	shalt  }
0x87: {  	_ =	shalt  }
.Lfunc_end0:
.L_simem_size_0:
called_computation.2_lowered:
.L_overlay_start_0:
0x88: {  	s2 =	sld [smem:$0x3FD9]  }
0x89: {  	s3 =	sld [smem:$0x3FFE];
	_ =	sdelay $0x1  }
0x8a: {  	s1 =	srdreg.scid  }
0x8b: {  	s0 =	sand.u32 $0x1, s1  }
0x8c: {  	s14 =	sshll.u32 s0, $0xA;
	s2 =	sadd.s32 s3, s2  }
0x8d: {  	s2 =	sadd.s32 s2, s14  }
0x8e: {  	[smem:$0x3FC0] =	sst s2  }
0x8f: {  	_ = 	snop  }
0x90: {  	s2 =	sld [smem:$0x3FD0];
	_ =	sdelay $0x2  }
0x91: {  	s15 =	simm.s32 $0xA;
	s4 =	simm.s32 $0x10  }
0x92: {  	[smem:s4], [sflag:s15] =	dma.local [hbm:s2], $0x1  }
0x93: {  	_ =	swait.eq [sflag:s15], $0x1  }
0x94: {  	[sflag:s15] =	ssyncset.done $0x0  }
0x95: {  	[sflag:s15] =	ssyncadd.s32 $0xFFFFFFFF  }
0x96: {  	s16 =	sld [smem:$0x10];
	(tm) =	ssettm $0x1  }
0x97: {  	s17 =	sld [smem:$0x3FFB];
	_ =	sdelay $0x3  }
0x98: {  	_ =	strace s17  }
0x99: {  	s3 =	sld [smem:$0x3FFC];
	_ =	sdelay $0x3  }
0x9a: {  	_ =	strace s3  }
0x9b: {  	s3 =	sld [smem:$0x3FFD];
	_ =	sdelay $0x3  }
0x9c: {  	_ =	strace s3  }
0x9d: {  	_ =	strace $0x8FFFFFFF  }
0x9e: {  	s18 =	sld [smem:$0x3FDB];
	_ =	sdelay $0x1  }
0x9f: {  	s19 =	simm.s32 $_scs_section_size  }
0xa0: {  	s5 =	simm.s32 $_size__tile_overlayer_lowered;
	s6 =	simm.s32 $_tile_overlayer_lowered  }
0xa1: {  	s22 =	simm.s32 $0x1BFF;
	s21 =	sshll.u32 s6, $0x1;
	s3 =	sadd.s32 s19, s18  }
0xa2: {  	s7 =	simm.s32 $0x0;
	s20 =	sshll.u32 s5, $0x1;
	s5 =	sadd.s32 s21, s3  }
0xa3: {  	[timem:s7], [sflag:s22] =	dma.local [hbm:s5], s20  }
0xa4: {  	_ =	swait.ge [sflag:s22], s20  }
0xa5: {  	s4 =	ssub.s32 $0x0, s20;
	[sflag:s22] =	ssyncset.done $0x0  }
0xa6: {  	[sflag:s22] =	ssyncadd.s32 s4;
	_ =	sdelay $0x1  }
0xa7: {  	s23 =	simm.s32 $0x1B8B  }
0xa8: {  	_ =	swait.ge [sflag:s23], $0x1  }
0xa9: {  	[sflag:s23] =	ssyncset.done $0x0  }
0xaa: {  	s25 =	simm.s32 $0x1B8E;
	s24 =	sld [smem:$0x3FFE];
	[sflag:s23] =	ssyncadd.s32 $0xFFFFFFFF  }
0xab: {  	s26 =	simm.s32 $execute0_lowered;
	[smem:$0x3FD2] =	sst s25  }
0xac: {  	s5 =	sshll.u32 s26, $0x1;
	_ =	strace $0x8000004C;
	[dreg:$0x1] =	wrdreg $0xFFFFFFFF  }
0xad: {  	s28 =	simm.s32 $_size_execute0_lowered;
	s3 =	sadd.s32 s3, s5;
	[dreg:$0x0] =	wrdreg $0x0  }
0xae: {  	s5 =	sshll.u32 s28, $0x1;
	[dreg:$0x2] =	wrdreg s3  }
0xaf: {  	[dreg:$0x3] =	wrdreg s5  }
0xb0: {  	[dreg:$0x4] =	wrdreg $0xC0  }
0xb1: {  	_ =	task [dreg:s7], $0x5FFFF  }
0xb2: {  	[dreg:$0x1] =	wrdreg $0xFFFFFFFF  }
0xb3: {  	[dreg:$0x0] =	wrdreg $0x60  }
0xb4: {  	[dreg:$0x2] =	wrdreg s24  }
0xb5: {  	[dreg:$0x3] =	wrdreg s16  }
0xb6: {  	[dreg:$0x4] =	wrdreg $0x0  }
0xb7: {  	[dreg:$0x5] =	wrdreg $0x138800  }
0xb8: {  	[dreg:$0x6] =	wrdreg $0x9  }
0xb9: {  	_ =	task.clear_ibuf [dreg:s7], $0x7FFFF;
	_ =	strace $0x9000004C  }
0xba: {  	s29 =	simm.s32 $0x9;
	_ =	strace $0x8000004E  }
0xbb: {  	_ =	swait.ge [sflag:s29], $0x1  }
0xbc: {  	[sflag:s29] =	ssyncadd.s32 $0xFFFFFFFF  }
0xbd: {  	_ =	strace $0x9000004E  }
0xbe: {  	_ =	sfence  }
0xbf: {  	s30 =	sld [smem:$0x0];
	_ =	sdelay $0x2  }
0xc0: {  	s31 =	sshll.u32 s1, $0xD;
	s1 =	sshrl.u32 s1, $0x2  }
0xc1: {  	s3 =	sand.u32 $0x4000, s31;
	s1 =	sadd.s32 s1, s30  }
0xc2: {  	s0 =	sor.u32 s3, s0;
	s1 =	sshll.u32 s1, $0x11  }
0xc3: {  	s0 =	sor.u32 s1, s0  }
0xc4: {  	s0 =	sadd.s32 $0x8F2B, s0  }
0xc5: {  	[sflag:s0] =	ssyncadd.remote.s32 $0x1  }
0xc6: {  	_ =	sfence.sel $0xFFFF  }
0xc7: {  	[dreg:$0x0] =	wrdreg $0xFFFFFFFF;
	(pc) =	sbr.abs _section_cstart, $3  }
0xc8: {  	[dreg:$0x1] =	wrdreg $0xFFFFFFFF  }
0xc9: {  	_ =	task.clear_ibuf [dreg:s7], $0x2FFFF;
	_ =	strace $0x9FFFFFFF  }
0xca: {  	(tm) =	ssettm $0x7FFFFFFF  }
0xcb: {  	_ =	shalt  }
tec
execute0_lowered:
.L_overlay_start_1:
0x0: {  	(tag) =	ssettag $0x1  }
0x1: {  	s0 =	rddreg [dreg:$0x0]  }
0x2: {  	s11 =	stileid.u32;
	s3 =	rddreg [dreg:$0x2]  }
0x3: {  	s2 =	srdreg.scid;
	s4 =	rddreg [dreg:$0x3];
	s5 =	simm.s32 $0x0  }
0x4: {  	s13 =	simm.s32 $0x1D980;
	s15 =	simm.s32 $0x1E100;
	s16 =	simm.s32 $0x1DA00  }
0x5: {  	s17 =	simm.s32 $0x1E180;
	s18 =	simm.s32 $0x1DA80;
	s19 =	simm.s32 $0x1E200  }
0x6: {  	s20 =	simm.s32 $0x1DB00;
	s21 =	simm.s32 $0x1E280;
	s28 =	simm.s32 $0x1DE80  }
0x7: {  	s29 =	simm.s32 $0x1E600;
	s30 =	simm.s32 $0x1DF00;
	s1 =	smul.u32 $0x3E80, s11  }
0x8: {  	s31 =	simm.s32 $0x1E680;
	s6 =	smul.u32 $0x28000, s11;
	[smem:$0x7FF] =	sst s5  }
0x9: {  	s9 =	smul.u32 $0xA000, s11;
	_ =	strace $0x8000004D;
	[dreg:$0x8] =	wrdreg s13  }
0xa: {  	s2 =	sand.u32 $0x1, s2;
	s10 =	smul.u32 $0x5000, s11;
	[dreg:$0x9] =	wrdreg s15  }
0xb: {  	s24 =	smul.u32 $0x7D000, s11;
	s25 =	sshll.u32 s11, $0x6;
	[dreg:$0xa] =	wrdreg s16  }
0xc: {  	p0 =	sgt.u32 s11, $0x9;
	s7 =	smul.u32 $0x280000, s2;
	[dreg:$0xb] =	wrdreg s17  }
0xd: {  	s11 =	simm.s32 $0x3;
	s8 =	smul.u32 $0xA0000, s2;
	[dreg:$0xc] =	wrdreg s18  }
0xe: {  	s2 =	ssub.s32 $0x2, s2;
	s12 =	sor.u32 $0x1C03, s25;
	[dreg:$0xd] =	wrdreg s19  }
0xf: {  	s13 =	simm.s32 $0x1D880;
	[dreg:$0xe] =	wrdreg s20;
	s15 =	simm.s32 $0x10  }
0x10: {  	[dreg:$0xf] =	wrdreg s21;
	s16 =	simm.s32 $0x1E880;
	s17 =	simm.s32 $0x1F080  }
0x11: {  	s18 =	simm.s32 $0x1;
	s25 =	simm.s32 $0x1E380;
	s19 =	simm.s32 $0x2  }
0x12: {  	s20 =	simm.s32 $0x1E400;
	s21 =	simm.s32 $0x1DD00;
	s1 =	sadd.s32 s1, s0  }
0x13: {  	s22 =	sadd.s32 s10, s0;
	s23 =	sshrl.u32 s2, $0x1;
	s26 =	sshrl.u32 s24, $0x2  }
0x14: {  	s10 =	simm.s32 $0x1D900;
	s24 =	simm.s32 $0x1DC00;
	[dreg:$0x13] =	wrdreg s25  }
0x15: {  	s25 =	simm.s32 $0x1DE00;
	[dreg:$0x15] =	wrdreg s12;
	s7 =	sadd.s32 s6, s7  }
0x16: {  	s8 =	sadd.s32 s9, s8;
	s6 =	sshrl.u32 s6, $0x2;
	s2 =	ssub.s32 s2, s23  }
0x17: {  	s9 =	sadd.s32 $0x52200, s22;
	s1 =	sadd.s32 $0x142200, s1;
	[dreg:$0x7] =	wrdreg s10  }
0x18: {  	s22 =	simm.s32 $0x1DB80;
	s23 =	simm.s32 $0x1E300;
	[dreg:$0x12] =	wrdreg s24  }
0x19: {  	s24 =	simm.s32 $0x1E500;
	s10 =	simm.s32 $0x0;
	[dreg:$0x5] =	wrdreg s9  }
0x1a: {  	s7 =	sshrl.u32 s7, $0x3;
	s8 =	sshrl.u32 s8, $0x3;
	[dreg:$0x16] =	wrdreg s1  }
0x1b: {  	s6 =	sadd.s32 s6, s4;
	s14 =	smax.u32 s2, $0x1;
	[dreg:$0x10] =	wrdreg s22  }
0x1c: {  	[dreg:$0x11] =	wrdreg s23;
	s7 =	sadd.s32 s7, s0;
	s0 =	sadd.s32 s8, s0  }
0x1d: {  	s8 =	sadd.s32 s26, s3;
	[dreg:$0x18] =	wrdreg s14;
	s26 =	simm.s32 $0x1DC80  }
0x1e: {  	s22 =	simm.s32 $0x1E480;
	s9 =	sshrl.u32 s6, $0x3;
	[dreg:$0x14] =	wrdreg s26  }
0x1f: {  	s23 =	simm.s32 $0x1DD80;
	s7 =	sadd.s32 $0xA2200, s7;
	[dreg:$0x19] =	wrdreg s9  }
0x20: {  	s2 =	simm.s32 $0x1DF80;
	s0 =	sadd.s32 $0x169400, s0;
	[dreg:$0x6] =	wrdreg s7  }
0x21: {  	s14 =	simm.s32 $0x1E080;
	s1 =	sshrl.u32 @!p0 s8, $0x3;
	[dreg:$0x17] =	wrdreg s0  }
0x22: {  	s26 =	simm.s32 $0x1E580;
	s8 =	simm.s32 $0x1E800;
	[dreg:$0x1a] =	wrdreg s1  }
0x23: {  	s0 =	simm.s32 $0x1E700;
	s1 =	simm.s32 $0x1E000;
	s7 =	simm.s32 $0x1E780  }
.LBB2_1:
0x24: {  	[dreg:$0x1b] =	wrdreg s10  }
0x25: {  	s6 =	rddreg [dreg:$0x1]  }
0x26: {  	[spmem:s9], [sflag:s12] =	dma.local [hbm:s6], $0x1400  }
0x27: {  	_ =	swait.ge [sflag:s11], $0x1400  }
0x28: {  	[sflag:s11] =	ssyncset.done $0x0;
	s6 =	rddreg [dreg:$0x16]  }
0x29: {  	s9 =	rddreg [dreg:$0x1a];
	[sflag:s11] =	ssyncadd.s32 $0xFFFFEC00  }
0x2a: {  	[spmem:s9], [sflag:s12] =	dma.local @!p0 [hbm:s6], $0x3E80  }
0x2b: {  	s6 =	simm.s32 @!p0 $0x3  }
0x2c: {  	_ =	swait.ge @!p0 [sflag:s6], $0x3E80  }
0x2d: {  	[sflag:s6] =	ssyncset.done @!p0 $0x0  }
0x2e: {  	[sflag:s6] =	ssyncadd.s32 @!p0 $0xFFFFC180  }
0x2f: {  	[bflag:$0x0] =	sbarrier.arrive $0xFFFF  }
0x30: {  	s12 =	rddreg [dreg:$0x5]  }
0x31: {  	s6 =	sadd.s32 $0x0, s12  }
0x32: {  	[tilespmem:s13], [sflag:$0x3] =	stream.linear.gather [hbm4b:s6+s5], $0x800, $0x38;
	[tilespmem:$0x1F880] =	vst v63  }
0x33: {  	_ =	swait.ge [sflag:s11], $0x800  }
0x34: {  	s9 =	rddreg [dreg:$0x6];
	[sflag:s11] =	ssyncset.done $0x0  }
0x35: {  	[sflag:s11] =	ssyncadd.s32 $0xFFFFF800;
	s6 =	sadd.s32 $0x0, s9  }
0x36: {  	[tilespmem:s14], [sflag:$0x3] =	stream.linear.gather [hbm4b:s6+s5], $0x800, $0x38;
	[tilespmem:$0x1F880] =	vst v63  }
0x37: {  	_ =	swait.ge [sflag:s11], $0x800  }
0x38: {  	[sflag:s11] =	ssyncset.done $0x0  }
0x39: {  	[sflag:s11] =	ssyncadd.s32 $0xFFFFF800  }
0x3a: {  	[tilespmem:s16], [sflag:$0x1] =	stream.indirect.gather [spmem:s3], $0x80, s13, s15, $0xb8;
	[tilespmem:$0x1F880] =	vst v63  }
0x3b: {  	s10 =	rddreg [dreg:$0x7]  }
0x3c: {  	[tilespmem:s17], [sflag:$0x2] =	stream.indirect.gather [spmem:s3], $0x80, s10, s15, $0xb8;
	[tilespmem:$0x1F880] =	vst v63  }
0x3d: {  	_ =	swait.ge [sflag:s18], $0x800  }
0x3e: {  	[sflag:s18] =	ssyncset.done $0x0  }
0x3f: {  	[sflag:s18] =	ssyncadd.s32 $0xFFFFF800  }
0x40: {  	[spmem:s4] =	stream.indirect.scatter.add.f32 [tilespmem:s16], [sflag:$0x3], $0x80, s14, s15, $0xb8;
	[tilespmem:$0x1F880] =	vst v63  }
0x41: {  	_ =	swait.ge [sflag:s11], $0x800  }
0x42: {  	[sflag:s11] =	ssyncset.done $0x0  }
0x43: {  	s12 =	rddreg [dreg:$0x8];
	[sflag:s11] =	ssyncadd.s32 $0xFFFFF800  }
0x44: {  	[tilespmem:s16], [sflag:$0x1] =	stream.indirect.gather [spmem:s3], $0x80, s12, s15, $0xb8;
	[tilespmem:$0x1F880] =	vst v63  }
0x45: {  	_ =	swait.ge [sflag:s19], $0x800  }
0x46: {  	[sflag:s19] =	ssyncset.done $0x0  }
0x47: {  	s9 =	rddreg [dreg:$0x9];
	[sflag:s19] =	ssyncadd.s32 $0xFFFFF800  }
0x48: {  	[spmem:s4] =	stream.indirect.scatter.add.f32 [tilespmem:s17], [sflag:$0x3], $0x80, s9, s15, $0xb8;
	[tilespmem:$0x1F880] =	vst v63  }
0x49: {  	_ =	swait.ge [sflag:s11], $0x800  }
0x4a: {  	[sflag:s11] =	ssyncset.done $0x0  }
0x4b: {  	s10 =	rddreg [dreg:$0xa];
	[sflag:s11] =	ssyncadd.s32 $0xFFFFF800  }
0x4c: {  	[tilespmem:s17], [sflag:$0x2] =	stream.indirect.gather [spmem:s3], $0x80, s10, s15, $0xb8;
	[tilespmem:$0x1F880] =	vst v63  }
0x4d: {  	_ =	swait.ge [sflag:s18], $0x800  }
0x4e: {  	[sflag:s18] =	ssyncset.done $0x0  }
0x4f: {  	s12 =	rddreg [dreg:$0xb];
	[sflag:s18] =	ssyncadd.s32 $0xFFFFF800  }
0x50: {  	[spmem:s4] =	stream.indirect.scatter.add.f32 [tilespmem:s16], [sflag:$0x3], $0x80, s12, s15, $0xb8;
	[tilespmem:$0x1F880] =	vst v63  }
0x51: {  	_ =	swait.ge [sflag:s11], $0x800  }
0x52: {  	[sflag:s11] =	ssyncset.done $0x0  }
0x53: {  	s9 =	rddreg [dreg:$0xc];
	[sflag:s11] =	ssyncadd.s32 $0xFFFFF800  }
0x54: {  	[tilespmem:s16], [sflag:$0x1] =	stream.indirect.gather [spmem:s3], $0x80, s9, s15, $0xb8;
	[tilespmem:$0x1F880] =	vst v63  }
0x55: {  	_ =	swait.ge [sflag:s19], $0x800  }
0x56: {  	[sflag:s19] =	ssyncset.done $0x0  }
0x57: {  	s10 =	rddreg [dreg:$0xd];
	[sflag:s19] =	ssyncadd.s32 $0xFFFFF800  }
0x58: {  	[spmem:s4] =	stream.indirect.scatter.add.f32 [tilespmem:s17], [sflag:$0x3], $0x80, s10, s15, $0xb8;
	[tilespmem:$0x1F880] =	vst v63  }
0x59: {  	_ =	swait.ge [sflag:s11], $0x800  }
0x5a: {  	[sflag:s11] =	ssyncset.done $0x0  }
0x5b: {  	s12 =	rddreg [dreg:$0xe];
	[sflag:s11] =	ssyncadd.s32 $0xFFFFF800  }
0x5c: {  	[tilespmem:s17], [sflag:$0x2] =	stream.indirect.gather [spmem:s3], $0x80, s12, s15, $0xb8;
	[tilespmem:$0x1F880] =	vst v63  }
0x5d: {  	_ =	swait.ge [sflag:s18], $0x800  }
0x5e: {  	[sflag:s18] =	ssyncset.done $0x0  }
0x5f: {  	s9 =	rddreg [dreg:$0xf];
	[sflag:s18] =	ssyncadd.s32 $0xFFFFF800  }
0x60: {  	[spmem:s4] =	stream.indirect.scatter.add.f32 [tilespmem:s16], [sflag:$0x3], $0x80, s9, s15, $0xb8;
	[tilespmem:$0x1F880] =	vst v63  }
0x61: {  	_ =	swait.ge [sflag:s11], $0x800  }
0x62: {  	[sflag:s11] =	ssyncset.done $0x0  }
0x63: {  	s10 =	rddreg [dreg:$0x10];
	[sflag:s11] =	ssyncadd.s32 $0xFFFFF800  }
0x64: {  	[tilespmem:s16], [sflag:$0x1] =	stream.indirect.gather [spmem:s3], $0x80, s10, s15, $0xb8;
	[tilespmem:$0x1F880] =	vst v63  }
0x65: {  	_ =	swait.ge [sflag:s19], $0x800  }
0x66: {  	[sflag:s19] =	ssyncset.done $0x0  }
0x67: {  	s12 =	rddreg [dreg:$0x11];
	[sflag:s19] =	ssyncadd.s32 $0xFFFFF800  }
0x68: {  	[spmem:s4] =	stream.indirect.scatter.add.f32 [tilespmem:s17], [sflag:$0x3], $0x80, s12, s15, $0xb8;
	[tilespmem:$0x1F880] =	vst v63  }
0x69: {  	_ =	swait.ge [sflag:s11], $0x800  }
0x6a: {  	[sflag:s11] =	ssyncset.done $0x0  }
0x6b: {  	s9 =	rddreg [dreg:$0x12];
	[sflag:s11] =	ssyncadd.s32 $0xFFFFF800  }
0x6c: {  	[tilespmem:s17], [sflag:$0x2] =	stream.indirect.gather [spmem:s3], $0x80, s9, s15, $0xb8;
	[tilespmem:$0x1F880] =	vst v63  }
0x6d: {  	_ =	swait.ge [sflag:s18], $0x800  }
0x6e: {  	[sflag:s18] =	ssyncset.done $0x0  }
0x6f: {  	s10 =	rddreg [dreg:$0x13];
	[sflag:s18] =	ssyncadd.s32 $0xFFFFF800  }
0x70: {  	[spmem:s4] =	stream.indirect.scatter.add.f32 [tilespmem:s16], [sflag:$0x3], $0x80, s10, s15, $0xb8;
	[tilespmem:$0x1F880] =	vst v63  }
0x71: {  	_ =	swait.ge [sflag:s11], $0x800  }
0x72: {  	[sflag:s11] =	ssyncset.done $0x0  }
0x73: {  	s12 =	rddreg [dreg:$0x14];
	[sflag:s11] =	ssyncadd.s32 $0xFFFFF800  }
0x74: {  	[tilespmem:s16], [sflag:$0x1] =	stream.indirect.gather [spmem:s3], $0x80, s12, s15, $0xb8;
	[tilespmem:$0x1F880] =	vst v63  }
0x75: {  	_ =	swait.ge [sflag:s19], $0x800  }
0x76: {  	[sflag:s19] =	ssyncset.done $0x0  }
0x77: {  	[sflag:s19] =	ssyncadd.s32 $0xFFFFF800  }
0x78: {  	[spmem:s4] =	stream.indirect.scatter.add.f32 [tilespmem:s17], [sflag:$0x3], $0x80, s20, s15, $0xb8;
	[tilespmem:$0x1F880] =	vst v63  }
0x79: {  	_ =	swait.ge [sflag:s11], $0x800  }
0x7a: {  	[sflag:s11] =	ssyncset.done $0x0  }
0x7b: {  	[sflag:s11] =	ssyncadd.s32 $0xFFFFF800  }
0x7c: {  	[tilespmem:s17], [sflag:$0x2] =	stream.indirect.gather [spmem:s3], $0x80, s21, s15, $0xb8;
	[tilespmem:$0x1F880] =	vst v63  }
0x7d: {  	_ =	swait.ge [sflag:s18], $0x800  }
0x7e: {  	[sflag:s18] =	ssyncset.done $0x0  }
0x7f: {  	[sflag:s18] =	ssyncadd.s32 $0xFFFFF800  }
0x80: {  	[spmem:s4] =	stream.indirect.scatter.add.f32 [tilespmem:s16], [sflag:$0x3], $0x80, s22, s15, $0xb8;
	[tilespmem:$0x1F880] =	vst v63  }
0x81: {  	_ =	swait.ge [sflag:s11], $0x800  }
0x82: {  	[sflag:s11] =	ssyncset.done $0x0  }
0x83: {  	[sflag:s11] =	ssyncadd.s32 $0xFFFFF800  }
0x84: {  	[tilespmem:s16], [sflag:$0x1] =	stream.indirect.gather [spmem:s3], $0x80, s23, s15, $0xb8;
	[tilespmem:$0x1F880] =	vst v63  }
0x85: {  	_ =	swait.ge [sflag:s19], $0x800  }
0x86: {  	[sflag:s19] =	ssyncset.done $0x0  }
0x87: {  	[sflag:s19] =	ssyncadd.s32 $0xFFFFF800  }
0x88: {  	[spmem:s4] =	stream.indirect.scatter.add.f32 [tilespmem:s17], [sflag:$0x3], $0x80, s24, s15, $0xb8;
	[tilespmem:$0x1F880] =	vst v63  }
0x89: {  	_ =	swait.ge [sflag:s11], $0x800  }
0x8a: {  	[sflag:s11] =	ssyncset.done $0x0  }
0x8b: {  	[sflag:s11] =	ssyncadd.s32 $0xFFFFF800  }
0x8c: {  	[tilespmem:s17], [sflag:$0x2] =	stream.indirect.gather [spmem:s3], $0x80, s25, s15, $0xb8;
	[tilespmem:$0x1F880] =	vst v63  }
0x8d: {  	_ =	swait.ge [sflag:s18], $0x800  }
0x8e: {  	[sflag:s18] =	ssyncset.done $0x0  }
0x8f: {  	[sflag:s18] =	ssyncadd.s32 $0xFFFFF800  }
0x90: {  	[spmem:s4] =	stream.indirect.scatter.add.f32 [tilespmem:s16], [sflag:$0x3], $0x80, s26, s15, $0xb8;
	[tilespmem:$0x1F880] =	vst v63  }
0x91: {  	_ =	swait.ge [sflag:s11], $0x800  }
0x92: {  	[sflag:s11] =	ssyncset.done $0x0  }
0x93: {  	[sflag:s11] =	ssyncadd.s32 $0xFFFFF800  }
0x94: {  	[tilespmem:s16], [sflag:$0x1] =	stream.indirect.gather [spmem:s3], $0x80, s28, s15, $0xb8;
	[tilespmem:$0x1F880] =	vst v63  }
0x95: {  	_ =	swait.ge [sflag:s19], $0x800  }
0x96: {  	[sflag:s19] =	ssyncset.done $0x0  }
0x97: {  	[sflag:s19] =	ssyncadd.s32 $0xFFFFF800  }
0x98: {  	[spmem:s4] =	stream.indirect.scatter.add.f32 [tilespmem:s17], [sflag:$0x3], $0x80, s29, s15, $0xb8;
	[tilespmem:$0x1F880] =	vst v63  }
0x99: {  	_ =	swait.ge [sflag:s11], $0x800  }
0x9a: {  	[sflag:s11] =	ssyncset.done $0x0  }
0x9b: {  	[sflag:s11] =	ssyncadd.s32 $0xFFFFF800  }
0x9c: {  	[tilespmem:s17], [sflag:$0x2] =	stream.indirect.gather [spmem:s3], $0x80, s30, s15, $0xb8;
	[tilespmem:$0x1F880] =	vst v63  }
0x9d: {  	_ =	swait.ge [sflag:s18], $0x800  }
0x9e: {  	[sflag:s18] =	ssyncset.done $0x0  }
0x9f: {  	[sflag:s18] =	ssyncadd.s32 $0xFFFFF800  }
0xa0: {  	[spmem:s4] =	stream.indirect.scatter.add.f32 [tilespmem:s16], [sflag:$0x3], $0x80, s31, s15, $0xb8;
	[tilespmem:$0x1F880] =	vst v63  }
0xa1: {  	_ =	swait.ge [sflag:s11], $0x800  }
0xa2: {  	[sflag:s11] =	ssyncset.done $0x0  }
0xa3: {  	[sflag:s11] =	ssyncadd.s32 $0xFFFFF800  }
0xa4: {  	[tilespmem:s16], [sflag:$0x1] =	stream.indirect.gather [spmem:s3], $0x80, s2, s15, $0xb8;
	[tilespmem:$0x1F880] =	vst v63  }
0xa5: {  	_ =	swait.ge [sflag:s19], $0x800  }
0xa6: {  	[sflag:s19] =	ssyncset.done $0x0  }
0xa7: {  	[sflag:s19] =	ssyncadd.s32 $0xFFFFF800  }
0xa8: {  	[spmem:s4] =	stream.indirect.scatter.add.f32 [tilespmem:s17], [sflag:$0x3], $0x80, s0, s15, $0xb8;
	[tilespmem:$0x1F880] =	vst v63  }
0xa9: {  	_ =	swait.ge [sflag:s11], $0x800  }
0xaa: {  	[sflag:s11] =	ssyncset.done $0x0  }
0xab: {  	[sflag:s11] =	ssyncadd.s32 $0xFFFFF800  }
0xac: {  	[tilespmem:s17], [sflag:$0x2] =	stream.indirect.gather [spmem:s3], $0x80, s1, s15, $0xb8;
	[tilespmem:$0x1F880] =	vst v63  }
0xad: {  	_ =	swait.ge [sflag:s18], $0x800  }
0xae: {  	[sflag:s18] =	ssyncset.done $0x0  }
0xaf: {  	[sflag:s18] =	ssyncadd.s32 $0xFFFFF800  }
0xb0: {  	[spmem:s4] =	stream.indirect.scatter.add.f32 [tilespmem:s16], [sflag:$0x3], $0x80, s7, s15, $0xb8;
	[tilespmem:$0x1F880] =	vst v63  }
0xb1: {  	_ =	swait.ge [sflag:s11], $0x800  }
0xb2: {  	[sflag:s11] =	ssyncset.done $0x0  }
0xb3: {  	[sflag:s11] =	ssyncadd.s32 $0xFFFFF800  }
0xb4: {  	_ =	swait.ge [sflag:s19], $0x800  }
0xb5: {  	[sflag:s19] =	ssyncset.done $0x0  }
0xb6: {  	[sflag:s19] =	ssyncadd.s32 $0xFFFFF800  }
0xb7: {  	[spmem:s4] =	stream.indirect.scatter.add.f32 [tilespmem:s17], [sflag:$0x3], $0x80, s8, s15, $0xb8;
	[tilespmem:$0x1F880] =	vst v63  }
0xb8: {  	s10 =	simm.s32 $0x200;
	_ =	swait.ge [sflag:s11], $0x800  }
0xb9: {  	s12 =	simm.s32 $0x100;
	s6 =	rddreg [dreg:$0x5];
	[sflag:s11] =	ssyncset.done $0x0  }
.LBB2_2:
0xba: {  	[sflag:s11] =	ssyncadd.s32 $0xFFFFF800;
	s6 =	sadd.s32 s12, s6  }
0xbb: {  	[tilespmem:s13], [sflag:$0x3] =	stream.linear.gather [hbm4b:s6+s5], $0x800, $0x38;
	[tilespmem:$0x1F880] =	vst v63  }
0xbc: {  	_ =	swait.ge [sflag:s11], $0x800  }
0xbd: {  	s6 =	rddreg [dreg:$0x6];
	[sflag:s11] =	ssyncset.done $0x0  }
0xbe: {  	[sflag:s11] =	ssyncadd.s32 $0xFFFFF800;
	s6 =	sadd.s32 s12, s6  }
0xbf: {  	[tilespmem:s14], [sflag:$0x3] =	stream.linear.gather [hbm4b:s6+s5], $0x800, $0x38;
	[tilespmem:$0x1F880] =	vst v63  }
0xc0: {  	_ =	swait.ge [sflag:s11], $0x800  }
0xc1: {  	[sflag:s11] =	ssyncset.done $0x0  }
0xc2: {  	s9 =	smov.u32 s10;
	[sflag:s11] =	ssyncadd.s32 $0xFFFFF800  }
0xc3: {  	[tilespmem:s16], [sflag:$0x1] =	stream.indirect.gather [spmem:s3], $0x80, s13, s15, $0xb8;
	[tilespmem:$0x1F880] =	vst v63  }
0xc4: {  	s12 =	smov.u32 s9;
	s9 =	rddreg [dreg:$0x7]  }
0xc5: {  	[tilespmem:s17], [sflag:$0x2] =	stream.indirect.gather [spmem:s3], $0x80, s9, s15, $0xb8;
	[tilespmem:$0x1F880] =	vst v63  }
0xc6: {  	_ =	swait.ge [sflag:s18], $0x800  }
0xc7: {  	[sflag:s18] =	ssyncset.done $0x0  }
0xc8: {  	[sflag:s18] =	ssyncadd.s32 $0xFFFFF800  }
0xc9: {  	[spmem:s4] =	stream.indirect.scatter.add.f32 [tilespmem:s16], [sflag:$0x3], $0x80, s14, s15, $0xb8;
	[tilespmem:$0x1F880] =	vst v63  }
0xca: {  	_ =	swait.ge [sflag:s11], $0x800  }
0xcb: {  	[sflag:s11] =	ssyncset.done $0x0  }
0xcc: {  	s9 =	rddreg [dreg:$0x8];
	[sflag:s11] =	ssyncadd.s32 $0xFFFFF800  }
0xcd: {  	[tilespmem:s16], [sflag:$0x1] =	stream.indirect.gather [spmem:s3], $0x80, s9, s15, $0xb8;
	[tilespmem:$0x1F880] =	vst v63  }
0xce: {  	_ =	swait.ge [sflag:s19], $0x800  }
0xcf: {  	[sflag:s19] =	ssyncset.done $0x0  }
0xd0: {  	s9 =	rddreg [dreg:$0x9];
	[sflag:s19] =	ssyncadd.s32 $0xFFFFF800  }
0xd1: {  	[spmem:s4] =	stream.indirect.scatter.add.f32 [tilespmem:s17], [sflag:$0x3], $0x80, s9, s15, $0xb8;
	[tilespmem:$0x1F880] =	vst v63  }
0xd2: {  	_ =	swait.ge [sflag:s11], $0x800  }
0xd3: {  	[sflag:s11] =	ssyncset.done $0x0  }
0xd4: {  	s9 =	rddreg [dreg:$0xa];
	[sflag:s11] =	ssyncadd.s32 $0xFFFFF800  }
0xd5: {  	[tilespmem:s17], [sflag:$0x2] =	stream.indirect.gather [spmem:s3], $0x80, s9, s15, $0xb8;
	[tilespmem:$0x1F880] =	vst v63  }
0xd6: {  	_ =	swait.ge [sflag:s18], $0x800  }
0xd7: {  	[sflag:s18] =	ssyncset.done $0x0  }
0xd8: {  	s9 =	rddreg [dreg:$0xb];
	[sflag:s18] =	ssyncadd.s32 $0xFFFFF800  }
0xd9: {  	[spmem:s4] =	stream.indirect.scatter.add.f32 [tilespmem:s16], [sflag:$0x3], $0x80, s9, s15, $0xb8;
	[tilespmem:$0x1F880] =	vst v63  }
0xda: {  	_ =	swait.ge [sflag:s11], $0x800  }
0xdb: {  	[sflag:s11] =	ssyncset.done $0x0  }
0xdc: {  	s9 =	rddreg [dreg:$0xc];
	[sflag:s11] =	ssyncadd.s32 $0xFFFFF800  }
0xdd: {  	[tilespmem:s16], [sflag:$0x1] =	stream.indirect.gather [spmem:s3], $0x80, s9, s15, $0xb8;
	[tilespmem:$0x1F880] =	vst v63  }
0xde: {  	_ =	swait.ge [sflag:s19], $0x800  }
0xdf: {  	[sflag:s19] =	ssyncset.done $0x0  }
0xe0: {  	s9 =	rddreg [dreg:$0xd];
	[sflag:s19] =	ssyncadd.s32 $0xFFFFF800  }
0xe1: {  	[spmem:s4] =	stream.indirect.scatter.add.f32 [tilespmem:s17], [sflag:$0x3], $0x80, s9, s15, $0xb8;
	[tilespmem:$0x1F880] =	vst v63  }
0xe2: {  	_ =	swait.ge [sflag:s11], $0x800  }
0xe3: {  	[sflag:s11] =	ssyncset.done $0x0  }
0xe4: {  	s9 =	rddreg [dreg:$0xe];
	[sflag:s11] =	ssyncadd.s32 $0xFFFFF800  }
0xe5: {  	[tilespmem:s17], [sflag:$0x2] =	stream.indirect.gather [spmem:s3], $0x80, s9, s15, $0xb8;
	[tilespmem:$0x1F880] =	vst v63  }
0xe6: {  	_ =	swait.ge [sflag:s18], $0x800  }
0xe7: {  	[sflag:s18] =	ssyncset.done $0x0  }
0xe8: {  	s9 =	rddreg [dreg:$0xf];
	[sflag:s18] =	ssyncadd.s32 $0xFFFFF800  }
0xe9: {  	[spmem:s4] =	stream.indirect.scatter.add.f32 [tilespmem:s16], [sflag:$0x3], $0x80, s9, s15, $0xb8;
	[tilespmem:$0x1F880] =	vst v63  }
0xea: {  	_ =	swait.ge [sflag:s11], $0x800  }
0xeb: {  	[sflag:s11] =	ssyncset.done $0x0  }
0xec: {  	s9 =	rddreg [dreg:$0x10];
	[sflag:s11] =	ssyncadd.s32 $0xFFFFF800  }
0xed: {  	[tilespmem:s16], [sflag:$0x1] =	stream.indirect.gather [spmem:s3], $0x80, s9, s15, $0xb8;
	[tilespmem:$0x1F880] =	vst v63  }
0xee: {  	_ =	swait.ge [sflag:s19], $0x800  }
0xef: {  	[sflag:s19] =	ssyncset.done $0x0  }
0xf0: {  	s9 =	rddreg [dreg:$0x11];
	[sflag:s19] =	ssyncadd.s32 $0xFFFFF800  }
0xf1: {  	[spmem:s4] =	stream.indirect.scatter.add.f32 [tilespmem:s17], [sflag:$0x3], $0x80, s9, s15, $0xb8;
	[tilespmem:$0x1F880] =	vst v63  }
0xf2: {  	_ =	swait.ge [sflag:s11], $0x800  }
0xf3: {  	[sflag:s11] =	ssyncset.done $0x0  }
0xf4: {  	s9 =	rddreg [dreg:$0x12];
	[sflag:s11] =	ssyncadd.s32 $0xFFFFF800  }
0xf5: {  	[tilespmem:s17], [sflag:$0x2] =	stream.indirect.gather [spmem:s3], $0x80, s9, s15, $0xb8;
	[tilespmem:$0x1F880] =	vst v63  }
0xf6: {  	_ =	swait.ge [sflag:s18], $0x800  }
0xf7: {  	[sflag:s18] =	ssyncset.done $0x0  }
0xf8: {  	s9 =	rddreg [dreg:$0x13];
	[sflag:s18] =	ssyncadd.s32 $0xFFFFF800  }
0xf9: {  	[spmem:s4] =	stream.indirect.scatter.add.f32 [tilespmem:s16], [sflag:$0x3], $0x80, s9, s15, $0xb8;
	[tilespmem:$0x1F880] =	vst v63  }
0xfa: {  	_ =	swait.ge [sflag:s11], $0x800  }
0xfb: {  	[sflag:s11] =	ssyncset.done $0x0  }
0xfc: {  	s9 =	rddreg [dreg:$0x14];
	[sflag:s11] =	ssyncadd.s32 $0xFFFFF800  }
0xfd: {  	[tilespmem:s16], [sflag:$0x1] =	stream.indirect.gather [spmem:s3], $0x80, s9, s15, $0xb8;
	[tilespmem:$0x1F880] =	vst v63  }
0xfe: {  	_ =	swait.ge [sflag:s19], $0x800  }
0xff: {  	[sflag:s19] =	ssyncset.done $0x0  }
0x100: {  	[sflag:s19] =	ssyncadd.s32 $0xFFFFF800  }
0x101: {  	[spmem:s4] =	stream.indirect.scatter.add.f32 [tilespmem:s17], [sflag:$0x3], $0x80, s20, s15, $0xb8;
	[tilespmem:$0x1F880] =	vst v63  }
0x102: {  	_ =	swait.ge [sflag:s11], $0x800  }
0x103: {  	[sflag:s11] =	ssyncset.done $0x0  }
0x104: {  	[sflag:s11] =	ssyncadd.s32 $0xFFFFF800  }
0x105: {  	[tilespmem:s17], [sflag:$0x2] =	stream.indirect.gather [spmem:s3], $0x80, s21, s15, $0xb8;
	[tilespmem:$0x1F880] =	vst v63  }
0x106: {  	_ =	swait.ge [sflag:s18], $0x800  }
0x107: {  	[sflag:s18] =	ssyncset.done $0x0  }
0x108: {  	[sflag:s18] =	ssyncadd.s32 $0xFFFFF800  }
0x109: {  	[spmem:s4] =	stream.indirect.scatter.add.f32 [tilespmem:s16], [sflag:$0x3], $0x80, s22, s15, $0xb8;
	[tilespmem:$0x1F880] =	vst v63  }
0x10a: {  	_ =	swait.ge [sflag:s11], $0x800  }
0x10b: {  	[sflag:s11] =	ssyncset.done $0x0  }
0x10c: {  	[sflag:s11] =	ssyncadd.s32 $0xFFFFF800  }
0x10d: {  	[tilespmem:s16], [sflag:$0x1] =	stream.indirect.gather [spmem:s3], $0x80, s23, s15, $0xb8;
	[tilespmem:$0x1F880] =	vst v63  }
0x10e: {  	_ =	swait.ge [sflag:s19], $0x800  }
0x10f: {  	[sflag:s19] =	ssyncset.done $0x0  }
0x110: {  	[sflag:s19] =	ssyncadd.s32 $0xFFFFF800  }
0x111: {  	[spmem:s4] =	stream.indirect.scatter.add.f32 [tilespmem:s17], [sflag:$0x3], $0x80, s24, s15, $0xb8;
	[tilespmem:$0x1F880] =	vst v63  }
0x112: {  	_ =	swait.ge [sflag:s11], $0x800  }
0x113: {  	[sflag:s11] =	ssyncset.done $0x0  }
0x114: {  	[sflag:s11] =	ssyncadd.s32 $0xFFFFF800  }
0x115: {  	[tilespmem:s17], [sflag:$0x2] =	stream.indirect.gather [spmem:s3], $0x80, s25, s15, $0xb8;
	[tilespmem:$0x1F880] =	vst v63  }
0x116: {  	_ =	swait.ge [sflag:s18], $0x800  }
0x117: {  	[sflag:s18] =	ssyncset.done $0x0  }
0x118: {  	[sflag:s18] =	ssyncadd.s32 $0xFFFFF800  }
0x119: {  	[spmem:s4] =	stream.indirect.scatter.add.f32 [tilespmem:s16], [sflag:$0x3], $0x80, s26, s15, $0xb8;
	[tilespmem:$0x1F880] =	vst v63  }
0x11a: {  	_ =	swait.ge [sflag:s11], $0x800  }
0x11b: {  	[sflag:s11] =	ssyncset.done $0x0  }
0x11c: {  	[sflag:s11] =	ssyncadd.s32 $0xFFFFF800  }
0x11d: {  	[tilespmem:s16], [sflag:$0x1] =	stream.indirect.gather [spmem:s3], $0x80, s28, s15, $0xb8;
	[tilespmem:$0x1F880] =	vst v63  }
0x11e: {  	_ =	swait.ge [sflag:s19], $0x800  }
0x11f: {  	[sflag:s19] =	ssyncset.done $0x0  }
0x120: {  	[sflag:s19] =	ssyncadd.s32 $0xFFFFF800  }
0x121: {  	[spmem:s4] =	stream.indirect.scatter.add.f32 [tilespmem:s17], [sflag:$0x3], $0x80, s29, s15, $0xb8;
	[tilespmem:$0x1F880] =	vst v63  }
0x122: {  	_ =	swait.ge [sflag:s11], $0x800  }
0x123: {  	[sflag:s11] =	ssyncset.done $0x0  }
0x124: {  	[sflag:s11] =	ssyncadd.s32 $0xFFFFF800  }
0x125: {  	[tilespmem:s17], [sflag:$0x2] =	stream.indirect.gather [spmem:s3], $0x80, s30, s15, $0xb8;
	[tilespmem:$0x1F880] =	vst v63  }
0x126: {  	_ =	swait.ge [sflag:s18], $0x800  }
0x127: {  	[sflag:s18] =	ssyncset.done $0x0  }
0x128: {  	[sflag:s18] =	ssyncadd.s32 $0xFFFFF800  }
0x129: {  	[spmem:s4] =	stream.indirect.scatter.add.f32 [tilespmem:s16], [sflag:$0x3], $0x80, s31, s15, $0xb8;
	[tilespmem:$0x1F880] =	vst v63  }
0x12a: {  	_ =	swait.ge [sflag:s11], $0x800  }
0x12b: {  	[sflag:s11] =	ssyncset.done $0x0  }
0x12c: {  	[sflag:s11] =	ssyncadd.s32 $0xFFFFF800  }
0x12d: {  	[tilespmem:s16], [sflag:$0x1] =	stream.indirect.gather [spmem:s3], $0x80, s2, s15, $0xb8;
	[tilespmem:$0x1F880] =	vst v63  }
0x12e: {  	_ =	swait.ge [sflag:s19], $0x800  }
0x12f: {  	[sflag:s19] =	ssyncset.done $0x0  }
0x130: {  	[sflag:s19] =	ssyncadd.s32 $0xFFFFF800  }
0x131: {  	[spmem:s4] =	stream.indirect.scatter.add.f32 [tilespmem:s17], [sflag:$0x3], $0x80, s0, s15, $0xb8;
	[tilespmem:$0x1F880] =	vst v63  }
0x132: {  	_ =	swait.ge [sflag:s11], $0x800  }
0x133: {  	[sflag:s11] =	ssyncset.done $0x0  }
0x134: {  	[sflag:s11] =	ssyncadd.s32 $0xFFFFF800  }
0x135: {  	[tilespmem:s17], [sflag:$0x2] =	stream.indirect.gather [spmem:s3], $0x80, s1, s15, $0xb8;
	[tilespmem:$0x1F880] =	vst v63  }
0x136: {  	_ =	swait.ge [sflag:s18], $0x800  }
0x137: {  	[sflag:s18] =	ssyncset.done $0x0  }
0x138: {  	[sflag:s18] =	ssyncadd.s32 $0xFFFFF800  }
0x139: {  	[spmem:s4] =	stream.indirect.scatter.add.f32 [tilespmem:s16], [sflag:$0x3], $0x80, s7, s15, $0xb8;
	[tilespmem:$0x1F880] =	vst v63  }
0x13a: {  	_ =	swait.ge [sflag:s11], $0x800  }
0x13b: {  	[sflag:s11] =	ssyncset.done $0x0  }
0x13c: {  	[sflag:s11] =	ssyncadd.s32 $0xFFFFF800  }
0x13d: {  	p1 =	sne.s32 s10, $0x4F00;
	_ =	swait.ge [sflag:s19], $0x800  }
.Ltmp0:
0x13e: {  	[sflag:s19] =	ssyncset.done $0x0;
	(pc) =	sbr.rel @p1 .LBB2_2-.Ltmp0, $4  }
0x13f: {  	[sflag:s19] =	ssyncadd.s32 $0xFFFFF800  }
0x140: {  	[spmem:s4] =	stream.indirect.scatter.add.f32 [tilespmem:s17], [sflag:$0x3], $0x80, s8, s15, $0xb8;
	[tilespmem:$0x1F880] =	vst v63  }
0x141: {  	_ =	swait.ge [sflag:s11], $0x800  }
0x142: {  	s10 =	sadd.s32 $0x100, s10;
	s6 =	rddreg [dreg:$0x5];
	[sflag:s11] =	ssyncset.done $0x0  }
0x143: {  	[sflag:s11] =	ssyncadd.s32 $0xFFFFF800;
	s6 =	sadd.s32 s12, s6  }
0x144: {  	[tilespmem:s13], [sflag:$0x3] =	stream.linear.gather [hbm4b:s6+s5], $0x800, $0x38;
	[tilespmem:$0x1F880] =	vst v63  }
0x145: {  	_ =	swait.ge [sflag:s11], $0x800  }
0x146: {  	s10 =	rddreg [dreg:$0x6];
	[sflag:s11] =	ssyncset.done $0x0  }
0x147: {  	s6 =	sadd.s32 s12, s10;
	[sflag:s11] =	ssyncadd.s32 $0xFFFFF800  }
0x148: {  	[tilespmem:s14], [sflag:$0x3] =	stream.linear.gather [hbm4b:s6+s5], $0x800, $0x38;
	[tilespmem:$0x1F880] =	vst v63  }
0x149: {  	_ =	swait.ge [sflag:s11], $0x800  }
0x14a: {  	[sflag:s11] =	ssyncset.done $0x0  }
0x14b: {  	[sflag:s11] =	ssyncadd.s32 $0xFFFFF800  }
0x14c: {  	[tilespmem:s16], [sflag:$0x1] =	stream.indirect.gather [spmem:s3], $0x80, s13, s15, $0xb8;
	[tilespmem:$0x1F880] =	vst v63  }
0x14d: {  	s12 =	rddreg [dreg:$0x7]  }
0x14e: {  	[tilespmem:s17], [sflag:$0x2] =	stream.indirect.gather [spmem:s3], $0x80, s12, s15, $0xb8;
	[tilespmem:$0x1F880] =	vst v63  }
0x14f: {  	_ =	swait.ge [sflag:s18], $0x800  }
0x150: {  	[sflag:s18] =	ssyncset.done $0x0  }
0x151: {  	[sflag:s18] =	ssyncadd.s32 $0xFFFFF800  }
0x152: {  	[spmem:s4] =	stream.indirect.scatter.add.f32 [tilespmem:s16], [sflag:$0x3], $0x80, s14, s15, $0xb8;
	[tilespmem:$0x1F880] =	vst v63  }
0x153: {  	_ =	swait.ge [sflag:s11], $0x800  }
0x154: {  	[sflag:s11] =	ssyncset.done $0x0  }
0x155: {  	s9 =	rddreg [dreg:$0x8];
	[sflag:s11] =	ssyncadd.s32 $0xFFFFF800  }
0x156: {  	[tilespmem:s16], [sflag:$0x1] =	stream.indirect.gather [spmem:s3], $0x80, s9, s15, $0xb8;
	[tilespmem:$0x1F880] =	vst v63  }
0x157: {  	_ =	swait.ge [sflag:s19], $0x800  }
0x158: {  	[sflag:s19] =	ssyncset.done $0x0  }
0x159: {  	s10 =	rddreg [dreg:$0x9];
	[sflag:s19] =	ssyncadd.s32 $0xFFFFF800  }
0x15a: {  	[spmem:s4] =	stream.indirect.scatter.add.f32 [tilespmem:s17], [sflag:$0x3], $0x80, s10, s15, $0xb8;
	[tilespmem:$0x1F880] =	vst v63  }
0x15b: {  	_ =	swait.ge [sflag:s11], $0x800  }
0x15c: {  	[sflag:s11] =	ssyncset.done $0x0  }
0x15d: {  	s12 =	rddreg [dreg:$0xa];
	[sflag:s11] =	ssyncadd.s32 $0xFFFFF800  }
0x15e: {  	[tilespmem:s17], [sflag:$0x2] =	stream.indirect.gather [spmem:s3], $0x80, s12, s15, $0xb8;
	[tilespmem:$0x1F880] =	vst v63  }
0x15f: {  	_ =	swait.ge [sflag:s18], $0x800  }
0x160: {  	[sflag:s18] =	ssyncset.done $0x0  }
0x161: {  	s9 =	rddreg [dreg:$0xb];
	[sflag:s18] =	ssyncadd.s32 $0xFFFFF800  }
0x162: {  	[spmem:s4] =	stream.indirect.scatter.add.f32 [tilespmem:s16], [sflag:$0x3], $0x80, s9, s15, $0xb8;
	[tilespmem:$0x1F880] =	vst v63  }
0x163: {  	_ =	swait.ge [sflag:s11], $0x800  }
0x164: {  	[sflag:s11] =	ssyncset.done $0x0  }
0x165: {  	s10 =	rddreg [dreg:$0xc];
	[sflag:s11] =	ssyncadd.s32 $0xFFFFF800  }
0x166: {  	[tilespmem:s16], [sflag:$0x1] =	stream.indirect.gather [spmem:s3], $0x80, s10, s15, $0xb8;
	[tilespmem:$0x1F880] =	vst v63  }
0x167: {  	_ =	swait.ge [sflag:s19], $0x800  }
0x168: {  	[sflag:s19] =	ssyncset.done $0x0  }
0x169: {  	s12 =	rddreg [dreg:$0xd];
	[sflag:s19] =	ssyncadd.s32 $0xFFFFF800  }
0x16a: {  	[spmem:s4] =	stream.indirect.scatter.add.f32 [tilespmem:s17], [sflag:$0x3], $0x80, s12, s15, $0xb8;
	[tilespmem:$0x1F880] =	vst v63  }
0x16b: {  	_ =	swait.ge [sflag:s11], $0x800  }
0x16c: {  	[sflag:s11] =	ssyncset.done $0x0  }
0x16d: {  	s9 =	rddreg [dreg:$0xe];
	[sflag:s11] =	ssyncadd.s32 $0xFFFFF800  }
0x16e: {  	[tilespmem:s17], [sflag:$0x2] =	stream.indirect.gather [spmem:s3], $0x80, s9, s15, $0xb8;
	[tilespmem:$0x1F880] =	vst v63  }
0x16f: {  	_ =	swait.ge [sflag:s18], $0x800  }
0x170: {  	[sflag:s18] =	ssyncset.done $0x0  }
0x171: {  	s10 =	rddreg [dreg:$0xf];
	[sflag:s18] =	ssyncadd.s32 $0xFFFFF800  }
0x172: {  	[spmem:s4] =	stream.indirect.scatter.add.f32 [tilespmem:s16], [sflag:$0x3], $0x80, s10, s15, $0xb8;
	[tilespmem:$0x1F880] =	vst v63  }
0x173: {  	_ =	swait.ge [sflag:s11], $0x800  }
0x174: {  	[sflag:s11] =	ssyncset.done $0x0  }
0x175: {  	s12 =	rddreg [dreg:$0x10];
	[sflag:s11] =	ssyncadd.s32 $0xFFFFF800  }
0x176: {  	[tilespmem:s16], [sflag:$0x1] =	stream.indirect.gather [spmem:s3], $0x80, s12, s15, $0xb8;
	[tilespmem:$0x1F880] =	vst v63  }
0x177: {  	_ =	swait.ge [sflag:s19], $0x800  }
0x178: {  	[sflag:s19] =	ssyncset.done $0x0  }
0x179: {  	s9 =	rddreg [dreg:$0x11];
	[sflag:s19] =	ssyncadd.s32 $0xFFFFF800  }
0x17a: {  	[spmem:s4] =	stream.indirect.scatter.add.f32 [tilespmem:s17], [sflag:$0x3], $0x80, s9, s15, $0xb8;
	[tilespmem:$0x1F880] =	vst v63  }
0x17b: {  	_ =	swait.ge [sflag:s11], $0x800  }
0x17c: {  	[sflag:s11] =	ssyncset.done $0x0  }
0x17d: {  	s10 =	rddreg [dreg:$0x12];
	[sflag:s11] =	ssyncadd.s32 $0xFFFFF800  }
0x17e: {  	[tilespmem:s17], [sflag:$0x2] =	stream.indirect.gather [spmem:s3], $0x80, s10, s15, $0xb8;
	[tilespmem:$0x1F880] =	vst v63  }
0x17f: {  	_ =	swait.ge [sflag:s18], $0x800  }
0x180: {  	[sflag:s18] =	ssyncset.done $0x0  }
0x181: {  	s12 =	rddreg [dreg:$0x13];
	[sflag:s18] =	ssyncadd.s32 $0xFFFFF800  }
0x182: {  	[spmem:s4] =	stream.indirect.scatter.add.f32 [tilespmem:s16], [sflag:$0x3], $0x80, s12, s15, $0xb8;
	[tilespmem:$0x1F880] =	vst v63  }
0x183: {  	_ =	swait.ge [sflag:s11], $0x800  }
0x184: {  	[sflag:s11] =	ssyncset.done $0x0  }
0x185: {  	s9 =	rddreg [dreg:$0x14];
	[sflag:s11] =	ssyncadd.s32 $0xFFFFF800  }
0x186: {  	[tilespmem:s16], [sflag:$0x1] =	stream.indirect.gather [spmem:s3], $0x80, s9, s15, $0xb8;
	[tilespmem:$0x1F880] =	vst v63  }
0x187: {  	_ =	swait.ge [sflag:s19], $0x800  }
0x188: {  	[sflag:s19] =	ssyncset.done $0x0  }
0x189: {  	[sflag:s19] =	ssyncadd.s32 $0xFFFFF800  }
0x18a: {  	[spmem:s4] =	stream.indirect.scatter.add.f32 [tilespmem:s17], [sflag:$0x3], $0x80, s20, s15, $0xb8;
	[tilespmem:$0x1F880] =	vst v63  }
0x18b: {  	_ =	swait.ge [sflag:s11], $0x800  }
0x18c: {  	[sflag:s11] =	ssyncset.done $0x0  }
0x18d: {  	[sflag:s11] =	ssyncadd.s32 $0xFFFFF800  }
0x18e: {  	[tilespmem:s17], [sflag:$0x2] =	stream.indirect.gather [spmem:s3], $0x80, s21, s15, $0xb8;
	[tilespmem:$0x1F880] =	vst v63  }
0x18f: {  	_ =	swait.ge [sflag:s18], $0x800  }
0x190: {  	[sflag:s18] =	ssyncset.done $0x0  }
0x191: {  	[sflag:s18] =	ssyncadd.s32 $0xFFFFF800  }
0x192: {  	[spmem:s4] =	stream.indirect.scatter.add.f32 [tilespmem:s16], [sflag:$0x3], $0x80, s22, s15, $0xb8;
	[tilespmem:$0x1F880] =	vst v63  }
0x193: {  	_ =	swait.ge [sflag:s11], $0x800  }
0x194: {  	[sflag:s11] =	ssyncset.done $0x0  }
0x195: {  	[sflag:s11] =	ssyncadd.s32 $0xFFFFF800  }
0x196: {  	[tilespmem:s16], [sflag:$0x1] =	stream.indirect.gather [spmem:s3], $0x80, s23, s15, $0xb8;
	[tilespmem:$0x1F880] =	vst v63  }
0x197: {  	_ =	swait.ge [sflag:s19], $0x800  }
0x198: {  	[sflag:s19] =	ssyncset.done $0x0  }
0x199: {  	[sflag:s19] =	ssyncadd.s32 $0xFFFFF800  }
0x19a: {  	[spmem:s4] =	stream.indirect.scatter.add.f32 [tilespmem:s17], [sflag:$0x3], $0x80, s24, s15, $0xb8;
	[tilespmem:$0x1F880] =	vst v63  }
0x19b: {  	_ =	swait.ge [sflag:s11], $0x800  }
0x19c: {  	[sflag:s11] =	ssyncset.done $0x0  }
0x19d: {  	[sflag:s11] =	ssyncadd.s32 $0xFFFFF800  }
0x19e: {  	[tilespmem:s17], [sflag:$0x2] =	stream.indirect.gather [spmem:s3], $0x80, s25, s15, $0xb8;
	[tilespmem:$0x1F880] =	vst v63  }
0x19f: {  	_ =	swait.ge [sflag:s18], $0x800  }
0x1a0: {  	[sflag:s18] =	ssyncset.done $0x0  }
0x1a1: {  	[sflag:s18] =	ssyncadd.s32 $0xFFFFF800  }
0x1a2: {  	[spmem:s4] =	stream.indirect.scatter.add.f32 [tilespmem:s16], [sflag:$0x3], $0x80, s26, s15, $0xb8;
	[tilespmem:$0x1F880] =	vst v63  }
0x1a3: {  	_ =	swait.ge [sflag:s11], $0x800  }
0x1a4: {  	[sflag:s11] =	ssyncset.done $0x0  }
0x1a5: {  	[sflag:s11] =	ssyncadd.s32 $0xFFFFF800  }
0x1a6: {  	[tilespmem:s16], [sflag:$0x1] =	stream.indirect.gather [spmem:s3], $0x80, s28, s15, $0xb8;
	[tilespmem:$0x1F880] =	vst v63  }
0x1a7: {  	_ =	swait.ge [sflag:s19], $0x800  }
0x1a8: {  	[sflag:s19] =	ssyncset.done $0x0  }
0x1a9: {  	[sflag:s19] =	ssyncadd.s32 $0xFFFFF800  }
0x1aa: {  	[spmem:s4] =	stream.indirect.scatter.add.f32 [tilespmem:s17], [sflag:$0x3], $0x80, s29, s15, $0xb8;
	[tilespmem:$0x1F880] =	vst v63  }
0x1ab: {  	_ =	swait.ge [sflag:s11], $0x800  }
0x1ac: {  	[sflag:s11] =	ssyncset.done $0x0  }
0x1ad: {  	[sflag:s11] =	ssyncadd.s32 $0xFFFFF800  }
0x1ae: {  	[tilespmem:s17], [sflag:$0x2] =	stream.indirect.gather [spmem:s3], $0x80, s30, s15, $0xb8;
	[tilespmem:$0x1F880] =	vst v63  }
0x1af: {  	_ =	swait.ge [sflag:s18], $0x800  }
0x1b0: {  	[sflag:s18] =	ssyncset.done $0x0  }
0x1b1: {  	[sflag:s18] =	ssyncadd.s32 $0xFFFFF800  }
0x1b2: {  	[spmem:s4] =	stream.indirect.scatter.add.f32 [tilespmem:s16], [sflag:$0x3], $0x80, s31, s15, $0xb8;
	[tilespmem:$0x1F880] =	vst v63  }
0x1b3: {  	_ =	swait.ge [sflag:s11], $0x800  }
0x1b4: {  	[sflag:s11] =	ssyncset.done $0x0  }
0x1b5: {  	[sflag:s11] =	ssyncadd.s32 $0xFFFFF800  }
0x1b6: {  	[tilespmem:s16], [sflag:$0x1] =	stream.indirect.gather [spmem:s3], $0x80, s2, s15, $0xb8;
	[tilespmem:$0x1F880] =	vst v63  }
0x1b7: {  	_ =	swait.ge [sflag:s19], $0x800  }
0x1b8: {  	[sflag:s19] =	ssyncset.done $0x0  }
0x1b9: {  	[sflag:s19] =	ssyncadd.s32 $0xFFFFF800  }
0x1ba: {  	[spmem:s4] =	stream.indirect.scatter.add.f32 [tilespmem:s17], [sflag:$0x3], $0x80, s0, s15, $0xb8;
	[tilespmem:$0x1F880] =	vst v63  }
0x1bb: {  	_ =	swait.ge [sflag:s11], $0x800  }
0x1bc: {  	[sflag:s11] =	ssyncset.done $0x0  }
0x1bd: {  	[sflag:s11] =	ssyncadd.s32 $0xFFFFF800  }
0x1be: {  	[tilespmem:s17], [sflag:$0x2] =	stream.indirect.gather [spmem:s3], $0x80, s1, s15, $0xb8;
	[tilespmem:$0x1F880] =	vst v63  }
0x1bf: {  	_ =	swait.ge [sflag:s18], $0x800  }
0x1c0: {  	[sflag:s18] =	ssyncset.done $0x0  }
0x1c1: {  	[sflag:s18] =	ssyncadd.s32 $0xFFFFF800  }
0x1c2: {  	[spmem:s4] =	stream.indirect.scatter.add.f32 [tilespmem:s16], [sflag:$0x3], $0x80, s7, s15, $0xb8;
	[tilespmem:$0x1F880] =	vst v63  }
0x1c3: {  	_ =	swait.ge [sflag:s11], $0x800  }
0x1c4: {  	[sflag:s11] =	ssyncset.done $0x0  }
0x1c5: {  	[sflag:s11] =	ssyncadd.s32 $0xFFFFF800  }
0x1c6: {  	_ =	swait.ge [sflag:s19], $0x800  }
0x1c7: {  	[sflag:s19] =	ssyncset.done $0x0  }
0x1c8: {  	[sflag:s19] =	ssyncadd.s32 $0xFFFFF800  }
0x1c9: {  	[spmem:s4] =	stream.indirect.scatter.add.f32 [tilespmem:s17], [sflag:$0x3], $0x80, s8, s15, $0xb8;
	[tilespmem:$0x1F880] =	vst v63  }
0x1ca: {  	_ =	swait.ge [sflag:s11], $0x800  }
0x1cb: {  	[sflag:s11] =	ssyncset.done $0x0  }
0x1cc: {  	[sflag:s11] =	ssyncadd.s32 $0xFFFFF800  }
0x1cd: {  	[bflag:$0x0] =	sbarrier.arrive $0xFFFF  }
0x1ce: {  	s12 =	rddreg [dreg:$0x15]  }
0x1cf: {  	s10 =	rddreg [dreg:$0x17]  }
0x1d0: {  	s9 =	rddreg [dreg:$0x19]  }
0x1d1: {  	[hbm:s10], [sflag:s12] =	dma.local [spmem:s9], $0x1400  }
0x1d2: {  	_ =	swait.ge [sflag:s11], $0x1400  }
0x1d3: {  	s10 =	rddreg [dreg:$0x1b]  }
0x1d4: {  	s6 =	rddreg [dreg:$0x18];
	s10 =	sadd.s32 $0x1, s10  }
0x1d5: {  	p1 =	sne.s32 s10, s6  }
.Ltmp1:
0x1d6: {  	_ = 	snop;
	(pc) =	sbr.rel @p1 .LBB2_1-.Ltmp1, $3  }
0x1d7: {  	_ =	sdelay $0x1  }
0x1d8: {  	[sflag:s11] =	ssyncset.done $0x0  }
0x1d9: {  	[sflag:s11] =	ssyncadd.s32 $0xFFFFEC00  }
0x1da: {  	_ =	sfence.sel $0x180000  }
0x1db: {  	[bflag:$0x0] =	sbarrier.arrive $0xFFFF  }
0x1dc: {  	_ =	strace $0x9000004D  }
0x1dd: {  	s0 =	stileid.u32;
	[bflag:$0x2] =	sbarrier.arrive $0xFFFF  }
0x1de: {  	p0 =	sne.s32 s0, $0x0;
	s0 =	rddreg [dreg:$0x4]  }
0x1df: {  	s0 =	sadd.s32 @!p0 $0x100000, s0  }
0x1e0: {  	[sflag:s0] =	ssyncadd.tile.s32 @!p0 $0x1;
	_ =	shalt  }
.Lfunc_end2:
_tile_overlayer_lowered:
.L_overlay_start_2:
0x1e1: {  	(tag) =	ssettag $0x2  }
0x1e2: {  	s0 =	rddreg [dreg:$0x0];
	s2 =	stileid.u32  }
0x1e3: {  	s1 =	rddreg [dreg:$0x1];
	p0 =	sne.s32 s2, $0x0  }
0x1e4: {  	s3 =	rddreg [dreg:$0x2];
	[bflag:$0x3] =	sbarrier.arrive $0xFFFF;
	s2 =	simm.s32 @!p0 $0x1C03  }
0x1e5: {  	[timem:s3], [sflag:s2] =	dma.local @!p0 [hbm:s0], s1  }
0x1e6: {  	s0 =	simm.s32 @!p0 $0x3  }
0x1e7: {  	_ =	swait.ge @!p0 [sflag:s0], s1  }
0x1e8: {  	s1 =	ssub.s32 @!p0 $0x0, s1;
	[sflag:s0] =	ssyncset.done @!p0 $0x0  }
0x1e9: {  	[sflag:s0] =	ssyncadd.s32 @!p0 s1  }
0x1ea: {  	[bflag:$0x3] =	sbarrier.arrive $0xFFFF  }
0x1eb: {  	_ =	shalt  }

// kernel: kernel.8.cloned.1.call-start
scs
__scs_entry_jumppad:
0x0: {  	(pc) =	sbr.rel $0x88, $3  }
0x1: {  	(tag) =	ssettag $0x0;
	lr =	simm.s32 $0x1  }
0x2: {  	[smem:$0x3F99] =	sst lr;
	_ =	strace $0xD0000000  }
0x3: {  	_ = 	snop  }
0x4: {  	_ = 	snop  }
0x5: {  	_ = 	snop  }
0x6: {  	_ = 	snop  }
0x7: {  	_ = 	snop  }
__scs_overlays_trampoline_lowered:
0x8: {  	[smem:$0x3FA8] =	sst s0  }
0x9: {  	[smem:$0x3FA9] =	sst s1  }
0xa: {  	[smem:$0x3FAA] =	sst s2  }
0xb: {  	[smem:$0x3FAB] =	sst s3  }
0xc: {  	[smem:$0x3FAC] =	sst s4  }
0xd: {  	[smem:$0x3FAD] =	sst s5  }
0xe: {  	[smem:$0x3FAE] =	sst s6  }
0xf: {  	[smem:$0x3FAF] =	sst s7  }
0x10: {  	[smem:$0x3FB0] =	sst s8  }
0x11: {  	[smem:$0x3FB1] =	sst s9;
	s0 =	simm.s32 @!p0 $0x0  }
0x12: {  	s1 =	sld [smem:$0x3F97];
	s0 =	simm.s32 @p0 $0x1  }
0x13: {  	[smem:$0x3FB2] =	sst s0;
	s0 =	simm.s32 @!p1 $0x0  }
0x14: {  	s2 =	sld [smem:$0x3F96];
	s0 =	simm.s32 @p1 $0x1  }
0x15: {  	[smem:$0x3FB3] =	sst s0;
	s0 =	simm.s32 @!p2 $0x0  }
0x16: {  	s3 =	sld [smem:$0x3FDB];
	s0 =	simm.s32 @p2 $0x1  }
0x17: {  	s4 =	simm.s32 $0x1BF5;
	[smem:$0x3FB5] =	sst s0  }
0x18: {  	s0 =	sld [smem:$0x3F98];
	_ =	swait.ge [sflag:s4], $0x0  }
0x19: {  	s7 =	sld [smem:$0x3F99]  }
0x1a: {  	s8 =	sadd.s32 $0xFFFFE003, lr  }
0x1b: {  	s9 =	sadd.s32 $0xFFFFFEF7, lr;
	s5 =	simm.s32 $0xFFFFFFFF;
	p2 =	slt.u32 s8, $0xFFFFF086  }
0x1c: {  	p1 =	slt.u32 s9, $0xF7A;
	s5 =	simm.s32 @!p2 $0x0  }
0x1d: {  	s5 =	simm.s32 @p1 $0x1;
	p0 =	seq.s32 s7, s2  }
0x1e: {  	s7 =	smul.u32 @!p0 $0xF7A, s2;
	p2 =	seq.s32 @!p0 s5, $0x0  }
0x1f: {  	s9 =	smul.u32 $0xF7A, s1;
	s8 =	simm.s32 @!p0 $0x1BF5;
	p2 =	por !p2, p0  }
0x20: {  	[sflag:s8] =	ssyncset.s32 @!p0 $0xFFFFF086;
	s6 =	sadd.s32 @!p0 s3, s7;
	s7 =	simm.s32 @!p0 $0x108  }
0x21: {  	s3 =	sadd.s32 s3, s9;
	s6 =	sadd.s32 @!p0 $0x88, s6;
	s7 =	simm.s32 @p2 $0x1082  }
0x22: {  	[simem:s7], [sflag:s8] =	dma.local @!p0 [hbm:s6], $0xF7A  }
0x23: {  	s9 =	sor.u32 $0xD0000000, s2;
	s6 =	simm.s32 $0x108;
	_ =	swait.ge @!p0 [sflag:s8], $0x0  }
0x24: {  	s3 =	sadd.s32 $0x88, s3;
	s6 =	simm.s32 @!p1 $0x1082;
	[sflag:s4] =	ssyncset.s32 $0xFFFFF086  }
0x25: {  	[simem:s6], [sflag:s4] =	dma.local [hbm:s3], $0xF7A  }
0x26: {  	[smem:$0x3F99] =	sst s1;
	(tag) =	ssettag s2;
	_ =	strace s9  }
0x27: {  	s1 =	sld [smem:$0x3FA9]  }
0x28: {  	s2 =	sld [smem:$0x3FAA]  }
0x29: {  	s4 =	sld [smem:$0x3FAC]  }
0x2a: {  	p0 =	seq.s32 s5, $0x0;
	s5 =	sld [smem:$0x3FAD]  }
0x2b: {  	s6 =	sld [smem:$0x3FAE]  }
0x2c: {  	s7 =	sld [smem:$0x3FAF]  }
0x2d: {  	s3 =	simm.s32 $0x108;
	s8 =	sld [smem:$0x3FB0]  }
0x2e: {  	s3 =	simm.s32 @!p0 $0x1082;
	s9 =	sld [smem:$0x3FB1]  }
0x2f: {  	lr =	sadd.s32 s0, s3;
	s0 =	sld [smem:$0x3FA8]  }
0x30: {  	s3 =	sld [smem:$0x3FAB]  }
0x31: {  	[smem:$0x3FB4] =	sst s10  }
0x32: {  	s10 =	sld [smem:$0x3FB2];
	_ =	sdelay $0x3  }
0x33: {  	p0 =	seq.s32 s10, $0x1;
	s10 =	sld [smem:$0x3FB4];
	_ =	sdelay $0x3  }
0x34: {  	[smem:$0x3FB4] =	sst s10  }
0x35: {  	s10 =	sld [smem:$0x3FB3];
	_ =	sdelay $0x3  }
0x36: {  	p1 =	seq.s32 s10, $0x1;
	s10 =	sld [smem:$0x3FB4];
	_ =	sdelay $0x3  }
0x37: {  	[smem:$0x3FB4] =	sst s10  }
0x38: {  	s10 =	sld [smem:$0x3FB5]  }
0x39: {  	_ = 	snop;
	(pc) =	sbr.ind lr, $3  }
0x3a: {  	_ = 	snop  }
0x3b: {  	_ = 	snop  }
0x3c: {  	p2 =	seq.s32 s10, $0x1;
	s10 =	sld [smem:$0x3FB4]  }
0x3d: {  	_ =	shalt  }
0x3e: {  	_ =	shalt  }
0x3f: {  	_ =	shalt  }
0x40: {  	_ =	shalt  }
0x41: {  	_ =	shalt  }
0x42: {  	_ =	shalt  }
0x43: {  	_ =	shalt  }
0x44: {  	_ =	shalt  }
0x45: {  	_ =	shalt  }
0x46: {  	_ =	shalt  }
0x47: {  	_ =	shalt  }
0x48: {  	_ =	shalt  }
0x49: {  	_ =	shalt  }
0x4a: {  	_ =	shalt  }
0x4b: {  	_ =	shalt  }
0x4c: {  	_ =	shalt  }
0x4d: {  	_ =	shalt  }
0x4e: {  	_ =	shalt  }
0x4f: {  	_ =	shalt  }
0x50: {  	_ =	shalt  }
0x51: {  	_ =	shalt  }
0x52: {  	_ =	shalt  }
0x53: {  	_ =	shalt  }
0x54: {  	_ =	shalt  }
0x55: {  	_ =	shalt  }
0x56: {  	_ =	shalt  }
0x57: {  	_ =	shalt  }
0x58: {  	_ =	shalt  }
0x59: {  	_ =	shalt  }
0x5a: {  	_ =	shalt  }
0x5b: {  	_ =	shalt  }
0x5c: {  	_ =	shalt  }
0x5d: {  	_ =	shalt  }
0x5e: {  	_ =	shalt  }
0x5f: {  	_ =	shalt  }
0x60: {  	_ =	shalt  }
0x61: {  	_ =	shalt  }
0x62: {  	_ =	shalt  }
0x63: {  	_ =	shalt  }
0x64: {  	_ =	shalt  }
0x65: {  	_ =	shalt  }
0x66: {  	_ =	shalt  }
0x67: {  	_ =	shalt  }
0x68: {  	_ =	shalt  }
0x69: {  	_ =	shalt  }
0x6a: {  	_ =	shalt  }
0x6b: {  	_ =	shalt  }
0x6c: {  	_ =	shalt  }
0x6d: {  	_ =	shalt  }
0x6e: {  	_ =	shalt  }
0x6f: {  	_ =	shalt  }
0x70: {  	_ =	shalt  }
0x71: {  	_ =	shalt  }
0x72: {  	_ =	shalt  }
0x73: {  	_ =	shalt  }
0x74: {  	_ =	shalt  }
0x75: {  	_ =	shalt  }
0x76: {  	_ =	shalt  }
0x77: {  	_ =	shalt  }
0x78: {  	_ =	shalt  }
0x79: {  	_ =	shalt  }
0x7a: {  	_ =	shalt  }
0x7b: {  	_ =	shalt  }
0x7c: {  	_ =	shalt  }
0x7d: {  	_ =	shalt  }
0x7e: {  	_ =	shalt  }
0x7f: {  	_ =	shalt  }
0x80: {  	_ =	shalt  }
0x81: {  	_ =	shalt  }
0x82: {  	_ =	shalt  }
0x83: {  	_ =	shalt  }
0x84: {  	_ =	shalt  }
0x85: {  	_ =	shalt  }
0x86: {  	_ =	shalt  }
0x87: {  	_ =	shalt  }
.Lfunc_end0:
.L_simem_size_0:
called_computation_lowered:
.L_overlay_start_0:
0x88: {  	s2 =	sld [smem:$0x3FD9]  }
0x89: {  	s3 =	sld [smem:$0x3FFE];
	_ =	sdelay $0x1  }
0x8a: {  	s1 =	srdreg.scid  }
0x8b: {  	s0 =	sand.u32 $0x1, s1  }
0x8c: {  	s14 =	sshll.u32 s0, $0xA;
	s2 =	sadd.s32 s3, s2  }
0x8d: {  	s2 =	sadd.s32 s2, s14  }
0x8e: {  	[smem:$0x3FC0] =	sst s2  }
0x8f: {  	_ = 	snop  }
0x90: {  	s2 =	sld [smem:$0x3FD0];
	_ =	sdelay $0x2  }
0x91: {  	s15 =	simm.s32 $0xA;
	s4 =	simm.s32 $0x10  }
0x92: {  	[smem:s4], [sflag:s15] =	dma.local [hbm:s2], $0x1  }
0x93: {  	_ =	swait.eq [sflag:s15], $0x1  }
0x94: {  	[sflag:s15] =	ssyncset.done $0x0  }
0x95: {  	s16 =	sld [smem:$0x10];
	[sflag:s15] =	ssyncadd.s32 $0xFFFFFFFF  }
0x96: {  	s17 =	sld [smem:$0x11];
	(tm) =	ssettm $0x1  }
0x97: {  	s18 =	sld [smem:$0x3FFB];
	_ =	sdelay $0x3  }
0x98: {  	_ =	strace s18  }
0x99: {  	s4 =	sld [smem:$0x3FFC];
	_ =	sdelay $0x3  }
0x9a: {  	_ =	strace s4  }
0x9b: {  	s4 =	sld [smem:$0x3FFD];
	_ =	sdelay $0x3  }
0x9c: {  	_ =	strace s4  }
0x9d: {  	_ =	strace $0x8FFFFFFF  }
0x9e: {  	s19 =	sld [smem:$0x3FDB];
	_ =	sdelay $0x1  }
0x9f: {  	s5 =	simm.s32 $_scs_section_size  }
0xa0: {  	s6 =	simm.s32 $_size__tile_overlayer_lowered;
	s7 =	simm.s32 $_tile_overlayer_lowered  }
0xa1: {  	s22 =	simm.s32 $0x1BFF;
	s21 =	sshll.u32 s7, $0x1;
	s4 =	sadd.s32 s5, s19  }
0xa2: {  	s8 =	simm.s32 $0x0;
	s20 =	sshll.u32 s6, $0x1;
	s6 =	sadd.s32 s21, s4  }
0xa3: {  	[timem:s8], [sflag:s22] =	dma.local [hbm:s6], s20  }
0xa4: {  	_ =	swait.ge [sflag:s22], s20  }
0xa5: {  	s5 =	ssub.s32 $0x0, s20;
	[sflag:s22] =	ssyncset.done $0x0  }
0xa6: {  	[sflag:s22] =	ssyncadd.s32 s5;
	_ =	sdelay $0x1  }
0xa7: {  	s23 =	simm.s32 $0x1B8B  }
0xa8: {  	_ =	swait.ge [sflag:s23], $0x1  }
0xa9: {  	[sflag:s23] =	ssyncset.done $0x0  }
0xaa: {  	s25 =	simm.s32 $0x1B8E;
	s24 =	sld [smem:$0x3FFE];
	[sflag:s23] =	ssyncadd.s32 $0xFFFFFFFF  }
0xab: {  	s26 =	simm.s32 $execute0_lowered;
	[smem:$0x3FD2] =	sst s25  }
0xac: {  	s6 =	sshll.u32 s26, $0x1;
	_ =	strace $0x80000046;
	[dreg:$0x1] =	wrdreg $0xFFFFFFFF  }
0xad: {  	s28 =	simm.s32 $_size_execute0_lowered;
	s4 =	sadd.s32 s4, s6;
	[dreg:$0x0] =	wrdreg $0x0  }
0xae: {  	s6 =	sshll.u32 s28, $0x1;
	[dreg:$0x2] =	wrdreg s4  }
0xaf: {  	[dreg:$0x3] =	wrdreg s6  }
0xb0: {  	[dreg:$0x4] =	wrdreg $0xC0  }
0xb1: {  	_ =	task [dreg:s8], $0x5FFFF  }
0xb2: {  	[dreg:$0x1] =	wrdreg $0xFFFFFFFF  }
0xb3: {  	[dreg:$0x0] =	wrdreg $0x60  }
0xb4: {  	[dreg:$0x2] =	wrdreg s17  }
0xb5: {  	[dreg:$0x3] =	wrdreg s24  }
0xb6: {  	[dreg:$0x4] =	wrdreg s16  }
0xb7: {  	[dreg:$0x5] =	wrdreg $0x0  }
0xb8: {  	[dreg:$0x6] =	wrdreg $0x9  }
0xb9: {  	_ =	task.clear_ibuf [dreg:s8], $0x7FFFF;
	_ =	strace $0x90000046  }
0xba: {  	s29 =	simm.s32 $0x9;
	_ =	strace $0x80000048  }
0xbb: {  	_ =	swait.ge [sflag:s29], $0x1  }
0xbc: {  	[sflag:s29] =	ssyncadd.s32 $0xFFFFFFFF  }
0xbd: {  	_ =	strace $0x90000048  }
0xbe: {  	_ =	sfence  }
0xbf: {  	s30 =	sld [smem:$0x0];
	_ =	sdelay $0x2  }
0xc0: {  	s31 =	sshll.u32 s1, $0xD;
	s1 =	sshrl.u32 s1, $0x2  }
0xc1: {  	s3 =	sand.u32 $0x4000, s31;
	s1 =	sadd.s32 s1, s30  }
0xc2: {  	s0 =	sor.u32 s3, s0;
	s1 =	sshll.u32 s1, $0x11  }
0xc3: {  	s0 =	sor.u32 s1, s0  }
0xc4: {  	s0 =	sadd.s32 $0x8F2B, s0  }
0xc5: {  	[sflag:s0] =	ssyncadd.remote.s32 $0x1  }
0xc6: {  	_ =	sfence.sel $0xFFFF  }
0xc7: {  	[dreg:$0x0] =	wrdreg $0xFFFFFFFF;
	(pc) =	sbr.abs _section_cstart, $3  }
0xc8: {  	[dreg:$0x1] =	wrdreg $0xFFFFFFFF  }
0xc9: {  	_ =	task.clear_ibuf [dreg:s8], $0x2FFFF;
	_ =	strace $0x9FFFFFFF  }
0xca: {  	(tm) =	ssettm $0x7FFFFFFF  }
0xcb: {  	_ =	shalt  }
tec
execute0_lowered:
.L_overlay_start_1:
0x0: {  	(tag) =	ssettag $0x1  }
0x1: {  	s7 =	rddreg [dreg:$0x0]  }
0x2: {  	s6 =	rddreg [dreg:$0x1]  }
0x3: {  	s2 =	rddreg [dreg:$0x2]  }
0x4: {  	s3 =	rddreg [dreg:$0x3]  }
0x5: {  	s0 =	srdreg.scid;
	s1 =	rddreg [dreg:$0x4];
	s4 =	simm.s32 $0x0  }
0x6: {  	s13 =	simm.s32 $0x16400;
	s8 =	sand.u32 $0x1, s0;
	s0 =	stileid.u32  }
0x7: {  	s14 =	simm.s32 $0x80;
	[smem:$0x7FF] =	sst s4;
	s5 =	smul.u32 $0x13C000, s8  }
0x8: {  	s15 =	simm.s32 $0x0;
	s9 =	smul.u32 $0x13C00, s0;
	_ =	strace $0x80000047  }
0x9: {  	s10 =	ssub.s32 $0x2, s8;
	s11 =	smul.u32 $0x4F000, s0;
	s8 =	sshll.u32 s8, $0x4  }
0xa: {  	s12 =	sshll.u32 s0, $0x6;
	s31 =	sshrl.u32 s10, $0x1;
	s8 =	sor.u32 s0, s8  }
0xb: {  	s9 =	sadd.s32 s9, s5;
	s5 =	sadd.s32 $0x2A00, s6;
	s11 =	sshrl.u32 s11, $0x2  }
0xc: {  	s8 =	smul.u32 $0x500, s8;
	s10 =	ssub.s32 s10, s31;
	s9 =	sshrl.u32 s9, $0x3  }
0xd: {  	s11 =	sadd.s32 s11, s3;
	s9 =	sadd.s32 s9, s6;
	s6 =	sor.u32 $0x1C01, s12  }
0xe: {  	s7 =	sadd.s32 s7, s8;
	s12 =	simm.s32 $0x13C00;
	s8 =	sadd.s32 $0x3200, s9  }
0xf: {  	s9 =	smax.u32 s10, $0x1;
	s10 =	sshrl.u32 s11, $0x3;
	s11 =	simm.s32 $0x1  }
.LBB2_1:
0x10: {  	[spmem:s10], [sflag:s6] =	dma.local [hbm:s2], $0x2780  }
0x11: {  	_ =	swait.ge [sflag:s11], $0x2780  }
0x12: {  	[sflag:s11] =	ssyncset.done $0x0  }
0x13: {  	[sflag:s11] =	ssyncadd.s32 $0xFFFFD880  }
0x14: {  	[tilespmem:s12], [sflag:$0x1] =	stream.linear.gather [hbm4b:s7+s4], $0x2800, $0x38;
	[tilespmem:$0x1A400] =	vst v63  }
0x15: {  	_ =	swait.ge [sflag:s11], $0x2800  }
0x16: {  	[sflag:s11] =	ssyncset.done $0x0  }
0x17: {  	[sflag:s11] =	ssyncadd.s32 $0xFFFFD800  }
0x18: {  	[tilespmem:s13], [sflag:$0x1] =	stream.linear.gather [hbm4b:s5+s4], $0x4000, $0x38;
	[tilespmem:$0x1A400] =	vst v63  }
0x19: {  	_ =	swait.ge [sflag:s11], $0x4000  }
0x1a: {  	[sflag:s11] =	ssyncset.done $0x0  }
0x1b: {  	[sflag:s11] =	ssyncadd.s32 $0xFFFFC000  }
0x1c: {  	s16 =	simm.s32 $0x13C00;
	[bflag:$0x0] =	sbarrier.arrive $0xFFFF  }
0x1d: {  	[spmem:s3] =	stream.indirect.scatter.add.f32 [tilespmem:s13], [sflag:$0x1], $0x80, s16, s14, $0xb8;
	[tilespmem:$0x1A400] =	vst v63  }
0x1e: {  	s16 =	simm.s32 $0x200;
	_ =	swait.ge [sflag:s11], $0x4000  }
.LBB2_2:
0x1f: {  	s17 =	sshra.s32 s16, $0x2;
	[sflag:s11] =	ssyncset.done $0x0;
	p0 =	sne.s32 s16, $0x9E00  }
.Ltmp0:
0x20: {  	s17 =	sadd.s32 $0x13C00, s17;
	[sflag:s11] =	ssyncadd.s32 $0xFFFFC000;
	(pc) =	sbr.rel @p0 .LBB2_2-.Ltmp0, $3  }
0x21: {  	[spmem:s3] =	stream.indirect.scatter.add.f32 [tilespmem:s13], [sflag:$0x1], $0x80, s17, s14, $0xb8;
	[tilespmem:$0x1A400] =	vst v63  }
0x22: {  	s16 =	sadd.s32 $0x200, s16;
	_ =	sdelay $0x1  }
0x23: {  	_ =	swait.ge [sflag:s11], $0x4000  }
0x24: {  	[sflag:s11] =	ssyncset.done $0x0;
	s15 =	sadd.s32 $0x1, s15  }
0x25: {  	[sflag:s11] =	ssyncadd.s32 $0xFFFFC000;
	p0 =	sne.s32 s15, s9  }
.Ltmp1:
0x26: {  	[bflag:$0x0] =	sbarrier.arrive $0xFFFF;
	(pc) =	sbr.rel @p0 .LBB2_1-.Ltmp1, $4  }
0x27: {  	[hbm:s8], [sflag:s6] =	dma.local [spmem:s10], $0x2780  }
0x28: {  	_ =	swait.ge [sflag:s11], $0x2780  }
0x29: {  	[sflag:s11] =	ssyncset.done $0x0  }
0x2a: {  	[sflag:s11] =	ssyncadd.s32 $0xFFFFD880  }
0x2b: {  	_ =	sfence.sel $0x180000  }
0x2c: {  	[bflag:$0x0] =	sbarrier.arrive $0xFFFF  }
0x2d: {  	p0 =	sne.s32 s0, $0x0;
	_ =	strace $0x90000047  }
0x2e: {  	s0 =	sadd.s32 @!p0 $0x100000, s1;
	[bflag:$0x2] =	sbarrier.arrive $0xFFFF  }
0x2f: {  	[sflag:s0] =	ssyncadd.tile.s32 @!p0 $0x1;
	_ =	shalt  }
.Lfunc_end2:
_tile_overlayer_lowered:
.L_overlay_start_2:
0x30: {  	(tag) =	ssettag $0x2  }
0x31: {  	s0 =	rddreg [dreg:$0x0];
	s2 =	stileid.u32  }
0x32: {  	s1 =	rddreg [dreg:$0x1];
	p0 =	sne.s32 s2, $0x0  }
0x33: {  	s3 =	rddreg [dreg:$0x2];
	[bflag:$0x3] =	sbarrier.arrive $0xFFFF;
	s2 =	simm.s32 @!p0 $0x1C01  }
0x34: {  	[timem:s3], [sflag:s2] =	dma.local @!p0 [hbm:s0], s1  }
0x35: {  	s0 =	simm.s32 @!p0 $0x1  }
0x36: {  	_ =	swait.ge @!p0 [sflag:s0], s1  }
0x37: {  	s1 =	ssub.s32 @!p0 $0x0, s1;
	[sflag:s0] =	ssyncset.done @!p0 $0x0  }
0x38: {  	[sflag:s0] =	ssyncadd.s32 @!p0 s1  }
0x39: {  	[bflag:$0x3] =	sbarrier.arrive $0xFFFF  }
0x3a: {  	_ =	shalt  }

</sc_bundles>
